<compile_context>
chip_gen: v7x
topology: tpu7x:2x2x1
jax: 0.10.2.dev20260603
libtpu: 0.0.44.dev20260713+nightly
codegen_flags: <defaults>
</compile_context>

<pallas_src>
import functools

import jax
import jax.numpy as jnp
from jax import lax
from jax.experimental import pallas as pl
from jax.experimental.pallas import tpu as pltpu
from jax.experimental.pallas import tpu_sc as plsc

NC = 2
NS = 16
NLANE = 16
NTILES = NC * NS

CHUNK = 128
N_PAD = 10240
BLK = 256


def _round_up(x, m):
    return (x + m - 1) // m * m


def _deg_body(dst_hbm, w_hbm, out_hbm, idx_v, w_v, zbuf, deg_sh, *, rpt):
    c = lax.axis_index("c")
    s = lax.axis_index("s")
    wid = c * NS + s
    per_tile = N_PAD // NS

    def zb(i, _):
        zbuf[pl.ds(i * NLANE, NLANE)] = jnp.zeros((NLANE,), jnp.float32)
        return 0
    lax.fori_loop(0, per_tile // NLANE, zb, 0)
    pltpu.sync_copy(zbuf, deg_sh.at[pl.ds(s * per_tile, per_tile)])
    plsc.subcore_barrier()

    pltpu.sync_copy(dst_hbm.at[pl.ds(wid * rpt, rpt)], idx_v)
    pltpu.sync_copy(w_hbm.at[pl.ds(wid * rpt, rpt)], w_v)

    def row(j, _):
        pltpu.sync_copy(w_v.at[j], deg_sh.at[idx_v.at[j]], add=True)
        return 0
    lax.fori_loop(0, rpt, row, 0)
    plsc.subcore_barrier()

    @pl.when(s == 0)
    def _():
        pltpu.sync_copy(deg_sh, out_hbm.at[c])


def _deg_kernel(dst2d, w2d, rpt):
    mesh = plsc.VectorSubcoreMesh(
        core_axis_name="c", subcore_axis_name="s", num_cores=NC, num_subcores=NS)
    return pl.kernel(
        functools.partial(_deg_body, rpt=rpt),
        out_type=jax.ShapeDtypeStruct((NC, N_PAD), jnp.float32),
        mesh=mesh,
        scratch_types=[
            pltpu.VMEM((rpt, CHUNK), jnp.int32),
            pltpu.VMEM((rpt, CHUNK), jnp.float32),
            pltpu.VMEM((N_PAD // NS,), jnp.float32),
            pltpu.VMEM_SHARED((N_PAD,), jnp.float32),
        ],
    )(dst2d, w2d)


def _gmat_body(h_ref, w_ref, degp_ref, g_ref):
    deg = degp_ref[0, :] + degp_ref[1, :]
    r = lax.rsqrt(jnp.maximum(deg, 1e-6))
    g_ref[...] = lax.dot_general(
        h_ref[...] * r[:, None], w_ref[...],
        (((1,), (1,)), ((), ())), preferred_element_type=jnp.float32)


def _gmat(h_pad, W, deg_parts):
    grid = N_PAD // BLK
    return pl.pallas_call(
        _gmat_body,
        grid=(grid,),
        in_specs=[
            pl.BlockSpec((BLK, 128), lambda i: (i, 0)),
            pl.BlockSpec((128, 128), lambda i: (0, 0)),
            pl.BlockSpec((NC, BLK), lambda i: (0, i)),
        ],
        out_specs=pl.BlockSpec((BLK, 128), lambda i: (i, 0)),
        out_shape=jax.ShapeDtypeStruct((N_PAD, 128), jnp.float32),
    )(h_pad, W, deg_parts)


def _scat_body(g_hbm, src_hbm, dst_hbm, w_hbm, out_hbm,
               src_v, dst_v, w_v, rows_v, zbuf, c_sh, *, rpt):
    c = lax.axis_index("c")
    s = lax.axis_index("s")
    wid = c * NS + s
    per_tile = N_PAD // NS
    zrows = 16
    half = rpt // 2

    def zb(i, _):
        zbuf[i >> 3, pl.ds((i & 7) * NLANE, NLANE)] = jnp.zeros((NLANE,), jnp.float32)
        return 0
    lax.fori_loop(0, zrows * 8, zb, 0)

    def zc(k, _):
        pltpu.sync_copy(zbuf, c_sh.at[pl.ds(s * per_tile + k * zrows, zrows)])
        return 0
    lax.fori_loop(0, per_tile // zrows, zc, 0)
    plsc.subcore_barrier()

    def stage(st, _):
        base = wid * rpt + st * half
        pltpu.sync_copy(src_hbm.at[pl.ds(base, half)], src_v)
        pltpu.sync_copy(dst_hbm.at[pl.ds(base, half)], dst_v)
        pltpu.sync_copy(w_hbm.at[pl.ds(base, half)], w_v)

        def row(j, _):
            pltpu.sync_copy(g_hbm.at[src_v.at[j]], rows_v)

            def egroup(g, _):
                wv = w_v[j, pl.ds(g * NLANE, NLANE)]
                for e in range(NLANE):
                    sc = wv[e]
                    row_i = g * NLANE + e
                    for cc in range(8):
                        sl = pl.ds(cc * NLANE, NLANE)
                        rows_v[row_i, sl] = rows_v[row_i, sl] * sc
                return 0
            lax.fori_loop(0, CHUNK // NLANE, egroup, 0)
            pltpu.sync_copy(rows_v, c_sh.at[dst_v.at[j]], add=True)
            return 0
        lax.fori_loop(0, half, row, 0)
        return 0
    lax.fori_loop(0, 2, stage, 0)
    plsc.subcore_barrier()

    pltpu.sync_copy(c_sh.at[pl.ds(s * per_tile, per_tile)],
                    out_hbm.at[c, pl.ds(s * per_tile, per_tile)])


def _scat_kernel(g, src2d, dst2d, w2d, rpt):
    mesh = plsc.VectorSubcoreMesh(
        core_axis_name="c", subcore_axis_name="s", num_cores=NC, num_subcores=NS)
    return pl.kernel(
        functools.partial(_scat_body, rpt=rpt),
        out_type=jax.ShapeDtypeStruct((NC, N_PAD, 128), jnp.float32),
        mesh=mesh,
        scratch_types=[
            pltpu.VMEM((rpt // 2, CHUNK), jnp.int32),
            pltpu.VMEM((rpt // 2, CHUNK), jnp.int32),
            pltpu.VMEM((rpt // 2, CHUNK), jnp.float32),
            pltpu.VMEM((CHUNK, 128), jnp.float32),
            pltpu.VMEM((16, 128), jnp.float32),
            pltpu.VMEM_SHARED((N_PAD, 128), jnp.float32),
        ],
    )(g, src2d, dst2d, w2d)


def _final_body(cparts_ref, degp_ref, out_ref):
    deg = degp_ref[0, :] + degp_ref[1, :]
    r = lax.rsqrt(jnp.maximum(deg, 1e-6))
    out_ref[...] = (cparts_ref[0] + cparts_ref[1]) * r[:, None]


def _final(cparts, deg_parts):
    grid = N_PAD // BLK
    return pl.pallas_call(
        _final_body,
        grid=(grid,),
        in_specs=[
            pl.BlockSpec((NC, BLK, 128), lambda i: (0, i, 0)),
            pl.BlockSpec((NC, BLK), lambda i: (0, i)),
        ],
        out_specs=pl.BlockSpec((BLK, 128), lambda i: (i, 0)),
        out_shape=jax.ShapeDtypeStruct((N_PAD, 128), jnp.float32),
    )(cparts, deg_parts)


def kernel(H, edge_index, edge_weight, W):
    N, D = H.shape
    E = edge_weight.shape[0]
    src = edge_index[0].astype(jnp.int32)
    dst = edge_index[1].astype(jnp.int32)
    w = edge_weight.astype(jnp.float32)

    ep = _round_up(E, NTILES * CHUNK * 8)
    rpt = ep // (NTILES * CHUNK)
    pad = ep - E
    if pad:
        pad_idx = jnp.arange(pad, dtype=jnp.int32) % N
        src = jnp.concatenate([src, pad_idx])
        dst = jnp.concatenate([dst, pad_idx])
        w = jnp.concatenate([w, jnp.zeros((pad,), jnp.float32)])
    src2d = src.reshape(ep // CHUNK, CHUNK)
    dst2d = dst.reshape(ep // CHUNK, CHUNK)
    w2d = w.reshape(ep // CHUNK, CHUNK)

    h_pad = jnp.concatenate(
        [H, jnp.zeros((N_PAD - N, D), jnp.float32)], axis=0)

    deg_parts = _deg_kernel(dst2d, w2d, rpt)
    g = _gmat(h_pad, W, deg_parts)
    cparts = _scat_kernel(g, src2d, dst2d, w2d, rpt)
    out = _final(cparts, deg_parts)
    return out[:N]

# --- scband reference (transcript-rebuilt; emitter-appended) ---
"""Pipeline reference for scband-weighted-gcnlayer-48129403519265 (READ-ONLY COPY).

The authoritative reference and input builder live on the scoring server;
editing this copy changes nothing except your own understanding.
"""

import jax, jax.numpy as jnp
import numpy as np

DIM = 128
N_NODES = 10000
N_EDGES = 320000


def setup_inputs(seed: int = 0) -> dict:
    key = jax.random.key(seed)
    k1, k2, k3, k4 = jax.random.split(key, 4)
    H = jax.random.normal(k1, (N_NODES, DIM), dtype=jnp.float32)
    edge_index = jax.random.randint(k2, (2, N_EDGES), 0, N_NODES, dtype=jnp.int64)
    edge_weight = jax.random.uniform(k3, (N_EDGES,), dtype=jnp.float32)
    # nn.Linear(dim, dim, bias=False) weight: [out, in], kaiming-uniform-ish init
    bound = 1.0 / np.sqrt(DIM)
    W = jax.random.uniform(k4, (DIM, DIM), dtype=jnp.float32, minval=-bound, maxval=bound)
    return {"H": H, "edge_index": edge_index, "edge_weight": edge_weight, "W": W}


def reference(H, edge_index, edge_weight, W):
    src = edge_index[0]
    dst = edge_index[1]
    N = H.shape[0]
    # deg via scatter-add of edge weights onto dst
    deg = jnp.zeros((N,), dtype=H.dtype).at[dst].add(edge_weight)
    deg = jnp.maximum(deg, 1e-06)
    # symmetric normalization per edge
    norm = edge_weight / jnp.maximum(jnp.sqrt(deg[dst] * deg[src]), 1e-06)
    # gather src features, linear transform (x @ W.T matches nn.Linear), scale
    msg = (H[src] @ W.T) * norm[:, None]
    # scatter-add messages onto dst
    out = jnp.zeros_like(H).at[dst].add(msg)
    return out

if __name__ == "__main__":
    import jax
    _d = setup_inputs()
    print(jax.jit(kernel)(*tuple(_d.values())))

</pallas_src>

<mosaic_0001>
#map = affine_map<(d0, d1) -> (0, 0)>
module attributes {stable_mosaic.version = 14 : i64} {
  func.func @_deg_body(%arg0: i32, %arg1: i32, %arg2: memref<2560x128xi32, #tpu.memory_space<hbm>>, %arg3: memref<2560x128xf32, #tpu.memory_space<hbm>>, %arg4: memref<2x10240xf32, #tpu.memory_space<hbm>>, %arg5: memref<80x128xi32, #tpu.memory_space<vmem>>, %arg6: memref<80x128xf32, #tpu.memory_space<vmem>>, %arg7: memref<640xf32, #tpu.memory_space<vmem>>, %arg8: memref<10240xf32, #tpu.memory_space<vmem_shared>>) attributes {dimension_semantics = [#tpu.dimension_semantics<core_parallel>, #tpu.dimension_semantics<subcore_parallel>], iteration_bounds = array<i64: 2, 16>, scalar_prefetch = 0 : i64, scratch_operands = 4 : i64, tpu.core_type = #tpu.core_type<sc_vector_subcore>, window_params = [{transform_indices = #map}, {transform_indices = #map}, {transform_indices = #map}]} {
    %mul3A = arith.constant 16 : i32
    %mul3A_0 = arith.muli %arg0, %mul3A : i32
    %add3A = arith.addi %mul3A_0, %arg1 : i32
    %scan3A = arith.constant 0 : i32
    %scan3A_1 = arith.constant 0 : i32
    %scan3A_2 = arith.constant 40 : i32
    %scan3A_3 = arith.addi %scan3A_1, %scan3A_2 : i32
    %scan3A_4 = arith.constant 1 : i32
    %scan3A_5 = scf.for %scan3A_23 = %scan3A_1 to %scan3A_3 step %scan3A_4 iter_args(%scan3A_24 = %scan3A) -> (i32)  : i32 {
      %broadcast_in_dim3A = arith.constant 0.000000e+00 : f32
      %broadcast_in_dim3A_25 = vector.broadcast %broadcast_in_dim3A : f32 to vector<16xf32>
      %mul3A_26 = arith.constant 16 : i32
      %mul3A_27 = arith.muli %scan3A_23, %mul3A_26 : i32
      %swap3A = arith.index_cast %mul3A_27 : i32 to index
      %swap3A_28 = tpu.vector_load %arg7[%swap3A] {strides = array<i32>} : memref<640xf32, #tpu.memory_space<vmem>>, vector<16xf32>,
      %swap3A_29 = vector.shape_cast %swap3A_28 : vector<16xf32> to vector<16xf32>
      %swap3A_30 = vector.shape_cast %broadcast_in_dim3A_25 : vector<16xf32> to vector<16xf32>
      tpu.vector_store %arg7[%swap3A], %swap3A_30 {strides = array<i32>} : memref<640xf32, #tpu.memory_space<vmem>>, vector<16xf32>,
      %scan3A_31 = arith.constant 0 : i32
      scf.yield %scan3A_31 : i32
    }
    %scan3A_6 = arith.constant 40 : i32
    %mul3A_7 = arith.constant 640 : i32
    %mul3A_8 = arith.muli %arg1, %mul3A_7 : i32
    "tpu.region"() ({
      %run_scoped3A = tpu.sem_alloc : memref<!tpu.dma_semaphore, #tpu.memory_space<semaphore_mem>>
      %dma_start3A = tpu.memref_slice %arg8[%mul3A_8] : memref<10240xf32, #tpu.memory_space<vmem_shared>> -> memref<640xf32, #tpu.memory_space<vmem_shared>>
      %dma_start3A_23 = tpu.memref_slice %arg8[%mul3A_8] : memref<10240xf32, #tpu.memory_space<vmem_shared>> -> memref<640xf32, #tpu.memory_space<vmem_shared>>
      tpu.enqueue_dma source(%arg7 : memref<640xf32, #tpu.memory_space<vmem>>) target(%dma_start3A_23 : memref<640xf32, #tpu.memory_space<vmem_shared>>) target_semaphore(%run_scoped3A : memref<!tpu.dma_semaphore, #tpu.memory_space<semaphore_mem>>)
      %dma_wait3A = tpu.memref_slice %arg8[%mul3A_8] : memref<10240xf32, #tpu.memory_space<vmem_shared>> -> memref<640xf32, #tpu.memory_space<vmem_shared>>
      %dma_wait3A_24 = tpu.memref_slice %arg8[%mul3A_8] : memref<10240xf32, #tpu.memory_space<vmem_shared>> -> memref<640xf32, #tpu.memory_space<vmem_shared>>
      tpu.wait_dma2 semaphore(%run_scoped3A : memref<!tpu.dma_semaphore, #tpu.memory_space<semaphore_mem>>) src(%arg7 : memref<640xf32, #tpu.memory_space<vmem>>) dst(%dma_wait3A_24 : memref<640xf32, #tpu.memory_space<vmem_shared>>)
      tpu.yield
    }) : () -> ()
    %barrier3A = arith.constant 0 : index
    tpu.barrier barrier_id(%barrier3A)
    %mul3A_9 = arith.constant 80 : i32
    %mul3A_10 = arith.muli %add3A, %mul3A_9 : i32
    "tpu.region"() ({
      %run_scoped3A = tpu.sem_alloc : memref<!tpu.dma_semaphore, #tpu.memory_space<semaphore_mem>>
      %dma_start3A = arith.constant 0 : i32
      %dma_start3A_23 = tpu.memref_slice %arg2[%mul3A_10, %dma_start3A] : memref<2560x128xi32, #tpu.memory_space<hbm>> -> memref<80x128xi32, #tpu.memory_space<hbm>>
      %dma_start3A_24 = arith.constant 0 : i32
      %dma_start3A_25 = tpu.memref_slice %arg2[%mul3A_10, %dma_start3A_24] : memref<2560x128xi32, #tpu.memory_space<hbm>> -> memref<80x128xi32, #tpu.memory_space<hbm>>
      tpu.enqueue_dma source(%dma_start3A_25 : memref<80x128xi32, #tpu.memory_space<hbm>>) target(%arg5 : memref<80x128xi32, #tpu.memory_space<vmem>>) target_semaphore(%run_scoped3A : memref<!tpu.dma_semaphore, #tpu.memory_space<semaphore_mem>>)
      %dma_wait3A = arith.constant 0 : i32
      %dma_wait3A_26 = tpu.memref_slice %arg2[%mul3A_10, %dma_wait3A] : memref<2560x128xi32, #tpu.memory_space<hbm>> -> memref<80x128xi32, #tpu.memory_space<hbm>>
      %dma_wait3A_27 = arith.constant 0 : i32
      %dma_wait3A_28 = tpu.memref_slice %arg2[%mul3A_10, %dma_wait3A_27] : memref<2560x128xi32, #tpu.memory_space<hbm>> -> memref<80x128xi32, #tpu.memory_space<hbm>>
      tpu.wait_dma2 semaphore(%run_scoped3A : memref<!tpu.dma_semaphore, #tpu.memory_space<semaphore_mem>>) src(%dma_wait3A_28 : memref<80x128xi32, #tpu.memory_space<hbm>>) dst(%arg5 : memref<80x128xi32, #tpu.memory_space<vmem>>)
      tpu.yield
    }) : () -> ()
    %mul3A_11 = arith.constant 80 : i32
    %mul3A_12 = arith.muli %add3A, %mul3A_11 : i32
    "tpu.region"() ({
      %run_scoped3A = tpu.sem_alloc : memref<!tpu.dma_semaphore, #tpu.memory_space<semaphore_mem>>
      %dma_start3A = arith.constant 0 : i32
      %dma_start3A_23 = tpu.memref_slice %arg3[%mul3A_12, %dma_start3A] : memref<2560x128xf32, #tpu.memory_space<hbm>> -> memref<80x128xf32, #tpu.memory_space<hbm>>
      %dma_start3A_24 = arith.constant 0 : i32
      %dma_start3A_25 = tpu.memref_slice %arg3[%mul3A_12, %dma_start3A_24] : memref<2560x128xf32, #tpu.memory_space<hbm>> -> memref<80x128xf32, #tpu.memory_space<hbm>>
      tpu.enqueue_dma source(%dma_start3A_25 : memref<80x128xf32, #tpu.memory_space<hbm>>) target(%arg6 : memref<80x128xf32, #tpu.memory_space<vmem>>) target_semaphore(%run_scoped3A : memref<!tpu.dma_semaphore, #tpu.memory_space<semaphore_mem>>)
      %dma_wait3A = arith.constant 0 : i32
      %dma_wait3A_26 = tpu.memref_slice %arg3[%mul3A_12, %dma_wait3A] : memref<2560x128xf32, #tpu.memory_space<hbm>> -> memref<80x128xf32, #tpu.memory_space<hbm>>
      %dma_wait3A_27 = arith.constant 0 : i32
      %dma_wait3A_28 = tpu.memref_slice %arg3[%mul3A_12, %dma_wait3A_27] : memref<2560x128xf32, #tpu.memory_space<hbm>> -> memref<80x128xf32, #tpu.memory_space<hbm>>
      tpu.wait_dma2 semaphore(%run_scoped3A : memref<!tpu.dma_semaphore, #tpu.memory_space<semaphore_mem>>) src(%dma_wait3A_28 : memref<80x128xf32, #tpu.memory_space<hbm>>) dst(%arg6 : memref<80x128xf32, #tpu.memory_space<vmem>>)
      tpu.yield
    }) : () -> ()
    %scan3A_13 = arith.constant 0 : i32
    %scan3A_14 = arith.constant 0 : i32
    %scan3A_15 = arith.constant 80 : i32
    %scan3A_16 = arith.addi %scan3A_14, %scan3A_15 : i32
    %scan3A_17 = arith.constant 1 : i32
    %scan3A_18 = scf.for %scan3A_23 = %scan3A_14 to %scan3A_16 step %scan3A_17 iter_args(%scan3A_24 = %scan3A_13) -> (i32)  : i32 {
      "tpu.region"() ({
        %run_scoped3A = tpu.sem_alloc : memref<!tpu.dma_semaphore, #tpu.memory_space<semaphore_mem>>
        %dma_start3A = arith.constant 0 : i32
        %dma_start3A_26 = tpu.memref_slice %arg6[%scan3A_23, %dma_start3A] : memref<80x128xf32, #tpu.memory_space<vmem>> -> memref<1x128xf32, #tpu.memory_space<vmem>>
        %dma_start3A_27 = tpu.memref_squeeze %dma_start3A_26 : memref<1x128xf32, #tpu.memory_space<vmem>> -> memref<128xf32, #tpu.memory_space<vmem>>
        %dma_start3A_28 = arith.constant 0 : i32
        %dma_start3A_29 = tpu.memref_slice %arg5[%scan3A_23, %dma_start3A_28] : memref<80x128xi32, #tpu.memory_space<vmem>> -> memref<1x128xi32, #tpu.memory_space<vmem>>
        %dma_start3A_30 = tpu.memref_squeeze %dma_start3A_29 : memref<1x128xi32, #tpu.memory_space<vmem>> -> memref<128xi32, #tpu.memory_space<vmem>>
        %dma_start3A_31 = arith.constant 0 : i32
        %dma_start3A_32 = tpu.memref_slice %arg8[%dma_start3A_31] : memref<10240xf32, #tpu.memory_space<vmem_shared>> -> memref<10240xf32, #tpu.memory_space<vmem_shared>>
        tpu.enqueue_indirect_dma source(%dma_start3A_27 : memref<128xf32, #tpu.memory_space<vmem>>) target(%dma_start3A_32 : memref<10240xf32, #tpu.memory_space<vmem_shared>>) offsets(%dma_start3A_30 : memref<128xi32, #tpu.memory_space<vmem>>) semaphore(%run_scoped3A : memref<!tpu.dma_semaphore, #tpu.memory_space<semaphore_mem>>) {add = true}
        %dma_wait3A = arith.constant 0 : i32
        %dma_wait3A_33 = tpu.memref_slice %arg6[%scan3A_23, %dma_wait3A] : memref<80x128xf32, #tpu.memory_space<vmem>> -> memref<1x128xf32, #tpu.memory_space<vmem>>
        %dma_wait3A_34 = tpu.memref_squeeze %dma_wait3A_33 : memref<1x128xf32, #tpu.memory_space<vmem>> -> memref<128xf32, #tpu.memory_space<vmem>>
        %dma_wait3A_35 = arith.constant 0 : i32
        %dma_wait3A_36 = tpu.memref_slice %arg5[%scan3A_23, %dma_wait3A_35] : memref<80x128xi32, #tpu.memory_space<vmem>> -> memref<1x128xi32, #tpu.memory_space<vmem>>
        %dma_wait3A_37 = tpu.memref_squeeze %dma_wait3A_36 : memref<1x128xi32, #tpu.memory_space<vmem>> -> memref<128xi32, #tpu.memory_space<vmem>>
        %dma_wait3A_38 = arith.constant 0 : i32
        %dma_wait3A_39 = tpu.memref_slice %arg8[%dma_wait3A_38] : memref<10240xf32, #tpu.memory_space<vmem_shared>> -> memref<10240xf32, #tpu.memory_space<vmem_shared>>
        tpu.wait_indirect_dma semaphore(%run_scoped3A : memref<!tpu.dma_semaphore, #tpu.memory_space<semaphore_mem>>) src(%dma_wait3A_34 : memref<128xf32, #tpu.memory_space<vmem>>) dst(%dma_wait3A_39 : memref<10240xf32, #tpu.memory_space<vmem_shared>>)
        tpu.yield
      }) : () -> ()
      %scan3A_25 = arith.constant 0 : i32
      scf.yield %scan3A_25 : i32
    }
    %scan3A_19 = arith.constant 80 : i32
    %barrier3A_20 = arith.constant 0 : index
    tpu.barrier barrier_id(%barrier3A_20)
    %eq3A = arith.constant 0 : i32
    %eq3A_21 = arith.cmpi eq, %arg1, %eq3A : i32
    %convert_element_type3A = arith.extui %eq3A_21 : i1 to i32
    %cond3A = arith.constant 0 : i32
    %cond3A_22 = arith.cmpi ne, %convert_element_type3A, %cond3A : i32
    scf.if %cond3A_22 {
      "tpu.region"() ({
        %run_scoped3A = tpu.sem_alloc : memref<!tpu.dma_semaphore, #tpu.memory_space<semaphore_mem>>
        %dma_start3A = arith.constant 0 : i32
        %dma_start3A_23 = tpu.memref_slice %arg4[%arg0, %dma_start3A] : memref<2x10240xf32, #tpu.memory_space<hbm>> -> memref<1x10240xf32, #tpu.memory_space<hbm>>
        %dma_start3A_24 = tpu.memref_squeeze %dma_start3A_23 : memref<1x10240xf32, #tpu.memory_space<hbm>> -> memref<10240xf32, #tpu.memory_space<hbm>>
        tpu.enqueue_dma source(%arg8 : memref<10240xf32, #tpu.memory_space<vmem_shared>>) target(%dma_start3A_24 : memref<10240xf32, #tpu.memory_space<hbm>>) target_semaphore(%run_scoped3A : memref<!tpu.dma_semaphore, #tpu.memory_space<semaphore_mem>>)
        %dma_wait3A = arith.constant 0 : i32
        %dma_wait3A_25 = tpu.memref_slice %arg4[%arg0, %dma_wait3A] : memref<2x10240xf32, #tpu.memory_space<hbm>> -> memref<1x10240xf32, #tpu.memory_space<hbm>>
        %dma_wait3A_26 = tpu.memref_squeeze %dma_wait3A_25 : memref<1x10240xf32, #tpu.memory_space<hbm>> -> memref<10240xf32, #tpu.memory_space<hbm>>
        tpu.wait_dma2 semaphore(%run_scoped3A : memref<!tpu.dma_semaphore, #tpu.memory_space<semaphore_mem>>) src(%arg8 : memref<10240xf32, #tpu.memory_space<vmem_shared>>) dst(%dma_wait3A_26 : memref<10240xf32, #tpu.memory_space<hbm>>)
        tpu.yield
      }) : () -> ()
    } else {
    }
    return
  }
}

#map = affine_map<(d0, d1) -> (0, 0)>
#map1 = affine_map<(d0, d1) -> (0, 0, 0)>
module attributes {stable_mosaic.version = 14 : i64} {
  func.func @_scat_body(%arg0: i32, %arg1: i32, %arg2: memref<10240x128xf32, #tpu.memory_space<hbm>>, %arg3: memref<2560x128xi32, #tpu.memory_space<hbm>>, %arg4: memref<2560x128xi32, #tpu.memory_space<hbm>>, %arg5: memref<2560x128xf32, #tpu.memory_space<hbm>>, %arg6: memref<2x10240x128xf32, #tpu.memory_space<hbm>>, %arg7: memref<40x128xi32, #tpu.memory_space<vmem>>, %arg8: memref<40x128xi32, #tpu.memory_space<vmem>>, %arg9: memref<40x128xf32, #tpu.memory_space<vmem>>, %arg10: memref<128x128xf32, #tpu.memory_space<vmem>>, %arg11: memref<16x128xf32, #tpu.memory_space<vmem>>, %arg12: memref<10240x128xf32, #tpu.memory_space<vmem_shared>>) attributes {dimension_semantics = [#tpu.dimension_semantics<core_parallel>, #tpu.dimension_semantics<subcore_parallel>], iteration_bounds = array<i64: 2, 16>, scalar_prefetch = 0 : i64, scratch_operands = 6 : i64, tpu.core_type = #tpu.core_type<sc_vector_subcore>, window_params = [{transform_indices = #map}, {transform_indices = #map}, {transform_indices = #map}, {transform_indices = #map}, {transform_indices = #map1}]} {
    %mul3A = arith.constant 16 : i32
    %mul3A_0 = arith.muli %arg0, %mul3A : i32
    %add3A = arith.addi %mul3A_0, %arg1 : i32
    %scan3A = arith.constant 0 : i32
    %scan3A_1 = arith.constant 0 : i32
    %scan3A_2 = arith.constant 128 : i32
    %scan3A_3 = arith.addi %scan3A_1, %scan3A_2 : i32
    %scan3A_4 = arith.constant 1 : i32
    %scan3A_5 = scf.for %scan3A_26 = %scan3A_1 to %scan3A_3 step %scan3A_4 iter_args(%scan3A_27 = %scan3A) -> (i32)  : i32 {
      %broadcast_in_dim3A = arith.constant 0.000000e+00 : f32
      %broadcast_in_dim3A_28 = vector.broadcast %broadcast_in_dim3A : f32 to vector<16xf32>
      %shift_right_arithmetic3A = arith.constant 3 : i32
      %shift_right_arithmetic3A_29 = arith.shrsi %scan3A_26, %shift_right_arithmetic3A : i32
      %and3A = arith.constant 7 : i32
      %and3A_30 = arith.andi %scan3A_26, %and3A : i32
      %mul3A_31 = arith.constant 16 : i32
      %mul3A_32 = arith.muli %and3A_30, %mul3A_31 : i32
      %swap3A = arith.index_cast %shift_right_arithmetic3A_29 : i32 to index
      %swap3A_33 = arith.index_cast %mul3A_32 : i32 to index
      %swap3A_34 = tpu.vector_load %arg11[%swap3A, %swap3A_33] {strides = array<i32>} : memref<16x128xf32, #tpu.memory_space<vmem>>, vector<1x16xf32>,
      %swap3A_35 = vector.shape_cast %swap3A_34 : vector<1x16xf32> to vector<16xf32>
      %swap3A_36 = vector.shape_cast %broadcast_in_dim3A_28 : vector<16xf32> to vector<1x16xf32>
      tpu.vector_store %arg11[%swap3A, %swap3A_33], %swap3A_36 {strides = array<i32>} : memref<16x128xf32, #tpu.memory_space<vmem>>, vector<1x16xf32>,
      %scan3A_37 = arith.constant 0 : i32
      scf.yield %scan3A_37 : i32
    }
    %scan3A_6 = arith.constant 128 : i32
    %scan3A_7 = arith.constant 0 : i32
    %scan3A_8 = arith.constant 0 : i32
    %scan3A_9 = arith.constant 40 : i32
    %scan3A_10 = arith.addi %scan3A_8, %scan3A_9 : i32
    %scan3A_11 = arith.constant 1 : i32
    %scan3A_12 = scf.for %scan3A_26 = %scan3A_8 to %scan3A_10 step %scan3A_11 iter_args(%scan3A_27 = %scan3A_7) -> (i32)  : i32 {
      %mul3A_28 = arith.constant 640 : i32
      %mul3A_29 = arith.muli %arg1, %mul3A_28 : i32
      %mul3A_30 = arith.constant 16 : i32
      %mul3A_31 = arith.muli %scan3A_26, %mul3A_30 : i32
      %add3A_32 = arith.addi %mul3A_29, %mul3A_31 : i32
      "tpu.region"() ({
        %run_scoped3A = tpu.sem_alloc : memref<!tpu.dma_semaphore, #tpu.memory_space<semaphore_mem>>
        %dma_start3A = arith.constant 0 : i32
        %dma_start3A_34 = tpu.memref_slice %arg12[%add3A_32, %dma_start3A] : memref<10240x128xf32, #tpu.memory_space<vmem_shared>> -> memref<16x128xf32, #tpu.memory_space<vmem_shared>>
        %dma_start3A_35 = arith.constant 0 : i32
        %dma_start3A_36 = tpu.memref_slice %arg12[%add3A_32, %dma_start3A_35] : memref<10240x128xf32, #tpu.memory_space<vmem_shared>> -> memref<16x128xf32, #tpu.memory_space<vmem_shared>>
        tpu.enqueue_dma source(%arg11 : memref<16x128xf32, #tpu.memory_space<vmem>>) target(%dma_start3A_36 : memref<16x128xf32, #tpu.memory_space<vmem_shared>>) target_semaphore(%run_scoped3A : memref<!tpu.dma_semaphore, #tpu.memory_space<semaphore_mem>>)
        %dma_wait3A = arith.constant 0 : i32
        %dma_wait3A_37 = tpu.memref_slice %arg12[%add3A_32, %dma_wait3A] : memref<10240x128xf32, #tpu.memory_space<vmem_shared>> -> memref<16x128xf32, #tpu.memory_space<vmem_shared>>
        %dma_wait3A_38 = arith.constant 0 : i32
        %dma_wait3A_39 = tpu.memref_slice %arg12[%add3A_32, %dma_wait3A_38] : memref<10240x128xf32, #tpu.memory_space<vmem_shared>> -> memref<16x128xf32, #tpu.memory_space<vmem_shared>>
        tpu.wait_dma2 semaphore(%run_scoped3A : memref<!tpu.dma_semaphore, #tpu.memory_space<semaphore_mem>>) src(%arg11 : memref<16x128xf32, #tpu.memory_space<vmem>>) dst(%dma_wait3A_39 : memref<16x128xf32, #tpu.memory_space<vmem_shared>>)
        tpu.yield
      }) : () -> ()
      %scan3A_33 = arith.constant 0 : i32
      scf.yield %scan3A_33 : i32
    }
    %scan3A_13 = arith.constant 40 : i32
    %barrier3A = arith.constant 0 : index
    tpu.barrier barrier_id(%barrier3A)
    %scan3A_14 = arith.constant 0 : i32
    %scan3A_15 = arith.constant 0 : i32
    %scan3A_16 = arith.constant 2 : i32
    %scan3A_17 = arith.addi %scan3A_15, %scan3A_16 : i32
    %scan3A_18 = arith.constant 1 : i32
    %scan3A_19 = scf.for %scan3A_26 = %scan3A_15 to %scan3A_17 step %scan3A_18 iter_args(%scan3A_27 = %scan3A_14) -> (i32)  : i32 {
      %mul3A_28 = arith.constant 80 : i32
      %mul3A_29 = arith.muli %add3A, %mul3A_28 : i32
      %mul3A_30 = arith.constant 40 : i32
      %mul3A_31 = arith.muli %scan3A_26, %mul3A_30 : i32
      %add3A_32 = arith.addi %mul3A_29, %mul3A_31 : i32
      "tpu.region"() ({
        %run_scoped3A = tpu.sem_alloc : memref<!tpu.dma_semaphore, #tpu.memory_space<semaphore_mem>>
        %dma_start3A = arith.constant 0 : i32
        %dma_start3A_41 = tpu.memref_slice %arg3[%add3A_32, %dma_start3A] : memref<2560x128xi32, #tpu.memory_space<hbm>> -> memref<40x128xi32, #tpu.memory_space<hbm>>
        %dma_start3A_42 = arith.constant 0 : i32
        %dma_start3A_43 = tpu.memref_slice %arg3[%add3A_32, %dma_start3A_42] : memref<2560x128xi32, #tpu.memory_space<hbm>> -> memref<40x128xi32, #tpu.memory_space<hbm>>
        tpu.enqueue_dma source(%dma_start3A_43 : memref<40x128xi32, #tpu.memory_space<hbm>>) target(%arg7 : memref<40x128xi32, #tpu.memory_space<vmem>>) target_semaphore(%run_scoped3A : memref<!tpu.dma_semaphore, #tpu.memory_space<semaphore_mem>>)
        %dma_wait3A = arith.constant 0 : i32
        %dma_wait3A_44 = tpu.memref_slice %arg3[%add3A_32, %dma_wait3A] : memref<2560x128xi32, #tpu.memory_space<hbm>> -> memref<40x128xi32, #tpu.memory_space<hbm>>
        %dma_wait3A_45 = arith.constant 0 : i32
        %dma_wait3A_46 = tpu.memref_slice %arg3[%add3A_32, %dma_wait3A_45] : memref<2560x128xi32, #tpu.memory_space<hbm>> -> memref<40x128xi32, #tpu.memory_space<hbm>>
        tpu.wait_dma2 semaphore(%run_scoped3A : memref<!tpu.dma_semaphore, #tpu.memory_space<semaphore_mem>>) src(%dma_wait3A_46 : memref<40x128xi32, #tpu.memory_space<hbm>>) dst(%arg7 : memref<40x128xi32, #tpu.memory_space<vmem>>)
        tpu.yield
      }) : () -> ()
      "tpu.region"() ({
        %run_scoped3A = tpu.sem_alloc : memref<!tpu.dma_semaphore, #tpu.memory_space<semaphore_mem>>
        %dma_start3A = arith.constant 0 : i32
        %dma_start3A_41 = tpu.memref_slice %arg4[%add3A_32, %dma_start3A] : memref<2560x128xi32, #tpu.memory_space<hbm>> -> memref<40x128xi32, #tpu.memory_space<hbm>>
        %dma_start3A_42 = arith.constant 0 : i32
        %dma_start3A_43 = tpu.memref_slice %arg4[%add3A_32, %dma_start3A_42] : memref<2560x128xi32, #tpu.memory_space<hbm>> -> memref<40x128xi32, #tpu.memory_space<hbm>>
        tpu.enqueue_dma source(%dma_start3A_43 : memref<40x128xi32, #tpu.memory_space<hbm>>) target(%arg8 : memref<40x128xi32, #tpu.memory_space<vmem>>) target_semaphore(%run_scoped3A : memref<!tpu.dma_semaphore, #tpu.memory_space<semaphore_mem>>)
        %dma_wait3A = arith.constant 0 : i32
        %dma_wait3A_44 = tpu.memref_slice %arg4[%add3A_32, %dma_wait3A] : memref<2560x128xi32, #tpu.memory_space<hbm>> -> memref<40x128xi32, #tpu.memory_space<hbm>>
        %dma_wait3A_45 = arith.constant 0 : i32
        %dma_wait3A_46 = tpu.memref_slice %arg4[%add3A_32, %dma_wait3A_45] : memref<2560x128xi32, #tpu.memory_space<hbm>> -> memref<40x128xi32, #tpu.memory_space<hbm>>
        tpu.wait_dma2 semaphore(%run_scoped3A : memref<!tpu.dma_semaphore, #tpu.memory_space<semaphore_mem>>) src(%dma_wait3A_46 : memref<40x128xi32, #tpu.memory_space<hbm>>) dst(%arg8 : memref<40x128xi32, #tpu.memory_space<vmem>>)
        tpu.yield
      }) : () -> ()
      "tpu.region"() ({
        %run_scoped3A = tpu.sem_alloc : memref<!tpu.dma_semaphore, #tpu.memory_space<semaphore_mem>>
        %dma_start3A = arith.constant 0 : i32
        %dma_start3A_41 = tpu.memref_slice %arg5[%add3A_32, %dma_start3A] : memref<2560x128xf32, #tpu.memory_space<hbm>> -> memref<40x128xf32, #tpu.memory_space<hbm>>
        %dma_start3A_42 = arith.constant 0 : i32
        %dma_start3A_43 = tpu.memref_slice %arg5[%add3A_32, %dma_start3A_42] : memref<2560x128xf32, #tpu.memory_space<hbm>> -> memref<40x128xf32, #tpu.memory_space<hbm>>
        tpu.enqueue_dma source(%dma_start3A_43 : memref<40x128xf32, #tpu.memory_space<hbm>>) target(%arg9 : memref<40x128xf32, #tpu.memory_space<vmem>>) target_semaphore(%run_scoped3A : memref<!tpu.dma_semaphore, #tpu.memory_space<semaphore_mem>>)
        %dma_wait3A = arith.constant 0 : i32
        %dma_wait3A_44 = tpu.memref_slice %arg5[%add3A_32, %dma_wait3A] : memref<2560x128xf32, #tpu.memory_space<hbm>> -> memref<40x128xf32, #tpu.memory_space<hbm>>
        %dma_wait3A_45 = arith.constant 0 : i32
        %dma_wait3A_46 = tpu.memref_slice %arg5[%add3A_32, %dma_wait3A_45] : memref<2560x128xf32, #tpu.memory_space<hbm>> -> memref<40x128xf32, #tpu.memory_space<hbm>>
        tpu.wait_dma2 semaphore(%run_scoped3A : memref<!tpu.dma_semaphore, #tpu.memory_space<semaphore_mem>>) src(%dma_wait3A_46 : memref<40x128xf32, #tpu.memory_space<hbm>>) dst(%arg9 : memref<40x128xf32, #tpu.memory_space<vmem>>)
        tpu.yield
      }) : () -> ()
      %scan3A_33 = arith.constant 0 : i32
      %scan3A_34 = arith.constant 0 : i32
      %scan3A_35 = arith.constant 40 : i32
      %scan3A_36 = arith.addi %scan3A_34, %scan3A_35 : i32
      %scan3A_37 = arith.constant 1 : i32
      %scan3A_38 = scf.for %scan3A_41 = %scan3A_34 to %scan3A_36 step %scan3A_37 iter_args(%scan3A_42 = %scan3A_33) -> (i32)  : i32 {
        "tpu.region"() ({
          %run_scoped3A = tpu.sem_alloc : memref<!tpu.dma_semaphore, #tpu.memory_space<semaphore_mem>>
          %dma_start3A = arith.constant 0 : i32
          %dma_start3A_51 = tpu.memref_slice %arg7[%scan3A_41, %dma_start3A] : memref<40x128xi32, #tpu.memory_space<vmem>> -> memref<1x128xi32, #tpu.memory_space<vmem>>
          %dma_start3A_52 = tpu.memref_squeeze %dma_start3A_51 : memref<1x128xi32, #tpu.memory_space<vmem>> -> memref<128xi32, #tpu.memory_space<vmem>>
          %dma_start3A_53 = arith.constant 0 : i32
          %dma_start3A_54 = arith.constant 0 : i32
          %dma_start3A_55 = tpu.memref_slice %arg2[%dma_start3A_53, %dma_start3A_54] : memref<10240x128xf32, #tpu.memory_space<hbm>> -> memref<10240x128xf32, #tpu.memory_space<hbm>>
          tpu.enqueue_indirect_dma source(%dma_start3A_55 : memref<10240x128xf32, #tpu.memory_space<hbm>>) target(%arg10 : memref<128x128xf32, #tpu.memory_space<vmem>>) offsets(%dma_start3A_52 : memref<128xi32, #tpu.memory_space<vmem>>) semaphore(%run_scoped3A : memref<!tpu.dma_semaphore, #tpu.memory_space<semaphore_mem>>)
          %dma_wait3A = arith.constant 0 : i32
          %dma_wait3A_56 = tpu.memref_slice %arg7[%scan3A_41, %dma_wait3A] : memref<40x128xi32, #tpu.memory_space<vmem>> -> memref<1x128xi32, #tpu.memory_space<vmem>>
          %dma_wait3A_57 = tpu.memref_squeeze %dma_wait3A_56 : memref<1x128xi32, #tpu.memory_space<vmem>> -> memref<128xi32, #tpu.memory_space<vmem>>
          %dma_wait3A_58 = arith.constant 0 : i32
          %dma_wait3A_59 = arith.constant 0 : i32
          %dma_wait3A_60 = tpu.memref_slice %arg2[%dma_wait3A_58, %dma_wait3A_59] : memref<10240x128xf32, #tpu.memory_space<hbm>> -> memref<10240x128xf32, #tpu.memory_space<hbm>>
          tpu.wait_indirect_dma semaphore(%run_scoped3A : memref<!tpu.dma_semaphore, #tpu.memory_space<semaphore_mem>>) src(%dma_wait3A_60 : memref<10240x128xf32, #tpu.memory_space<hbm>>) dst(%arg10 : memref<128x128xf32, #tpu.memory_space<vmem>>)
          tpu.yield
        }) : () -> ()
        %scan3A_43 = arith.constant 0 : i32
        %scan3A_44 = arith.constant 0 : i32
        %scan3A_45 = arith.constant 8 : i32
        %scan3A_46 = arith.addi %scan3A_44, %scan3A_45 : i32
        %scan3A_47 = arith.constant 1 : i32
        %scan3A_48 = scf.for %scan3A_51 = %scan3A_44 to %scan3A_46 step %scan3A_47 iter_args(%scan3A_52 = %scan3A_43) -> (i32)  : i32 {
          %mul3A_53 = arith.constant 16 : i32
          %mul3A_54 = arith.muli %scan3A_51, %mul3A_53 : i32
          %get3A = arith.index_cast %scan3A_41 : i32 to index
          %get3A_55 = arith.index_cast %mul3A_54 : i32 to index
          %get3A_56 = tpu.vector_load %arg9[%get3A, %get3A_55] {strides = array<i32>} : memref<40x128xf32, #tpu.memory_space<vmem>>, vector<1x16xf32>,
          %get3A_57 = vector.shape_cast %get3A_56 : vector<1x16xf32> to vector<16xf32>
          %slice3A = vector.extract_strided_slice %get3A_57 {offsets = [0], sizes = [1], strides = [1]} : vector<16xf32> to vector<1xf32>
          %squeeze3A = vector.extract %slice3A[0] : f32 from vector<1xf32>
          %mul3A_58 = arith.constant 16 : i32
          %mul3A_59 = arith.muli %scan3A_51, %mul3A_58 : i32
          %add3A_60 = arith.constant 0 : i32
          %add3A_61 = arith.addi %mul3A_59, %add3A_60 : i32
          %get3A_62 = arith.index_cast %add3A_61 : i32 to index
          %get3A_63 = arith.constant 0 : index
          %get3A_64 = tpu.vector_load %arg10[%get3A_62, %get3A_63] {strides = array<i32>} : memref<128x128xf32, #tpu.memory_space<vmem>>, vector<1x16xf32>,
          %get3A_65 = vector.shape_cast %get3A_64 : vector<1x16xf32> to vector<16xf32>
          %mul3A_66 = vector.broadcast %squeeze3A : f32 to vector<16xf32>
          %mul3A_67 = arith.mulf %get3A_65, %mul3A_66 : vector<16xf32>
          %swap3A = arith.index_cast %add3A_61 : i32 to index
          %swap3A_68 = arith.constant 0 : index
          %swap3A_69 = tpu.vector_load %arg10[%swap3A, %swap3A_68] {strides = array<i32>} : memref<128x128xf32, #tpu.memory_space<vmem>>, vector<1x16xf32>,
          %swap3A_70 = vector.shape_cast %swap3A_69 : vector<1x16xf32> to vector<16xf32>
          %swap3A_71 = vector.shape_cast %mul3A_67 : vector<16xf32> to vector<1x16xf32>
          tpu.vector_store %arg10[%swap3A, %swap3A_68], %swap3A_71 {strides = array<i32>} : memref<128x128xf32, #tpu.memory_space<vmem>>, vector<1x16xf32>,
          %get3A_72 = arith.index_cast %add3A_61 : i32 to index
          %get3A_73 = arith.constant 16 : index
          %get3A_74 = tpu.vector_load %arg10[%get3A_72, %get3A_73] {strides = array<i32>} : memref<128x128xf32, #tpu.memory_space<vmem>>, vector<1x16xf32>,
          %get3A_75 = vector.shape_cast %get3A_74 : vector<1x16xf32> to vector<16xf32>
          %mul3A_76 = vector.broadcast %squeeze3A : f32 to vector<16xf32>
          %mul3A_77 = arith.mulf %get3A_75, %mul3A_76 : vector<16xf32>
          %swap3A_78 = arith.index_cast %add3A_61 : i32 to index
          %swap3A_79 = arith.constant 16 : index
          %swap3A_80 = tpu.vector_load %arg10[%swap3A_78, %swap3A_79] {strides = array<i32>} : memref<128x128xf32, #tpu.memory_space<vmem>>, vector<1x16xf32>,
          %swap3A_81 = vector.shape_cast %swap3A_80 : vector<1x16xf32> to vector<16xf32>
          %swap3A_82 = vector.shape_cast %mul3A_77 : vector<16xf32> to vector<1x16xf32>
          tpu.vector_store %arg10[%swap3A_78, %swap3A_79], %swap3A_82 {strides = array<i32>} : memref<128x128xf32, #tpu.memory_space<vmem>>, vector<1x16xf32>,
          %get3A_83 = arith.index_cast %add3A_61 : i32 to index
          %get3A_84 = arith.constant 32 : index
          %get3A_85 = tpu.vector_load %arg10[%get3A_83, %get3A_84] {strides = array<i32>} : memref<128x128xf32, #tpu.memory_space<vmem>>, vector<1x16xf32>,
          %get3A_86 = vector.shape_cast %get3A_85 : vector<1x16xf32> to vector<16xf32>
          %mul3A_87 = vector.broadcast %squeeze3A : f32 to vector<16xf32>
          %mul3A_88 = arith.mulf %get3A_86, %mul3A_87 : vector<16xf32>
          %swap3A_89 = arith.index_cast %add3A_61 : i32 to index
          %swap3A_90 = arith.constant 32 : index
          %swap3A_91 = tpu.vector_load %arg10[%swap3A_89, %swap3A_90] {strides = array<i32>} : memref<128x128xf32, #tpu.memory_space<vmem>>, vector<1x16xf32>,
          %swap3A_92 = vector.shape_cast %swap3A_91 : vector<1x16xf32> to vector<16xf32>
          %swap3A_93 = vector.shape_cast %mul3A_88 : vector<16xf32> to vector<1x16xf32>
          tpu.vector_store %arg10[%swap3A_89, %swap3A_90], %swap3A_93 {strides = array<i32>} : memref<128x128xf32, #tpu.memory_space<vmem>>, vector<1x16xf32>,
          %get3A_94 = arith.index_cast %add3A_61 : i32 to index
          %get3A_95 = arith.constant 48 : index
          %get3A_96 = tpu.vector_load %arg10[%get3A_94, %get3A_95] {strides = array<i32>} : memref<128x128xf32, #tpu.memory_space<vmem>>, vector<1x16xf32>,
          %get3A_97 = vector.shape_cast %get3A_96 : vector<1x16xf32> to vector<16xf32>
          %mul3A_98 = vector.broadcast %squeeze3A : f32 to vector<16xf32>
          %mul3A_99 = arith.mulf %get3A_97, %mul3A_98 : vector<16xf32>
          %swap3A_100 = arith.index_cast %add3A_61 : i32 to index
          %swap3A_101 = arith.constant 48 : index
          %swap3A_102 = tpu.vector_load %arg10[%swap3A_100, %swap3A_101] {strides = array<i32>} : memref<128x128xf32, #tpu.memory_space<vmem>>, vector<1x16xf32>,
          %swap3A_103 = vector.shape_cast %swap3A_102 : vector<1x16xf32> to vector<16xf32>
          %swap3A_104 = vector.shape_cast %mul3A_99 : vector<16xf32> to vector<1x16xf32>
          tpu.vector_store %arg10[%swap3A_100, %swap3A_101], %swap3A_104 {strides = array<i32>} : memref<128x128xf32, #tpu.memory_space<vmem>>, vector<1x16xf32>,
          %get3A_105 = arith.index_cast %add3A_61 : i32 to index
          %get3A_106 = arith.constant 64 : index
          %get3A_107 = tpu.vector_load %arg10[%get3A_105, %get3A_106] {strides = array<i32>} : memref<128x128xf32, #tpu.memory_space<vmem>>, vector<1x16xf32>,
          %get3A_108 = vector.shape_cast %get3A_107 : vector<1x16xf32> to vector<16xf32>
          %mul3A_109 = vector.broadcast %squeeze3A : f32 to vector<16xf32>
          %mul3A_110 = arith.mulf %get3A_108, %mul3A_109 : vector<16xf32>
          %swap3A_111 = arith.index_cast %add3A_61 : i32 to index
          %swap3A_112 = arith.constant 64 : index
          %swap3A_113 = tpu.vector_load %arg10[%swap3A_111, %swap3A_112] {strides = array<i32>} : memref<128x128xf32, #tpu.memory_space<vmem>>, vector<1x16xf32>,
          %swap3A_114 = vector.shape_cast %swap3A_113 : vector<1x16xf32> to vector<16xf32>
          %swap3A_115 = vector.shape_cast %mul3A_110 : vector<16xf32> to vector<1x16xf32>
          tpu.vector_store %arg10[%swap3A_111, %swap3A_112], %swap3A_115 {strides = array<i32>} : memref<128x128xf32, #tpu.memory_space<vmem>>, vector<1x16xf32>,
          %get3A_116 = arith.index_cast %add3A_61 : i32 to index
          %get3A_117 = arith.constant 80 : index
          %get3A_118 = tpu.vector_load %arg10[%get3A_116, %get3A_117] {strides = array<i32>} : memref<128x128xf32, #tpu.memory_space<vmem>>, vector<1x16xf32>,
          %get3A_119 = vector.shape_cast %get3A_118 : vector<1x16xf32> to vector<16xf32>
          %mul3A_120 = vector.broadcast %squeeze3A : f32 to vector<16xf32>
          %mul3A_121 = arith.mulf %get3A_119, %mul3A_120 : vector<16xf32>
          %swap3A_122 = arith.index_cast %add3A_61 : i32 to index
          %swap3A_123 = arith.constant 80 : index
          %swap3A_124 = tpu.vector_load %arg10[%swap3A_122, %swap3A_123] {strides = array<i32>} : memref<128x128xf32, #tpu.memory_space<vmem>>, vector<1x16xf32>,
          %swap3A_125 = vector.shape_cast %swap3A_124 : vector<1x16xf32> to vector<16xf32>
          %swap3A_126 = vector.shape_cast %mul3A_121 : vector<16xf32> to vector<1x16xf32>
          tpu.vector_store %arg10[%swap3A_122, %swap3A_123], %swap3A_126 {strides = array<i32>} : memref<128x128xf32, #tpu.memory_space<vmem>>, vector<1x16xf32>,
          %get3A_127 = arith.index_cast %add3A_61 : i32 to index
          %get3A_128 = arith.constant 96 : index
          %get3A_129 = tpu.vector_load %arg10[%get3A_127, %get3A_128] {strides = array<i32>} : memref<128x128xf32, #tpu.memory_space<vmem>>, vector<1x16xf32>,
          %get3A_130 = vector.shape_cast %get3A_129 : vector<1x16xf32> to vector<16xf32>
          %mul3A_131 = vector.broadcast %squeeze3A : f32 to vector<16xf32>
          %mul3A_132 = arith.mulf %get3A_130, %mul3A_131 : vector<16xf32>
          %swap3A_133 = arith.index_cast %add3A_61 : i32 to index
          %swap3A_134 = arith.constant 96 : index
          %swap3A_135 = tpu.vector_load %arg10[%swap3A_133, %swap3A_134] {strides = array<i32>} : memref<128x128xf32, #tpu.memory_space<vmem>>, vector<1x16xf32>,
          %swap3A_136 = vector.shape_cast %swap3A_135 : vector<1x16xf32> to vector<16xf32>
          %swap3A_137 = vector.shape_cast %mul3A_132 : vector<16xf32> to vector<1x16xf32>
          tpu.vector_store %arg10[%swap3A_133, %swap3A_134], %swap3A_137 {strides = array<i32>} : memref<128x128xf32, #tpu.memory_space<vmem>>, vector<1x16xf32>,
          %get3A_138 = arith.index_cast %add3A_61 : i32 to index
          %get3A_139 = arith.constant 112 : index
          %get3A_140 = tpu.vector_load %arg10[%get3A_138, %get3A_139] {strides = array<i32>} : memref<128x128xf32, #tpu.memory_space<vmem>>, vector<1x16xf32>,
          %get3A_141 = vector.shape_cast %get3A_140 : vector<1x16xf32> to vector<16xf32>
          %mul3A_142 = vector.broadcast %squeeze3A : f32 to vector<16xf32>
          %mul3A_143 = arith.mulf %get3A_141, %mul3A_142 : vector<16xf32>
          %swap3A_144 = arith.index_cast %add3A_61 : i32 to index
          %swap3A_145 = arith.constant 112 : index
          %swap3A_146 = tpu.vector_load %arg10[%swap3A_144, %swap3A_145] {strides = array<i32>} : memref<128x128xf32, #tpu.memory_space<vmem>>, vector<1x16xf32>,
          %swap3A_147 = vector.shape_cast %swap3A_146 : vector<1x16xf32> to vector<16xf32>
          %swap3A_148 = vector.shape_cast %mul3A_143 : vector<16xf32> to vector<1x16xf32>
          tpu.vector_store %arg10[%swap3A_144, %swap3A_145], %swap3A_148 {strides = array<i32>} : memref<128x128xf32, #tpu.memory_space<vmem>>, vector<1x16xf32>,
          %slice3A_149 = vector.extract_strided_slice %get3A_57 {offsets = [1], sizes = [1], strides = [1]} : vector<16xf32> to vector<1xf32>
          %squeeze3A_150 = vector.extract %slice3A_149[0] : f32 from vector<1xf32>
          %mul3A_151 = arith.constant 16 : i32
          %mul3A_152 = arith.muli %scan3A_51, %mul3A_151 : i32
          %add3A_153 = arith.constant 1 : i32
          %add3A_154 = arith.addi %mul3A_152, %add3A_153 : i32
          %get3A_155 = arith.index_cast %add3A_154 : i32 to index
          %get3A_156 = arith.constant 0 : index
          %get3A_157 = tpu.vector_load %arg10[%get3A_155, %get3A_156] {strides = array<i32>} : memref<128x128xf32, #tpu.memory_space<vmem>>, vector<1x16xf32>,
          %get3A_158 = vector.shape_cast %get3A_157 : vector<1x16xf32> to vector<16xf32>
          %mul3A_159 = vector.broadcast %squeeze3A_150 : f32 to vector<16xf32>
          %mul3A_160 = arith.mulf %get3A_158, %mul3A_159 : vector<16xf32>
          %swap3A_161 = arith.index_cast %add3A_154 : i32 to index
          %swap3A_162 = arith.constant 0 : index
          %swap3A_163 = tpu.vector_load %arg10[%swap3A_161, %swap3A_162] {strides = array<i32>} : memref<128x128xf32, #tpu.memory_space<vmem>>, vector<1x16xf32>,
          %swap3A_164 = vector.shape_cast %swap3A_163 : vector<1x16xf32> to vector<16xf32>
          %swap3A_165 = vector.shape_cast %mul3A_160 : vector<16xf32> to vector<1x16xf32>
          tpu.vector_store %arg10[%swap3A_161, %swap3A_162], %swap3A_165 {strides = array<i32>} : memref<128x128xf32, #tpu.memory_space<vmem>>, vector<1x16xf32>,
          %get3A_166 = arith.index_cast %add3A_154 : i32 to index
          %get3A_167 = arith.constant 16 : index
          %get3A_168 = tpu.vector_load %arg10[%get3A_166, %get3A_167] {strides = array<i32>} : memref<128x128xf32, #tpu.memory_space<vmem>>, vector<1x16xf32>,
          %get3A_169 = vector.shape_cast %get3A_168 : vector<1x16xf32> to vector<16xf32>
          %mul3A_170 = vector.broadcast %squeeze3A_150 : f32 to vector<16xf32>
          %mul3A_171 = arith.mulf %get3A_169, %mul3A_170 : vector<16xf32>
          %swap3A_172 = arith.index_cast %add3A_154 : i32 to index
          %swap3A_173 = arith.constant 16 : index
          %swap3A_174 = tpu.vector_load %arg10[%swap3A_172, %swap3A_173] {strides = array<i32>} : memref<128x128xf32, #tpu.memory_space<vmem>>, vector<1x16xf32>,
          %swap3A_175 = vector.shape_cast %swap3A_174 : vector<1x16xf32> to vector<16xf32>
          %swap3A_176 = vector.shape_cast %mul3A_171 : vector<16xf32> to vector<1x16xf32>
          tpu.vector_store %arg10[%swap3A_172, %swap3A_173], %swap3A_176 {strides = array<i32>} : memref<128x128xf32, #tpu.memory_space<vmem>>, vector<1x16xf32>,
          %get3A_177 = arith.index_cast %add3A_154 : i32 to index
          %get3A_178 = arith.constant 32 : index
          %get3A_179 = tpu.vector_load %arg10[%get3A_177, %get3A_178] {strides = array<i32>} : memref<128x128xf32, #tpu.memory_space<vmem>>, vector<1x16xf32>,
          %get3A_180 = vector.shape_cast %get3A_179 : vector<1x16xf32> to vector<16xf32>
          %mul3A_181 = vector.broadcast %squeeze3A_150 : f32 to vector<16xf32>
          %mul3A_182 = arith.mulf %get3A_180, %mul3A_181 : vector<16xf32>
          %swap3A_183 = arith.index_cast %add3A_154 : i32 to index
          %swap3A_184 = arith.constant 32 : index
          %swap3A_185 = tpu.vector_load %arg10[%swap3A_183, %swap3A_184] {strides = array<i32>} : memref<128x128xf32, #tpu.memory_space<vmem>>, vector<1x16xf32>,
          %swap3A_186 = vector.shape_cast %swap3A_185 : vector<1x16xf32> to vector<16xf32>
          %swap3A_187 = vector.shape_cast %mul3A_182 : vector<16xf32> to vector<1x16xf32>
          tpu.vector_store %arg10[%swap3A_183, %swap3A_184], %swap3A_187 {strides = array<i32>} : memref<128x128xf32, #tpu.memory_space<vmem>>, vector<1x16xf32>,
          %get3A_188 = arith.index_cast %add3A_154 : i32 to index
          %get3A_189 = arith.constant 48 : index
          %get3A_190 = tpu.vector_load %arg10[%get3A_188, %get3A_189] {strides = array<i32>} : memref<128x128xf32, #tpu.memory_space<vmem>>, vector<1x16xf32>,
          %get3A_191 = vector.shape_cast %get3A_190 : vector<1x16xf32> to vector<16xf32>
          %mul3A_192 = vector.broadcast %squeeze3A_150 : f32 to vector<16xf32>
          %mul3A_193 = arith.mulf %get3A_191, %mul3A_192 : vector<16xf32>
          %swap3A_194 = arith.index_cast %add3A_154 : i32 to index
          %swap3A_195 = arith.constant 48 : index
          %swap3A_196 = tpu.vector_load %arg10[%swap3A_194, %swap3A_195] {strides = array<i32>} : memref<128x128xf32, #tpu.memory_space<vmem>>, vector<1x16xf32>,
          %swap3A_197 = vector.shape_cast %swap3A_196 : vector<1x16xf32> to vector<16xf32>
          %swap3A_198 = vector.shape_cast %mul3A_193 : vector<16xf32> to vector<1x16xf32>
          tpu.vector_store %arg10[%swap3A_194, %swap3A_195], %swap3A_198 {strides = array<i32>} : memref<128x128xf32, #tpu.memory_space<vmem>>, vector<1x16xf32>,
          %get3A_199 = arith.index_cast %add3A_154 : i32 to index
          %get3A_200 = arith.constant 64 : index
          %get3A_201 = tpu.vector_load %arg10[%get3A_199, %get3A_200] {strides = array<i32>} : memref<128x128xf32, #tpu.memory_space<vmem>>, vector<1x16xf32>,
          %get3A_202 = vector.shape_cast %get3A_201 : vector<1x16xf32> to vector<16xf32>
          %mul3A_203 = vector.broadcast %squeeze3A_150 : f32 to vector<16xf32>
          %mul3A_204 = arith.mulf %get3A_202, %mul3A_203 : vector<16xf32>
          %swap3A_205 = arith.index_cast %add3A_154 : i32 to index
          %swap3A_206 = arith.constant 64 : index
          %swap3A_207 = tpu.vector_load %arg10[%swap3A_205, %swap3A_206] {strides = array<i32>} : memref<128x128xf32, #tpu.memory_space<vmem>>, vector<1x16xf32>,
          %swap3A_208 = vector.shape_cast %swap3A_207 : vector<1x16xf32> to vector<16xf32>
          %swap3A_209 = vector.shape_cast %mul3A_204 : vector<16xf32> to vector<1x16xf32>
          tpu.vector_store %arg10[%swap3A_205, %swap3A_206], %swap3A_209 {strides = array<i32>} : memref<128x128xf32, #tpu.memory_space<vmem>>, vector<1x16xf32>,
          %get3A_210 = arith.index_cast %add3A_154 : i32 to index
          %get3A_211 = arith.constant 80 : index
          %get3A_212 = tpu.vector_load %arg10[%get3A_210, %get3A_211] {strides = array<i32>} : memref<128x128xf32, #tpu.memory_space<vmem>>, vector<1x16xf32>,
          %get3A_213 = vector.shape_cast %get3A_212 : vector<1x16xf32> to vector<16xf32>
          %mul3A_214 = vector.broadcast %squeeze3A_150 : f32 to vector<16xf32>
          %mul3A_215 = arith.mulf %get3A_213, %mul3A_214 : vector<16xf32>
          %swap3A_216 = arith.index_cast %add3A_154 : i32 to index
          %swap3A_217 = arith.constant 80 : index
          %swap3A_218 = tpu.vector_load %arg10[%swap3A_216, %swap3A_217] {strides = array<i32>} : memref<128x128xf32, #tpu.memory_space<vmem>>, vector<1x16xf32>,
          %swap3A_219 = vector.shape_cast %swap3A_218 : vector<1x16xf32> to vector<16xf32>
          %swap3A_220 = vector.shape_cast %mul3A_215 : vector<16xf32> to vector<1x16xf32>
          tpu.vector_store %arg10[%swap3A_216, %swap3A_217], %swap3A_220 {strides = array<i32>} : memref<128x128xf32, #tpu.memory_space<vmem>>, vector<1x16xf32>,
          %get3A_221 = arith.index_cast %add3A_154 : i32 to index
          %get3A_222 = arith.constant 96 : index
          %get3A_223 = tpu.vector_load %arg10[%get3A_221, %get3A_222] {strides = array<i32>} : memref<128x128xf32, #tpu.memory_space<vmem>>, vector<1x16xf32>,
          %get3A_224 = vector.shape_cast %get3A_223 : vector<1x16xf32> to vector<16xf32>
          %mul3A_225 = vector.broadcast %squeeze3A_150 : f32 to vector<16xf32>
          %mul3A_226 = arith.mulf %get3A_224, %mul3A_225 : vector<16xf32>
          %swap3A_227 = arith.index_cast %add3A_154 : i32 to index
          %swap3A_228 = arith.constant 96 : index
          %swap3A_229 = tpu.vector_load %arg10[%swap3A_227, %swap3A_228] {strides = array<i32>} : memref<128x128xf32, #tpu.memory_space<vmem>>, vector<1x16xf32>,
          %swap3A_230 = vector.shape_cast %swap3A_229 : vector<1x16xf32> to vector<16xf32>
          %swap3A_231 = vector.shape_cast %mul3A_226 : vector<16xf32> to vector<1x16xf32>
          tpu.vector_store %arg10[%swap3A_227, %swap3A_228], %swap3A_231 {strides = array<i32>} : memref<128x128xf32, #tpu.memory_space<vmem>>, vector<1x16xf32>,
          %get3A_232 = arith.index_cast %add3A_154 : i32 to index
          %get3A_233 = arith.constant 112 : index
          %get3A_234 = tpu.vector_load %arg10[%get3A_232, %get3A_233] {strides = array<i32>} : memref<128x128xf32, #tpu.memory_space<vmem>>, vector<1x16xf32>,
          %get3A_235 = vector.shape_cast %get3A_234 : vector<1x16xf32> to vector<16xf32>
          %mul3A_236 = vector.broadcast %squeeze3A_150 : f32 to vector<16xf32>
          %mul3A_237 = arith.mulf %get3A_235, %mul3A_236 : vector<16xf32>
          %swap3A_238 = arith.index_cast %add3A_154 : i32 to index
          %swap3A_239 = arith.constant 112 : index
          %swap3A_240 = tpu.vector_load %arg10[%swap3A_238, %swap3A_239] {strides = array<i32>} : memref<128x128xf32, #tpu.memory_space<vmem>>, vector<1x16xf32>,
          %swap3A_241 = vector.shape_cast %swap3A_240 : vector<1x16xf32> to vector<16xf32>
          %swap3A_242 = vector.shape_cast %mul3A_237 : vector<16xf32> to vector<1x16xf32>
          tpu.vector_store %arg10[%swap3A_238, %swap3A_239], %swap3A_242 {strides = array<i32>} : memref<128x128xf32, #tpu.memory_space<vmem>>, vector<1x16xf32>,
          %slice3A_243 = vector.extract_strided_slice %get3A_57 {offsets = [2], sizes = [1], strides = [1]} : vector<16xf32> to vector<1xf32>
          %squeeze3A_244 = vector.extract %slice3A_243[0] : f32 from vector<1xf32>
          %mul3A_245 = arith.constant 16 : i32
          %mul3A_246 = arith.muli %scan3A_51, %mul3A_245 : i32
          %add3A_247 = arith.constant 2 : i32
          %add3A_248 = arith.addi %mul3A_246, %add3A_247 : i32
          %get3A_249 = arith.index_cast %add3A_248 : i32 to index
          %get3A_250 = arith.constant 0 : index
          %get3A_251 = tpu.vector_load %arg10[%get3A_249, %get3A_250] {strides = array<i32>} : memref<128x128xf32, #tpu.memory_space<vmem>>, vector<1x16xf32>,
          %get3A_252 = vector.shape_cast %get3A_251 : vector<1x16xf32> to vector<16xf32>
          %mul3A_253 = vector.broadcast %squeeze3A_244 : f32 to vector<16xf32>
          %mul3A_254 = arith.mulf %get3A_252, %mul3A_253 : vector<16xf32>
          %swap3A_255 = arith.index_cast %add3A_248 : i32 to index
          %swap3A_256 = arith.constant 0 : index
          %swap3A_257 = tpu.vector_load %arg10[%swap3A_255, %swap3A_256] {strides = array<i32>} : memref<128x128xf32, #tpu.memory_space<vmem>>, vector<1x16xf32>,
          %swap3A_258 = vector.shape_cast %swap3A_257 : vector<1x16xf32> to vector<16xf32>
          %swap3A_259 = vector.shape_cast %mul3A_254 : vector<16xf32> to vector<1x16xf32>
          tpu.vector_store %arg10[%swap3A_255, %swap3A_256], %swap3A_259 {strides = array<i32>} : memref<128x128xf32, #tpu.memory_space<vmem>>, vector<1x16xf32>,
          %get3A_260 = arith.index_cast %add3A_248 : i32 to index
          %get3A_261 = arith.constant 16 : index
          %get3A_262 = tpu.vector_load %arg10[%get3A_260, %get3A_261] {strides = array<i32>} : memref<128x128xf32, #tpu.memory_space<vmem>>, vector<1x16xf32>,
          %get3A_263 = vector.shape_cast %get3A_262 : vector<1x16xf32> to vector<16xf32>
          %mul3A_264 = vector.broadcast %squeeze3A_244 : f32 to vector<16xf32>
          %mul3A_265 = arith.mulf %get3A_263, %mul3A_264 : vector<16xf32>
          %swap3A_266 = arith.index_cast %add3A_248 : i32 to index
          %swap3A_267 = arith.constant 16 : index
          %swap3A_268 = tpu.vector_load %arg10[%swap3A_266, %swap3A_267] {strides = array<i32>} : memref<128x128xf32, #tpu.memory_space<vmem>>, vector<1x16xf32>,
          %swap3A_269 = vector.shape_cast %swap3A_268 : vector<1x16xf32> to vector<16xf32>
          %swap3A_270 = vector.shape_cast %mul3A_265 : vector<16xf32> to vector<1x16xf32>
          tpu.vector_store %arg10[%swap3A_266, %swap3A_267], %swap3A_270 {strides = array<i32>} : memref<128x128xf32, #tpu.memory_space<vmem>>, vector<1x16xf32>,
          %get3A_271 = arith.index_cast %add3A_248 : i32 to index
          %get3A_272 = arith.constant 32 : index
          %get3A_273 = tpu.vector_load %arg10[%get3A_271, %get3A_272] {strides = array<i32>} : memref<128x128xf32, #tpu.memory_space<vmem>>, vector<1x16xf32>,
          %get3A_274 = vector.shape_cast %get3A_273 : vector<1x16xf32> to vector<16xf32>
          %mul3A_275 = vector.broadcast %squeeze3A_244 : f32 to vector<16xf32>
          %mul3A_276 = arith.mulf %get3A_274, %mul3A_275 : vector<16xf32>
          %swap3A_277 = arith.index_cast %add3A_248 : i32 to index
          %swap3A_278 = arith.constant 32 : index
          %swap3A_279 = tpu.vector_load %arg10[%swap3A_277, %swap3A_278] {strides = array<i32>} : memref<128x128xf32, #tpu.memory_space<vmem>>, vector<1x16xf32>,
          %swap3A_280 = vector.shape_cast %swap3A_279 : vector<1x16xf32> to vector<16xf32>
          %swap3A_281 = vector.shape_cast %mul3A_276 : vector<16xf32> to vector<1x16xf32>
          tpu.vector_store %arg10[%swap3A_277, %swap3A_278], %swap3A_281 {strides = array<i32>} : memref<128x128xf32, #tpu.memory_space<vmem>>, vector<1x16xf32>,
          %get3A_282 = arith.index_cast %add3A_248 : i32 to index
          %get3A_283 = arith.constant 48 : index
          %get3A_284 = tpu.vector_load %arg10[%get3A_282, %get3A_283] {strides = array<i32>} : memref<128x128xf32, #tpu.memory_space<vmem>>, vector<1x16xf32>,
          %get3A_285 = vector.shape_cast %get3A_284 : vector<1x16xf32> to vector<16xf32>
          %mul3A_286 = vector.broadcast %squeeze3A_244 : f32 to vector<16xf32>
          %mul3A_287 = arith.mulf %get3A_285, %mul3A_286 : vector<16xf32>
          %swap3A_288 = arith.index_cast %add3A_248 : i32 to index
          %swap3A_289 = arith.constant 48 : index
          %swap3A_290 = tpu.vector_load %arg10[%swap3A_288, %swap3A_289] {strides = array<i32>} : memref<128x128xf32, #tpu.memory_space<vmem>>, vector<1x16xf32>,
          %swap3A_291 = vector.shape_cast %swap3A_290 : vector<1x16xf32> to vector<16xf32>
          %swap3A_292 = vector.shape_cast %mul3A_287 : vector<16xf32> to vector<1x16xf32>
          tpu.vector_store %arg10[%swap3A_288, %swap3A_289], %swap3A_292 {strides = array<i32>} : memref<128x128xf32, #tpu.memory_space<vmem>>, vector<1x16xf32>,
          %get3A_293 = arith.index_cast %add3A_248 : i32 to index
          %get3A_294 = arith.constant 64 : index
          %get3A_295 = tpu.vector_load %arg10[%get3A_293, %get3A_294] {strides = array<i32>} : memref<128x128xf32, #tpu.memory_space<vmem>>, vector<1x16xf32>,
          %get3A_296 = vector.shape_cast %get3A_295 : vector<1x16xf32> to vector<16xf32>
          %mul3A_297 = vector.broadcast %squeeze3A_244 : f32 to vector<16xf32>
          %mul3A_298 = arith.mulf %get3A_296, %mul3A_297 : vector<16xf32>
          %swap3A_299 = arith.index_cast %add3A_248 : i32 to index
          %swap3A_300 = arith.constant 64 : index
          %swap3A_301 = tpu.vector_load %arg10[%swap3A_299, %swap3A_300] {strides = array<i32>} : memref<128x128xf32, #tpu.memory_space<vmem>>, vector<1x16xf32>,
          %swap3A_302 = vector.shape_cast %swap3A_301 : vector<1x16xf32> to vector<16xf32>
          %swap3A_303 = vector.shape_cast %mul3A_298 : vector<16xf32> to vector<1x16xf32>
          tpu.vector_store %arg10[%swap3A_299, %swap3A_300], %swap3A_303 {strides = array<i32>} : memref<128x128xf32, #tpu.memory_space<vmem>>, vector<1x16xf32>,
          %get3A_304 = arith.index_cast %add3A_248 : i32 to index
          %get3A_305 = arith.constant 80 : index
          %get3A_306 = tpu.vector_load %arg10[%get3A_304, %get3A_305] {strides = array<i32>} : memref<128x128xf32, #tpu.memory_space<vmem>>, vector<1x16xf32>,
          %get3A_307 = vector.shape_cast %get3A_306 : vector<1x16xf32> to vector<16xf32>
          %mul3A_308 = vector.broadcast %squeeze3A_244 : f32 to vector<16xf32>
          %mul3A_309 = arith.mulf %get3A_307, %mul3A_308 : vector<16xf32>
          %swap3A_310 = arith.index_cast %add3A_248 : i32 to index
          %swap3A_311 = arith.constant 80 : index
          %swap3A_312 = tpu.vector_load %arg10[%swap3A_310, %swap3A_311] {strides = array<i32>} : memref<128x128xf32, #tpu.memory_space<vmem>>, vector<1x16xf32>,
          %swap3A_313 = vector.shape_cast %swap3A_312 : vector<1x16xf32> to vector<16xf32>
          %swap3A_314 = vector.shape_cast %mul3A_309 : vector<16xf32> to vector<1x16xf32>
          tpu.vector_store %arg10[%swap3A_310, %swap3A_311], %swap3A_314 {strides = array<i32>} : memref<128x128xf32, #tpu.memory_space<vmem>>, vector<1x16xf32>,
          %get3A_315 = arith.index_cast %add3A_248 : i32 to index
          %get3A_316 = arith.constant 96 : index
          %get3A_317 = tpu.vector_load %arg10[%get3A_315, %get3A_316] {strides = array<i32>} : memref<128x128xf32, #tpu.memory_space<vmem>>, vector<1x16xf32>,
          %get3A_318 = vector.shape_cast %get3A_317 : vector<1x16xf32> to vector<16xf32>
          %mul3A_319 = vector.broadcast %squeeze3A_244 : f32 to vector<16xf32>
          %mul3A_320 = arith.mulf %get3A_318, %mul3A_319 : vector<16xf32>
          %swap3A_321 = arith.index_cast %add3A_248 : i32 to index
          %swap3A_322 = arith.constant 96 : index
          %swap3A_323 = tpu.vector_load %arg10[%swap3A_321, %swap3A_322] {strides = array<i32>} : memref<128x128xf32, #tpu.memory_space<vmem>>, vector<1x16xf32>,
          %swap3A_324 = vector.shape_cast %swap3A_323 : vector<1x16xf32> to vector<16xf32>
          %swap3A_325 = vector.shape_cast %mul3A_320 : vector<16xf32> to vector<1x16xf32>
          tpu.vector_store %arg10[%swap3A_321, %swap3A_322], %swap3A_325 {strides = array<i32>} : memref<128x128xf32, #tpu.memory_space<vmem>>, vector<1x16xf32>,
          %get3A_326 = arith.index_cast %add3A_248 : i32 to index
          %get3A_327 = arith.constant 112 : index
          %get3A_328 = tpu.vector_load %arg10[%get3A_326, %get3A_327] {strides = array<i32>} : memref<128x128xf32, #tpu.memory_space<vmem>>, vector<1x16xf32>,
          %get3A_329 = vector.shape_cast %get3A_328 : vector<1x16xf32> to vector<16xf32>
          %mul3A_330 = vector.broadcast %squeeze3A_244 : f32 to vector<16xf32>
          %mul3A_331 = arith.mulf %get3A_329, %mul3A_330 : vector<16xf32>
          %swap3A_332 = arith.index_cast %add3A_248 : i32 to index
          %swap3A_333 = arith.constant 112 : index
          %swap3A_334 = tpu.vector_load %arg10[%swap3A_332, %swap3A_333] {strides = array<i32>} : memref<128x128xf32, #tpu.memory_space<vmem>>, vector<1x16xf32>,
          %swap3A_335 = vector.shape_cast %swap3A_334 : vector<1x16xf32> to vector<16xf32>
          %swap3A_336 = vector.shape_cast %mul3A_331 : vector<16xf32> to vector<1x16xf32>
          tpu.vector_store %arg10[%swap3A_332, %swap3A_333], %swap3A_336 {strides = array<i32>} : memref<128x128xf32, #tpu.memory_space<vmem>>, vector<1x16xf32>,
          %slice3A_337 = vector.extract_strided_slice %get3A_57 {offsets = [3], sizes = [1], strides = [1]} : vector<16xf32> to vector<1xf32>
          %squeeze3A_338 = vector.extract %slice3A_337[0] : f32 from vector<1xf32>
          %mul3A_339 = arith.constant 16 : i32
          %mul3A_340 = arith.muli %scan3A_51, %mul3A_339 : i32
          %add3A_341 = arith.constant 3 : i32
          %add3A_342 = arith.addi %mul3A_340, %add3A_341 : i32
          %get3A_343 = arith.index_cast %add3A_342 : i32 to index
          %get3A_344 = arith.constant 0 : index
          %get3A_345 = tpu.vector_load %arg10[%get3A_343, %get3A_344] {strides = array<i32>} : memref<128x128xf32, #tpu.memory_space<vmem>>, vector<1x16xf32>,
          %get3A_346 = vector.shape_cast %get3A_345 : vector<1x16xf32> to vector<16xf32>
          %mul3A_347 = vector.broadcast %squeeze3A_338 : f32 to vector<16xf32>
          %mul3A_348 = arith.mulf %get3A_346, %mul3A_347 : vector<16xf32>
          %swap3A_349 = arith.index_cast %add3A_342 : i32 to index
          %swap3A_350 = arith.constant 0 : index
          %swap3A_351 = tpu.vector_load %arg10[%swap3A_349, %swap3A_350] {strides = array<i32>} : memref<128x128xf32, #tpu.memory_space<vmem>>, vector<1x16xf32>,
          %swap3A_352 = vector.shape_cast %swap3A_351 : vector<1x16xf32> to vector<16xf32>
          %swap3A_353 = vector.shape_cast %mul3A_348 : vector<16xf32> to vector<1x16xf32>
          tpu.vector_store %arg10[%swap3A_349, %swap3A_350], %swap3A_353 {strides = array<i32>} : memref<128x128xf32, #tpu.memory_space<vmem>>, vector<1x16xf32>,
          %get3A_354 = arith.index_cast %add3A_342 : i32 to index
          %get3A_355 = arith.constant 16 : index
          %get3A_356 = tpu.vector_load %arg10[%get3A_354, %get3A_355] {strides = array<i32>} : memref<128x128xf32, #tpu.memory_space<vmem>>, vector<1x16xf32>,
          %get3A_357 = vector.shape_cast %get3A_356 : vector<1x16xf32> to vector<16xf32>
          %mul3A_358 = vector.broadcast %squeeze3A_338 : f32 to vector<16xf32>
          %mul3A_359 = arith.mulf %get3A_357, %mul3A_358 : vector<16xf32>
          %swap3A_360 = arith.index_cast %add3A_342 : i32 to index
          %swap3A_361 = arith.constant 16 : index
          %swap3A_362 = tpu.vector_load %arg10[%swap3A_360, %swap3A_361] {strides = array<i32>} : memref<128x128xf32, #tpu.memory_space<vmem>>, vector<1x16xf32>,
          %swap3A_363 = vector.shape_cast %swap3A_362 : vector<1x16xf32> to vector<16xf32>
          %swap3A_364 = vector.shape_cast %mul3A_359 : vector<16xf32> to vector<1x16xf32>
          tpu.vector_store %arg10[%swap3A_360, %swap3A_361], %swap3A_364 {strides = array<i32>} : memref<128x128xf32, #tpu.memory_space<vmem>>, vector<1x16xf32>,
          %get3A_365 = arith.index_cast %add3A_342 : i32 to index
          %get3A_366 = arith.constant 32 : index
          %get3A_367 = tpu.vector_load %arg10[%get3A_365, %get3A_366] {strides = array<i32>} : memref<128x128xf32, #tpu.memory_space<vmem>>, vector<1x16xf32>,
          %get3A_368 = vector.shape_cast %get3A_367 : vector<1x16xf32> to vector<16xf32>
          %mul3A_369 = vector.broadcast %squeeze3A_338 : f32 to vector<16xf32>
          %mul3A_370 = arith.mulf %get3A_368, %mul3A_369 : vector<16xf32>
          %swap3A_371 = arith.index_cast %add3A_342 : i32 to index
          %swap3A_372 = arith.constant 32 : index
          %swap3A_373 = tpu.vector_load %arg10[%swap3A_371, %swap3A_372] {strides = array<i32>} : memref<128x128xf32, #tpu.memory_space<vmem>>, vector<1x16xf32>,
          %swap3A_374 = vector.shape_cast %swap3A_373 : vector<1x16xf32> to vector<16xf32>
          %swap3A_375 = vector.shape_cast %mul3A_370 : vector<16xf32> to vector<1x16xf32>
          tpu.vector_store %arg10[%swap3A_371, %swap3A_372], %swap3A_375 {strides = array<i32>} : memref<128x128xf32, #tpu.memory_space<vmem>>, vector<1x16xf32>,
          %get3A_376 = arith.index_cast %add3A_342 : i32 to index
          %get3A_377 = arith.constant 48 : index
          %get3A_378 = tpu.vector_load %arg10[%get3A_376, %get3A_377] {strides = array<i32>} : memref<128x128xf32, #tpu.memory_space<vmem>>, vector<1x16xf32>,
          %get3A_379 = vector.shape_cast %get3A_378 : vector<1x16xf32> to vector<16xf32>
          %mul3A_380 = vector.broadcast %squeeze3A_338 : f32 to vector<16xf32>
          %mul3A_381 = arith.mulf %get3A_379, %mul3A_380 : vector<16xf32>
          %swap3A_382 = arith.index_cast %add3A_342 : i32 to index
          %swap3A_383 = arith.constant 48 : index
          %swap3A_384 = tpu.vector_load %arg10[%swap3A_382, %swap3A_383] {strides = array<i32>} : memref<128x128xf32, #tpu.memory_space<vmem>>, vector<1x16xf32>,
          %swap3A_385 = vector.shape_cast %swap3A_384 : vector<1x16xf32> to vector<16xf32>
          %swap3A_386 = vector.shape_cast %mul3A_381 : vector<16xf32> to vector<1x16xf32>
          tpu.vector_store %arg10[%swap3A_382, %swap3A_383], %swap3A_386 {strides = array<i32>} : memref<128x128xf32, #tpu.memory_space<vmem>>, vector<1x16xf32>,
          %get3A_387 = arith.index_cast %add3A_342 : i32 to index
          %get3A_388 = arith.constant 64 : index
          %get3A_389 = tpu.vector_load %arg10[%get3A_387, %get3A_388] {strides = array<i32>} : memref<128x128xf32, #tpu.memory_space<vmem>>, vector<1x16xf32>,
          %get3A_390 = vector.shape_cast %get3A_389 : vector<1x16xf32> to vector<16xf32>
          %mul3A_391 = vector.broadcast %squeeze3A_338 : f32 to vector<16xf32>
          %mul3A_392 = arith.mulf %get3A_390, %mul3A_391 : vector<16xf32>
          %swap3A_393 = arith.index_cast %add3A_342 : i32 to index
          %swap3A_394 = arith.constant 64 : index
          %swap3A_395 = tpu.vector_load %arg10[%swap3A_393, %swap3A_394] {strides = array<i32>} : memref<128x128xf32, #tpu.memory_space<vmem>>, vector<1x16xf32>,
          %swap3A_396 = vector.shape_cast %swap3A_395 : vector<1x16xf32> to vector<16xf32>
          %swap3A_397 = vector.shape_cast %mul3A_392 : vector<16xf32> to vector<1x16xf32>
          tpu.vector_store %arg10[%swap3A_393, %swap3A_394], %swap3A_397 {strides = array<i32>} : memref<128x128xf32, #tpu.memory_space<vmem>>, vector<1x16xf32>,
          %get3A_398 = arith.index_cast %add3A_342 : i32 to index
          %get3A_399 = arith.constant 80 : index
          %get3A_400 = tpu.vector_load %arg10[%get3A_398, %get3A_399] {strides = array<i32>} : memref<128x128xf32, #tpu.memory_space<vmem>>, vector<1x16xf32>,
          %get3A_401 = vector.shape_cast %get3A_400 : vector<1x16xf32> to vector<16xf32>
          %mul3A_402 = vector.broadcast %squeeze3A_338 : f32 to vector<16xf32>
          %mul3A_403 = arith.mulf %get3A_401, %mul3A_402 : vector<16xf32>
          %swap3A_404 = arith.index_cast %add3A_342 : i32 to index
          %swap3A_405 = arith.constant 80 : index
          %swap3A_406 = tpu.vector_load %arg10[%swap3A_404, %swap3A_405] {strides = array<i32>} : memref<128x128xf32, #tpu.memory_space<vmem>>, vector<1x16xf32>,
          %swap3A_407 = vector.shape_cast %swap3A_406 : vector<1x16xf32> to vector<16xf32>
          %swap3A_408 = vector.shape_cast %mul3A_403 : vector<16xf32> to vector<1x16xf32>
          tpu.vector_store %arg10[%swap3A_404, %swap3A_405], %swap3A_408 {strides = array<i32>} : memref<128x128xf32, #tpu.memory_space<vmem>>, vector<1x16xf32>,
          %get3A_409 = arith.index_cast %add3A_342 : i32 to index
          %get3A_410 = arith.constant 96 : index
          %get3A_411 = tpu.vector_load %arg10[%get3A_409, %get3A_410] {strides = array<i32>} : memref<128x128xf32, #tpu.memory_space<vmem>>, vector<1x16xf32>,
          %get3A_412 = vector.shape_cast %get3A_411 : vector<1x16xf32> to vector<16xf32>
          %mul3A_413 = vector.broadcast %squeeze3A_338 : f32 to vector<16xf32>
          %mul3A_414 = arith.mulf %get3A_412, %mul3A_413 : vector<16xf32>
          %swap3A_415 = arith.index_cast %add3A_342 : i32 to index
          %swap3A_416 = arith.constant 96 : index
          %swap3A_417 = tpu.vector_load %arg10[%swap3A_415, %swap3A_416] {strides = array<i32>} : memref<128x128xf32, #tpu.memory_space<vmem>>, vector<1x16xf32>,
          %swap3A_418 = vector.shape_cast %swap3A_417 : vector<1x16xf32> to vector<16xf32>
          %swap3A_419 = vector.shape_cast %mul3A_414 : vector<16xf32> to vector<1x16xf32>
          tpu.vector_store %arg10[%swap3A_415, %swap3A_416], %swap3A_419 {strides = array<i32>} : memref<128x128xf32, #tpu.memory_space<vmem>>, vector<1x16xf32>,
          %get3A_420 = arith.index_cast %add3A_342 : i32 to index
          %get3A_421 = arith.constant 112 : index
          %get3A_422 = tpu.vector_load %arg10[%get3A_420, %get3A_421] {strides = array<i32>} : memref<128x128xf32, #tpu.memory_space<vmem>>, vector<1x16xf32>,
          %get3A_423 = vector.shape_cast %get3A_422 : vector<1x16xf32> to vector<16xf32>
          %mul3A_424 = vector.broadcast %squeeze3A_338 : f32 to vector<16xf32>
          %mul3A_425 = arith.mulf %get3A_423, %mul3A_424 : vector<16xf32>
          %swap3A_426 = arith.index_cast %add3A_342 : i32 to index
          %swap3A_427 = arith.constant 112 : index
          %swap3A_428 = tpu.vector_load %arg10[%swap3A_426, %swap3A_427] {strides = array<i32>} : memref<128x128xf32, #tpu.memory_space<vmem>>, vector<1x16xf32>,
          %swap3A_429 = vector.shape_cast %swap3A_428 : vector<1x16xf32> to vector<16xf32>
          %swap3A_430 = vector.shape_cast %mul3A_425 : vector<16xf32> to vector<1x16xf32>
          tpu.vector_store %arg10[%swap3A_426, %swap3A_427], %swap3A_430 {strides = array<i32>} : memref<128x128xf32, #tpu.memory_space<vmem>>, vector<1x16xf32>,
          %slice3A_431 = vector.extract_strided_slice %get3A_57 {offsets = [4], sizes = [1], strides = [1]} : vector<16xf32> to vector<1xf32>
          %squeeze3A_432 = vector.extract %slice3A_431[0] : f32 from vector<1xf32>
          %mul3A_433 = arith.constant 16 : i32
          %mul3A_434 = arith.muli %scan3A_51, %mul3A_433 : i32
          %add3A_435 = arith.constant 4 : i32
          %add3A_436 = arith.addi %mul3A_434, %add3A_435 : i32
          %get3A_437 = arith.index_cast %add3A_436 : i32 to index
          %get3A_438 = arith.constant 0 : index
          %get3A_439 = tpu.vector_load %arg10[%get3A_437, %get3A_438] {strides = array<i32>} : memref<128x128xf32, #tpu.memory_space<vmem>>, vector<1x16xf32>,
          %get3A_440 = vector.shape_cast %get3A_439 : vector<1x16xf32> to vector<16xf32>
          %mul3A_441 = vector.broadcast %squeeze3A_432 : f32 to vector<16xf32>
          %mul3A_442 = arith.mulf %get3A_440, %mul3A_441 : vector<16xf32>
          %swap3A_443 = arith.index_cast %add3A_436 : i32 to index
          %swap3A_444 = arith.constant 0 : index
          %swap3A_445 = tpu.vector_load %arg10[%swap3A_443, %swap3A_444] {strides = array<i32>} : memref<128x128xf32, #tpu.memory_space<vmem>>, vector<1x16xf32>,
          %swap3A_446 = vector.shape_cast %swap3A_445 : vector<1x16xf32> to vector<16xf32>
          %swap3A_447 = vector.shape_cast %mul3A_442 : vector<16xf32> to vector<1x16xf32>
          tpu.vector_store %arg10[%swap3A_443, %swap3A_444], %swap3A_447 {strides = array<i32>} : memref<128x128xf32, #tpu.memory_space<vmem>>, vector<1x16xf32>,
          %get3A_448 = arith.index_cast %add3A_436 : i32 to index
          %get3A_449 = arith.constant 16 : index
          %get3A_450 = tpu.vector_load %arg10[%get3A_448, %get3A_449] {strides = array<i32>} : memref<128x128xf32, #tpu.memory_space<vmem>>, vector<1x16xf32>,
          %get3A_451 = vector.shape_cast %get3A_450 : vector<1x16xf32> to vector<16xf32>
          %mul3A_452 = vector.broadcast %squeeze3A_432 : f32 to vector<16xf32>
          %mul3A_453 = arith.mulf %get3A_451, %mul3A_452 : vector<16xf32>
          %swap3A_454 = arith.index_cast %add3A_436 : i32 to index
          %swap3A_455 = arith.constant 16 : index
          %swap3A_456 = tpu.vector_load %arg10[%swap3A_454, %swap3A_455] {strides = array<i32>} : memref<128x128xf32, #tpu.memory_space<vmem>>, vector<1x16xf32>,
          %swap3A_457 = vector.shape_cast %swap3A_456 : vector<1x16xf32> to vector<16xf32>
          %swap3A_458 = vector.shape_cast %mul3A_453 : vector<16xf32> to vector<1x16xf32>
          tpu.vector_store %arg10[%swap3A_454, %swap3A_455], %swap3A_458 {strides = array<i32>} : memref<128x128xf32, #tpu.memory_space<vmem>>, vector<1x16xf32>,
          %get3A_459 = arith.index_cast %add3A_436 : i32 to index
          %get3A_460 = arith.constant 32 : index
          %get3A_461 = tpu.vector_load %arg10[%get3A_459, %get3A_460] {strides = array<i32>} : memref<128x128xf32, #tpu.memory_space<vmem>>, vector<1x16xf32>,
          %get3A_462 = vector.shape_cast %get3A_461 : vector<1x16xf32> to vector<16xf32>
          %mul3A_463 = vector.broadcast %squeeze3A_432 : f32 to vector<16xf32>
          %mul3A_464 = arith.mulf %get3A_462, %mul3A_463 : vector<16xf32>
          %swap3A_465 = arith.index_cast %add3A_436 : i32 to index
          %swap3A_466 = arith.constant 32 : index
          %swap3A_467 = tpu.vector_load %arg10[%swap3A_465, %swap3A_466] {strides = array<i32>} : memref<128x128xf32, #tpu.memory_space<vmem>>, vector<1x16xf32>,
          %swap3A_468 = vector.shape_cast %swap3A_467 : vector<1x16xf32> to vector<16xf32>
          %swap3A_469 = vector.shape_cast %mul3A_464 : vector<16xf32> to vector<1x16xf32>
          tpu.vector_store %arg10[%swap3A_465, %swap3A_466], %swap3A_469 {strides = array<i32>} : memref<128x128xf32, #tpu.memory_space<vmem>>, vector<1x16xf32>,
          %get3A_470 = arith.index_cast %add3A_436 : i32 to index
          %get3A_471 = arith.constant 48 : index
          %get3A_472 = tpu.vector_load %arg10[%get3A_470, %get3A_471] {strides = array<i32>} : memref<128x128xf32, #tpu.memory_space<vmem>>, vector<1x16xf32>,
          %get3A_473 = vector.shape_cast %get3A_472 : vector<1x16xf32> to vector<16xf32>
          %mul3A_474 = vector.broadcast %squeeze3A_432 : f32 to vector<16xf32>
          %mul3A_475 = arith.mulf %get3A_473, %mul3A_474 : vector<16xf32>
          %swap3A_476 = arith.index_cast %add3A_436 : i32 to index
          %swap3A_477 = arith.constant 48 : index
          %swap3A_478 = tpu.vector_load %arg10[%swap3A_476, %swap3A_477] {strides = array<i32>} : memref<128x128xf32, #tpu.memory_space<vmem>>, vector<1x16xf32>,
          %swap3A_479 = vector.shape_cast %swap3A_478 : vector<1x16xf32> to vector<16xf32>
          %swap3A_480 = vector.shape_cast %mul3A_475 : vector<16xf32> to vector<1x16xf32>
          tpu.vector_store %arg10[%swap3A_476, %swap3A_477], %swap3A_480 {strides = array<i32>} : memref<128x128xf32, #tpu.memory_space<vmem>>, vector<1x16xf32>,
          %get3A_481 = arith.index_cast %add3A_436 : i32 to index
          %get3A_482 = arith.constant 64 : index
          %get3A_483 = tpu.vector_load %arg10[%get3A_481, %get3A_482] {strides = array<i32>} : memref<128x128xf32, #tpu.memory_space<vmem>>, vector<1x16xf32>,
          %get3A_484 = vector.shape_cast %get3A_483 : vector<1x16xf32> to vector<16xf32>
          %mul3A_485 = vector.broadcast %squeeze3A_432 : f32 to vector<16xf32>
          %mul3A_486 = arith.mulf %get3A_484, %mul3A_485 : vector<16xf32>
          %swap3A_487 = arith.index_cast %add3A_436 : i32 to index
          %swap3A_488 = arith.constant 64 : index
          %swap3A_489 = tpu.vector_load %arg10[%swap3A_487, %swap3A_488] {strides = array<i32>} : memref<128x128xf32, #tpu.memory_space<vmem>>, vector<1x16xf32>,
          %swap3A_490 = vector.shape_cast %swap3A_489 : vector<1x16xf32> to vector<16xf32>
          %swap3A_491 = vector.shape_cast %mul3A_486 : vector<16xf32> to vector<1x16xf32>
          tpu.vector_store %arg10[%swap3A_487, %swap3A_488], %swap3A_491 {strides = array<i32>} : memref<128x128xf32, #tpu.memory_space<vmem>>, vector<1x16xf32>,
          %get3A_492 = arith.index_cast %add3A_436 : i32 to index
          %get3A_493 = arith.constant 80 : index
          %get3A_494 = tpu.vector_load %arg10[%get3A_492, %get3A_493] {strides = array<i32>} : memref<128x128xf32, #tpu.memory_space<vmem>>, vector<1x16xf32>,
          %get3A_495 = vector.shape_cast %get3A_494 : vector<1x16xf32> to vector<16xf32>
          %mul3A_496 = vector.broadcast %squeeze3A_432 : f32 to vector<16xf32>
          %mul3A_497 = arith.mulf %get3A_495, %mul3A_496 : vector<16xf32>
          %swap3A_498 = arith.index_cast %add3A_436 : i32 to index
          %swap3A_499 = arith.constant 80 : index
          %swap3A_500 = tpu.vector_load %arg10[%swap3A_498, %swap3A_499] {strides = array<i32>} : memref<128x128xf32, #tpu.memory_space<vmem>>, vector<1x16xf32>,
          %swap3A_501 = vector.shape_cast %swap3A_500 : vector<1x16xf32> to vector<16xf32>
          %swap3A_502 = vector.shape_cast %mul3A_497 : vector<16xf32> to vector<1x16xf32>
          tpu.vector_store %arg10[%swap3A_498, %swap3A_499], %swap3A_502 {strides = array<i32>} : memref<128x128xf32, #tpu.memory_space<vmem>>, vector<1x16xf32>,
          %get3A_503 = arith.index_cast %add3A_436 : i32 to index
          %get3A_504 = arith.constant 96 : index
          %get3A_505 = tpu.vector_load %arg10[%get3A_503, %get3A_504] {strides = array<i32>} : memref<128x128xf32, #tpu.memory_space<vmem>>, vector<1x16xf32>,
          %get3A_506 = vector.shape_cast %get3A_505 : vector<1x16xf32> to vector<16xf32>
          %mul3A_507 = vector.broadcast %squeeze3A_432 : f32 to vector<16xf32>
          %mul3A_508 = arith.mulf %get3A_506, %mul3A_507 : vector<16xf32>
          %swap3A_509 = arith.index_cast %add3A_436 : i32 to index
          %swap3A_510 = arith.constant 96 : index
          %swap3A_511 = tpu.vector_load %arg10[%swap3A_509, %swap3A_510] {strides = array<i32>} : memref<128x128xf32, #tpu.memory_space<vmem>>, vector<1x16xf32>,
          %swap3A_512 = vector.shape_cast %swap3A_511 : vector<1x16xf32> to vector<16xf32>
          %swap3A_513 = vector.shape_cast %mul3A_508 : vector<16xf32> to vector<1x16xf32>
          tpu.vector_store %arg10[%swap3A_509, %swap3A_510], %swap3A_513 {strides = array<i32>} : memref<128x128xf32, #tpu.memory_space<vmem>>, vector<1x16xf32>,
          %get3A_514 = arith.index_cast %add3A_436 : i32 to index
          %get3A_515 = arith.constant 112 : index
          %get3A_516 = tpu.vector_load %arg10[%get3A_514, %get3A_515] {strides = array<i32>} : memref<128x128xf32, #tpu.memory_space<vmem>>, vector<1x16xf32>,
          %get3A_517 = vector.shape_cast %get3A_516 : vector<1x16xf32> to vector<16xf32>
          %mul3A_518 = vector.broadcast %squeeze3A_432 : f32 to vector<16xf32>
          %mul3A_519 = arith.mulf %get3A_517, %mul3A_518 : vector<16xf32>
          %swap3A_520 = arith.index_cast %add3A_436 : i32 to index
          %swap3A_521 = arith.constant 112 : index
          %swap3A_522 = tpu.vector_load %arg10[%swap3A_520, %swap3A_521] {strides = array<i32>} : memref<128x128xf32, #tpu.memory_space<vmem>>, vector<1x16xf32>,
          %swap3A_523 = vector.shape_cast %swap3A_522 : vector<1x16xf32> to vector<16xf32>
          %swap3A_524 = vector.shape_cast %mul3A_519 : vector<16xf32> to vector<1x16xf32>
          tpu.vector_store %arg10[%swap3A_520, %swap3A_521], %swap3A_524 {strides = array<i32>} : memref<128x128xf32, #tpu.memory_space<vmem>>, vector<1x16xf32>,
          %slice3A_525 = vector.extract_strided_slice %get3A_57 {offsets = [5], sizes = [1], strides = [1]} : vector<16xf32> to vector<1xf32>
          %squeeze3A_526 = vector.extract %slice3A_525[0] : f32 from vector<1xf32>
          %mul3A_527 = arith.constant 16 : i32
          %mul3A_528 = arith.muli %scan3A_51, %mul3A_527 : i32
          %add3A_529 = arith.constant 5 : i32
          %add3A_530 = arith.addi %mul3A_528, %add3A_529 : i32
          %get3A_531 = arith.index_cast %add3A_530 : i32 to index
          %get3A_532 = arith.constant 0 : index
          %get3A_533 = tpu.vector_load %arg10[%get3A_531, %get3A_532] {strides = array<i32>} : memref<128x128xf32, #tpu.memory_space<vmem>>, vector<1x16xf32>,
          %get3A_534 = vector.shape_cast %get3A_533 : vector<1x16xf32> to vector<16xf32>
          %mul3A_535 = vector.broadcast %squeeze3A_526 : f32 to vector<16xf32>
          %mul3A_536 = arith.mulf %get3A_534, %mul3A_535 : vector<16xf32>
          %swap3A_537 = arith.index_cast %add3A_530 : i32 to index
          %swap3A_538 = arith.constant 0 : index
          %swap3A_539 = tpu.vector_load %arg10[%swap3A_537, %swap3A_538] {strides = array<i32>} : memref<128x128xf32, #tpu.memory_space<vmem>>, vector<1x16xf32>,
          %swap3A_540 = vector.shape_cast %swap3A_539 : vector<1x16xf32> to vector<16xf32>
          %swap3A_541 = vector.shape_cast %mul3A_536 : vector<16xf32> to vector<1x16xf32>
          tpu.vector_store %arg10[%swap3A_537, %swap3A_538], %swap3A_541 {strides = array<i32>} : memref<128x128xf32, #tpu.memory_space<vmem>>, vector<1x16xf32>,
          %get3A_542 = arith.index_cast %add3A_530 : i32 to index
          %get3A_543 = arith.constant 16 : index
          %get3A_544 = tpu.vector_load %arg10[%get3A_542, %get3A_543] {strides = array<i32>} : memref<128x128xf32, #tpu.memory_space<vmem>>, vector<1x16xf32>,
          %get3A_545 = vector.shape_cast %get3A_544 : vector<1x16xf32> to vector<16xf32>
          %mul3A_546 = vector.broadcast %squeeze3A_526 : f32 to vector<16xf32>
          %mul3A_547 = arith.mulf %get3A_545, %mul3A_546 : vector<16xf32>
          %swap3A_548 = arith.index_cast %add3A_530 : i32 to index
          %swap3A_549 = arith.constant 16 : index
          %swap3A_550 = tpu.vector_load %arg10[%swap3A_548, %swap3A_549] {strides = array<i32>} : memref<128x128xf32, #tpu.memory_space<vmem>>, vector<1x16xf32>,
          %swap3A_551 = vector.shape_cast %swap3A_550 : vector<1x16xf32> to vector<16xf32>
          %swap3A_552 = vector.shape_cast %mul3A_547 : vector<16xf32> to vector<1x16xf32>
          tpu.vector_store %arg10[%swap3A_548, %swap3A_549], %swap3A_552 {strides = array<i32>} : memref<128x128xf32, #tpu.memory_space<vmem>>, vector<1x16xf32>,
          %get3A_553 = arith.index_cast %add3A_530 : i32 to index
          %get3A_554 = arith.constant 32 : index
          %get3A_555 = tpu.vector_load %arg10[%get3A_553, %get3A_554] {strides = array<i32>} : memref<128x128xf32, #tpu.memory_space<vmem>>, vector<1x16xf32>,
          %get3A_556 = vector.shape_cast %get3A_555 : vector<1x16xf32> to vector<16xf32>
          %mul3A_557 = vector.broadcast %squeeze3A_526 : f32 to vector<16xf32>
          %mul3A_558 = arith.mulf %get3A_556, %mul3A_557 : vector<16xf32>
          %swap3A_559 = arith.index_cast %add3A_530 : i32 to index
          %swap3A_560 = arith.constant 32 : index
          %swap3A_561 = tpu.vector_load %arg10[%swap3A_559, %swap3A_560] {strides = array<i32>} : memref<128x128xf32, #tpu.memory_space<vmem>>, vector<1x16xf32>,
          %swap3A_562 = vector.shape_cast %swap3A_561 : vector<1x16xf32> to vector<16xf32>
          %swap3A_563 = vector.shape_cast %mul3A_558 : vector<16xf32> to vector<1x16xf32>
          tpu.vector_store %arg10[%swap3A_559, %swap3A_560], %swap3A_563 {strides = array<i32>} : memref<128x128xf32, #tpu.memory_space<vmem>>, vector<1x16xf32>,
          %get3A_564 = arith.index_cast %add3A_530 : i32 to index
          %get3A_565 = arith.constant 48 : index
          %get3A_566 = tpu.vector_load %arg10[%get3A_564, %get3A_565] {strides = array<i32>} : memref<128x128xf32, #tpu.memory_space<vmem>>, vector<1x16xf32>,
          %get3A_567 = vector.shape_cast %get3A_566 : vector<1x16xf32> to vector<16xf32>
          %mul3A_568 = vector.broadcast %squeeze3A_526 : f32 to vector<16xf32>
          %mul3A_569 = arith.mulf %get3A_567, %mul3A_568 : vector<16xf32>
          %swap3A_570 = arith.index_cast %add3A_530 : i32 to index
          %swap3A_571 = arith.constant 48 : index
          %swap3A_572 = tpu.vector_load %arg10[%swap3A_570, %swap3A_571] {strides = array<i32>} : memref<128x128xf32, #tpu.memory_space<vmem>>, vector<1x16xf32>,
          %swap3A_573 = vector.shape_cast %swap3A_572 : vector<1x16xf32> to vector<16xf32>
          %swap3A_574 = vector.shape_cast %mul3A_569 : vector<16xf32> to vector<1x16xf32>
          tpu.vector_store %arg10[%swap3A_570, %swap3A_571], %swap3A_574 {strides = array<i32>} : memref<128x128xf32, #tpu.memory_space<vmem>>, vector<1x16xf32>,
          %get3A_575 = arith.index_cast %add3A_530 : i32 to index
          %get3A_576 = arith.constant 64 : index
          %get3A_577 = tpu.vector_load %arg10[%get3A_575, %get3A_576] {strides = array<i32>} : memref<128x128xf32, #tpu.memory_space<vmem>>, vector<1x16xf32>,
          %get3A_578 = vector.shape_cast %get3A_577 : vector<1x16xf32> to vector<16xf32>
          %mul3A_579 = vector.broadcast %squeeze3A_526 : f32 to vector<16xf32>
          %mul3A_580 = arith.mulf %get3A_578, %mul3A_579 : vector<16xf32>
          %swap3A_581 = arith.index_cast %add3A_530 : i32 to index
          %swap3A_582 = arith.constant 64 : index
          %swap3A_583 = tpu.vector_load %arg10[%swap3A_581, %swap3A_582] {strides = array<i32>} : memref<128x128xf32, #tpu.memory_space<vmem>>, vector<1x16xf32>,
          %swap3A_584 = vector.shape_cast %swap3A_583 : vector<1x16xf32> to vector<16xf32>
          %swap3A_585 = vector.shape_cast %mul3A_580 : vector<16xf32> to vector<1x16xf32>
          tpu.vector_store %arg10[%swap3A_581, %swap3A_582], %swap3A_585 {strides = array<i32>} : memref<128x128xf32, #tpu.memory_space<vmem>>, vector<1x16xf32>,
          %get3A_586 = arith.index_cast %add3A_530 : i32 to index
          %get3A_587 = arith.constant 80 : index
          %get3A_588 = tpu.vector_load %arg10[%get3A_586, %get3A_587] {strides = array<i32>} : memref<128x128xf32, #tpu.memory_space<vmem>>, vector<1x16xf32>,
          %get3A_589 = vector.shape_cast %get3A_588 : vector<1x16xf32> to vector<16xf32>
          %mul3A_590 = vector.broadcast %squeeze3A_526 : f32 to vector<16xf32>
          %mul3A_591 = arith.mulf %get3A_589, %mul3A_590 : vector<16xf32>
          %swap3A_592 = arith.index_cast %add3A_530 : i32 to index
          %swap3A_593 = arith.constant 80 : index
          %swap3A_594 = tpu.vector_load %arg10[%swap3A_592, %swap3A_593] {strides = array<i32>} : memref<128x128xf32, #tpu.memory_space<vmem>>, vector<1x16xf32>,
          %swap3A_595 = vector.shape_cast %swap3A_594 : vector<1x16xf32> to vector<16xf32>
          %swap3A_596 = vector.shape_cast %mul3A_591 : vector<16xf32> to vector<1x16xf32>
          tpu.vector_store %arg10[%swap3A_592, %swap3A_593], %swap3A_596 {strides = array<i32>} : memref<128x128xf32, #tpu.memory_space<vmem>>, vector<1x16xf32>,
          %get3A_597 = arith.index_cast %add3A_530 : i32 to index
          %get3A_598 = arith.constant 96 : index
          %get3A_599 = tpu.vector_load %arg10[%get3A_597, %get3A_598] {strides = array<i32>} : memref<128x128xf32, #tpu.memory_space<vmem>>, vector<1x16xf32>,
          %get3A_600 = vector.shape_cast %get3A_599 : vector<1x16xf32> to vector<16xf32>
          %mul3A_601 = vector.broadcast %squeeze3A_526 : f32 to vector<16xf32>
          %mul3A_602 = arith.mulf %get3A_600, %mul3A_601 : vector<16xf32>
          %swap3A_603 = arith.index_cast %add3A_530 : i32 to index
          %swap3A_604 = arith.constant 96 : index
          %swap3A_605 = tpu.vector_load %arg10[%swap3A_603, %swap3A_604] {strides = array<i32>} : memref<128x128xf32, #tpu.memory_space<vmem>>, vector<1x16xf32>,
          %swap3A_606 = vector.shape_cast %swap3A_605 : vector<1x16xf32> to vector<16xf32>
          %swap3A_607 = vector.shape_cast %mul3A_602 : vector<16xf32> to vector<1x16xf32>
          tpu.vector_store %arg10[%swap3A_603, %swap3A_604], %swap3A_607 {strides = array<i32>} : memref<128x128xf32, #tpu.memory_space<vmem>>, vector<1x16xf32>,
          %get3A_608 = arith.index_cast %add3A_530 : i32 to index
          %get3A_609 = arith.constant 112 : index
          %get3A_610 = tpu.vector_load %arg10[%get3A_608, %get3A_609] {strides = array<i32>} : memref<128x128xf32, #tpu.memory_space<vmem>>, vector<1x16xf32>,
          %get3A_611 = vector.shape_cast %get3A_610 : vector<1x16xf32> to vector<16xf32>
          %mul3A_612 = vector.broadcast %squeeze3A_526 : f32 to vector<16xf32>
          %mul3A_613 = arith.mulf %get3A_611, %mul3A_612 : vector<16xf32>
          %swap3A_614 = arith.index_cast %add3A_530 : i32 to index
          %swap3A_615 = arith.constant 112 : index
          %swap3A_616 = tpu.vector_load %arg10[%swap3A_614, %swap3A_615] {strides = array<i32>} : memref<128x128xf32, #tpu.memory_space<vmem>>, vector<1x16xf32>,
          %swap3A_617 = vector.shape_cast %swap3A_616 : vector<1x16xf32> to vector<16xf32>
          %swap3A_618 = vector.shape_cast %mul3A_613 : vector<16xf32> to vector<1x16xf32>
          tpu.vector_store %arg10[%swap3A_614, %swap3A_615], %swap3A_618 {strides = array<i32>} : memref<128x128xf32, #tpu.memory_space<vmem>>, vector<1x16xf32>,
          %slice3A_619 = vector.extract_strided_slice %get3A_57 {offsets = [6], sizes = [1], strides = [1]} : vector<16xf32> to vector<1xf32>
          %squeeze3A_620 = vector.extract %slice3A_619[0] : f32 from vector<1xf32>
          %mul3A_621 = arith.constant 16 : i32
          %mul3A_622 = arith.muli %scan3A_51, %mul3A_621 : i32
          %add3A_623 = arith.constant 6 : i32
          %add3A_624 = arith.addi %mul3A_622, %add3A_623 : i32
          %get3A_625 = arith.index_cast %add3A_624 : i32 to index
          %get3A_626 = arith.constant 0 : index
          %get3A_627 = tpu.vector_load %arg10[%get3A_625, %get3A_626] {strides = array<i32>} : memref<128x128xf32, #tpu.memory_space<vmem>>, vector<1x16xf32>,
          %get3A_628 = vector.shape_cast %get3A_627 : vector<1x16xf32> to vector<16xf32>
          %mul3A_629 = vector.broadcast %squeeze3A_620 : f32 to vector<16xf32>
          %mul3A_630 = arith.mulf %get3A_628, %mul3A_629 : vector<16xf32>
          %swap3A_631 = arith.index_cast %add3A_624 : i32 to index
          %swap3A_632 = arith.constant 0 : index
          %swap3A_633 = tpu.vector_load %arg10[%swap3A_631, %swap3A_632] {strides = array<i32>} : memref<128x128xf32, #tpu.memory_space<vmem>>, vector<1x16xf32>,
          %swap3A_634 = vector.shape_cast %swap3A_633 : vector<1x16xf32> to vector<16xf32>
          %swap3A_635 = vector.shape_cast %mul3A_630 : vector<16xf32> to vector<1x16xf32>
          tpu.vector_store %arg10[%swap3A_631, %swap3A_632], %swap3A_635 {strides = array<i32>} : memref<128x128xf32, #tpu.memory_space<vmem>>, vector<1x16xf32>,
          %get3A_636 = arith.index_cast %add3A_624 : i32 to index
          %get3A_637 = arith.constant 16 : index
          %get3A_638 = tpu.vector_load %arg10[%get3A_636, %get3A_637] {strides = array<i32>} : memref<128x128xf32, #tpu.memory_space<vmem>>, vector<1x16xf32>,
          %get3A_639 = vector.shape_cast %get3A_638 : vector<1x16xf32> to vector<16xf32>
          %mul3A_640 = vector.broadcast %squeeze3A_620 : f32 to vector<16xf32>
          %mul3A_641 = arith.mulf %get3A_639, %mul3A_640 : vector<16xf32>
          %swap3A_642 = arith.index_cast %add3A_624 : i32 to index
          %swap3A_643 = arith.constant 16 : index
          %swap3A_644 = tpu.vector_load %arg10[%swap3A_642, %swap3A_643] {strides = array<i32>} : memref<128x128xf32, #tpu.memory_space<vmem>>, vector<1x16xf32>,
          %swap3A_645 = vector.shape_cast %swap3A_644 : vector<1x16xf32> to vector<16xf32>
          %swap3A_646 = vector.shape_cast %mul3A_641 : vector<16xf32> to vector<1x16xf32>
          tpu.vector_store %arg10[%swap3A_642, %swap3A_643], %swap3A_646 {strides = array<i32>} : memref<128x128xf32, #tpu.memory_space<vmem>>, vector<1x16xf32>,
          %get3A_647 = arith.index_cast %add3A_624 : i32 to index
          %get3A_648 = arith.constant 32 : index
          %get3A_649 = tpu.vector_load %arg10[%get3A_647, %get3A_648] {strides = array<i32>} : memref<128x128xf32, #tpu.memory_space<vmem>>, vector<1x16xf32>,
          %get3A_650 = vector.shape_cast %get3A_649 : vector<1x16xf32> to vector<16xf32>
          %mul3A_651 = vector.broadcast %squeeze3A_620 : f32 to vector<16xf32>
          %mul3A_652 = arith.mulf %get3A_650, %mul3A_651 : vector<16xf32>
          %swap3A_653 = arith.index_cast %add3A_624 : i32 to index
          %swap3A_654 = arith.constant 32 : index
          %swap3A_655 = tpu.vector_load %arg10[%swap3A_653, %swap3A_654] {strides = array<i32>} : memref<128x128xf32, #tpu.memory_space<vmem>>, vector<1x16xf32>,
          %swap3A_656 = vector.shape_cast %swap3A_655 : vector<1x16xf32> to vector<16xf32>
          %swap3A_657 = vector.shape_cast %mul3A_652 : vector<16xf32> to vector<1x16xf32>
          tpu.vector_store %arg10[%swap3A_653, %swap3A_654], %swap3A_657 {strides = array<i32>} : memref<128x128xf32, #tpu.memory_space<vmem>>, vector<1x16xf32>,
          %get3A_658 = arith.index_cast %add3A_624 : i32 to index
          %get3A_659 = arith.constant 48 : index
          %get3A_660 = tpu.vector_load %arg10[%get3A_658, %get3A_659] {strides = array<i32>} : memref<128x128xf32, #tpu.memory_space<vmem>>, vector<1x16xf32>,
          %get3A_661 = vector.shape_cast %get3A_660 : vector<1x16xf32> to vector<16xf32>
          %mul3A_662 = vector.broadcast %squeeze3A_620 : f32 to vector<16xf32>
          %mul3A_663 = arith.mulf %get3A_661, %mul3A_662 : vector<16xf32>
          %swap3A_664 = arith.index_cast %add3A_624 : i32 to index
          %swap3A_665 = arith.constant 48 : index
          %swap3A_666 = tpu.vector_load %arg10[%swap3A_664, %swap3A_665] {strides = array<i32>} : memref<128x128xf32, #tpu.memory_space<vmem>>, vector<1x16xf32>,
          %swap3A_667 = vector.shape_cast %swap3A_666 : vector<1x16xf32> to vector<16xf32>
          %swap3A_668 = vector.shape_cast %mul3A_663 : vector<16xf32> to vector<1x16xf32>
          tpu.vector_store %arg10[%swap3A_664, %swap3A_665], %swap3A_668 {strides = array<i32>} : memref<128x128xf32, #tpu.memory_space<vmem>>, vector<1x16xf32>,
          %get3A_669 = arith.index_cast %add3A_624 : i32 to index
          %get3A_670 = arith.constant 64 : index
          %get3A_671 = tpu.vector_load %arg10[%get3A_669, %get3A_670] {strides = array<i32>} : memref<128x128xf32, #tpu.memory_space<vmem>>, vector<1x16xf32>,
          %get3A_672 = vector.shape_cast %get3A_671 : vector<1x16xf32> to vector<16xf32>
          %mul3A_673 = vector.broadcast %squeeze3A_620 : f32 to vector<16xf32>
          %mul3A_674 = arith.mulf %get3A_672, %mul3A_673 : vector<16xf32>
          %swap3A_675 = arith.index_cast %add3A_624 : i32 to index
          %swap3A_676 = arith.constant 64 : index
          %swap3A_677 = tpu.vector_load %arg10[%swap3A_675, %swap3A_676] {strides = array<i32>} : memref<128x128xf32, #tpu.memory_space<vmem>>, vector<1x16xf32>,
          %swap3A_678 = vector.shape_cast %swap3A_677 : vector<1x16xf32> to vector<16xf32>
          %swap3A_679 = vector.shape_cast %mul3A_674 : vector<16xf32> to vector<1x16xf32>
          tpu.vector_store %arg10[%swap3A_675, %swap3A_676], %swap3A_679 {strides = array<i32>} : memref<128x128xf32, #tpu.memory_space<vmem>>, vector<1x16xf32>,
          %get3A_680 = arith.index_cast %add3A_624 : i32 to index
          %get3A_681 = arith.constant 80 : index
          %get3A_682 = tpu.vector_load %arg10[%get3A_680, %get3A_681] {strides = array<i32>} : memref<128x128xf32, #tpu.memory_space<vmem>>, vector<1x16xf32>,
          %get3A_683 = vector.shape_cast %get3A_682 : vector<1x16xf32> to vector<16xf32>
          %mul3A_684 = vector.broadcast %squeeze3A_620 : f32 to vector<16xf32>
          %mul3A_685 = arith.mulf %get3A_683, %mul3A_684 : vector<16xf32>
          %swap3A_686 = arith.index_cast %add3A_624 : i32 to index
          %swap3A_687 = arith.constant 80 : index
          %swap3A_688 = tpu.vector_load %arg10[%swap3A_686, %swap3A_687] {strides = array<i32>} : memref<128x128xf32, #tpu.memory_space<vmem>>, vector<1x16xf32>,
          %swap3A_689 = vector.shape_cast %swap3A_688 : vector<1x16xf32> to vector<16xf32>
          %swap3A_690 = vector.shape_cast %mul3A_685 : vector<16xf32> to vector<1x16xf32>
          tpu.vector_store %arg10[%swap3A_686, %swap3A_687], %swap3A_690 {strides = array<i32>} : memref<128x128xf32, #tpu.memory_space<vmem>>, vector<1x16xf32>,
          %get3A_691 = arith.index_cast %add3A_624 : i32 to index
          %get3A_692 = arith.constant 96 : index
          %get3A_693 = tpu.vector_load %arg10[%get3A_691, %get3A_692] {strides = array<i32>} : memref<128x128xf32, #tpu.memory_space<vmem>>, vector<1x16xf32>,
          %get3A_694 = vector.shape_cast %get3A_693 : vector<1x16xf32> to vector<16xf32>
          %mul3A_695 = vector.broadcast %squeeze3A_620 : f32 to vector<16xf32>
          %mul3A_696 = arith.mulf %get3A_694, %mul3A_695 : vector<16xf32>
          %swap3A_697 = arith.index_cast %add3A_624 : i32 to index
          %swap3A_698 = arith.constant 96 : index
          %swap3A_699 = tpu.vector_load %arg10[%swap3A_697, %swap3A_698] {strides = array<i32>} : memref<128x128xf32, #tpu.memory_space<vmem>>, vector<1x16xf32>,
          %swap3A_700 = vector.shape_cast %swap3A_699 : vector<1x16xf32> to vector<16xf32>
          %swap3A_701 = vector.shape_cast %mul3A_696 : vector<16xf32> to vector<1x16xf32>
          tpu.vector_store %arg10[%swap3A_697, %swap3A_698], %swap3A_701 {strides = array<i32>} : memref<128x128xf32, #tpu.memory_space<vmem>>, vector<1x16xf32>,
          %get3A_702 = arith.index_cast %add3A_624 : i32 to index
          %get3A_703 = arith.constant 112 : index
          %get3A_704 = tpu.vector_load %arg10[%get3A_702, %get3A_703] {strides = array<i32>} : memref<128x128xf32, #tpu.memory_space<vmem>>, vector<1x16xf32>,
          %get3A_705 = vector.shape_cast %get3A_704 : vector<1x16xf32> to vector<16xf32>
          %mul3A_706 = vector.broadcast %squeeze3A_620 : f32 to vector<16xf32>
          %mul3A_707 = arith.mulf %get3A_705, %mul3A_706 : vector<16xf32>
          %swap3A_708 = arith.index_cast %add3A_624 : i32 to index
          %swap3A_709 = arith.constant 112 : index
          %swap3A_710 = tpu.vector_load %arg10[%swap3A_708, %swap3A_709] {strides = array<i32>} : memref<128x128xf32, #tpu.memory_space<vmem>>, vector<1x16xf32>,
          %swap3A_711 = vector.shape_cast %swap3A_710 : vector<1x16xf32> to vector<16xf32>
          %swap3A_712 = vector.shape_cast %mul3A_707 : vector<16xf32> to vector<1x16xf32>
          tpu.vector_store %arg10[%swap3A_708, %swap3A_709], %swap3A_712 {strides = array<i32>} : memref<128x128xf32, #tpu.memory_space<vmem>>, vector<1x16xf32>,
          %slice3A_713 = vector.extract_strided_slice %get3A_57 {offsets = [7], sizes = [1], strides = [1]} : vector<16xf32> to vector<1xf32>
          %squeeze3A_714 = vector.extract %slice3A_713[0] : f32 from vector<1xf32>
          %mul3A_715 = arith.constant 16 : i32
          %mul3A_716 = arith.muli %scan3A_51, %mul3A_715 : i32
          %add3A_717 = arith.constant 7 : i32
          %add3A_718 = arith.addi %mul3A_716, %add3A_717 : i32
          %get3A_719 = arith.index_cast %add3A_718 : i32 to index
          %get3A_720 = arith.constant 0 : index
          %get3A_721 = tpu.vector_load %arg10[%get3A_719, %get3A_720] {strides = array<i32>} : memref<128x128xf32, #tpu.memory_space<vmem>>, vector<1x16xf32>,
          %get3A_722 = vector.shape_cast %get3A_721 : vector<1x16xf32> to vector<16xf32>
          %mul3A_723 = vector.broadcast %squeeze3A_714 : f32 to vector<16xf32>
          %mul3A_724 = arith.mulf %get3A_722, %mul3A_723 : vector<16xf32>
          %swap3A_725 = arith.index_cast %add3A_718 : i32 to index
          %swap3A_726 = arith.constant 0 : index
          %swap3A_727 = tpu.vector_load %arg10[%swap3A_725, %swap3A_726] {strides = array<i32>} : memref<128x128xf32, #tpu.memory_space<vmem>>, vector<1x16xf32>,
          %swap3A_728 = vector.shape_cast %swap3A_727 : vector<1x16xf32> to vector<16xf32>
          %swap3A_729 = vector.shape_cast %mul3A_724 : vector<16xf32> to vector<1x16xf32>
          tpu.vector_store %arg10[%swap3A_725, %swap3A_726], %swap3A_729 {strides = array<i32>} : memref<128x128xf32, #tpu.memory_space<vmem>>, vector<1x16xf32>,
          %get3A_730 = arith.index_cast %add3A_718 : i32 to index
          %get3A_731 = arith.constant 16 : index
          %get3A_732 = tpu.vector_load %arg10[%get3A_730, %get3A_731] {strides = array<i32>} : memref<128x128xf32, #tpu.memory_space<vmem>>, vector<1x16xf32>,
          %get3A_733 = vector.shape_cast %get3A_732 : vector<1x16xf32> to vector<16xf32>
          %mul3A_734 = vector.broadcast %squeeze3A_714 : f32 to vector<16xf32>
          %mul3A_735 = arith.mulf %get3A_733, %mul3A_734 : vector<16xf32>
          %swap3A_736 = arith.index_cast %add3A_718 : i32 to index
          %swap3A_737 = arith.constant 16 : index
          %swap3A_738 = tpu.vector_load %arg10[%swap3A_736, %swap3A_737] {strides = array<i32>} : memref<128x128xf32, #tpu.memory_space<vmem>>, vector<1x16xf32>,
          %swap3A_739 = vector.shape_cast %swap3A_738 : vector<1x16xf32> to vector<16xf32>
          %swap3A_740 = vector.shape_cast %mul3A_735 : vector<16xf32> to vector<1x16xf32>
          tpu.vector_store %arg10[%swap3A_736, %swap3A_737], %swap3A_740 {strides = array<i32>} : memref<128x128xf32, #tpu.memory_space<vmem>>, vector<1x16xf32>,
          %get3A_741 = arith.index_cast %add3A_718 : i32 to index
          %get3A_742 = arith.constant 32 : index
          %get3A_743 = tpu.vector_load %arg10[%get3A_741, %get3A_742] {strides = array<i32>} : memref<128x128xf32, #tpu.memory_space<vmem>>, vector<1x16xf32>,
          %get3A_744 = vector.shape_cast %get3A_743 : vector<1x16xf32> to vector<16xf32>
          %mul3A_745 = vector.broadcast %squeeze3A_714 : f32 to vector<16xf32>
          %mul3A_746 = arith.mulf %get3A_744, %mul3A_745 : vector<16xf32>
          %swap3A_747 = arith.index_cast %add3A_718 : i32 to index
          %swap3A_748 = arith.constant 32 : index
          %swap3A_749 = tpu.vector_load %arg10[%swap3A_747, %swap3A_748] {strides = array<i32>} : memref<128x128xf32, #tpu.memory_space<vmem>>, vector<1x16xf32>,
          %swap3A_750 = vector.shape_cast %swap3A_749 : vector<1x16xf32> to vector<16xf32>
          %swap3A_751 = vector.shape_cast %mul3A_746 : vector<16xf32> to vector<1x16xf32>
          tpu.vector_store %arg10[%swap3A_747, %swap3A_748], %swap3A_751 {strides = array<i32>} : memref<128x128xf32, #tpu.memory_space<vmem>>, vector<1x16xf32>,
          %get3A_752 = arith.index_cast %add3A_718 : i32 to index
          %get3A_753 = arith.constant 48 : index
          %get3A_754 = tpu.vector_load %arg10[%get3A_752, %get3A_753] {strides = array<i32>} : memref<128x128xf32, #tpu.memory_space<vmem>>, vector<1x16xf32>,
          %get3A_755 = vector.shape_cast %get3A_754 : vector<1x16xf32> to vector<16xf32>
          %mul3A_756 = vector.broadcast %squeeze3A_714 : f32 to vector<16xf32>
          %mul3A_757 = arith.mulf %get3A_755, %mul3A_756 : vector<16xf32>
          %swap3A_758 = arith.index_cast %add3A_718 : i32 to index
          %swap3A_759 = arith.constant 48 : index
          %swap3A_760 = tpu.vector_load %arg10[%swap3A_758, %swap3A_759] {strides = array<i32>} : memref<128x128xf32, #tpu.memory_space<vmem>>, vector<1x16xf32>,
          %swap3A_761 = vector.shape_cast %swap3A_760 : vector<1x16xf32> to vector<16xf32>
          %swap3A_762 = vector.shape_cast %mul3A_757 : vector<16xf32> to vector<1x16xf32>
          tpu.vector_store %arg10[%swap3A_758, %swap3A_759], %swap3A_762 {strides = array<i32>} : memref<128x128xf32, #tpu.memory_space<vmem>>, vector<1x16xf32>,
          %get3A_763 = arith.index_cast %add3A_718 : i32 to index
          %get3A_764 = arith.constant 64 : index
          %get3A_765 = tpu.vector_load %arg10[%get3A_763, %get3A_764] {strides = array<i32>} : memref<128x128xf32, #tpu.memory_space<vmem>>, vector<1x16xf32>,
          %get3A_766 = vector.shape_cast %get3A_765 : vector<1x16xf32> to vector<16xf32>
          %mul3A_767 = vector.broadcast %squeeze3A_714 : f32 to vector<16xf32>
          %mul3A_768 = arith.mulf %get3A_766, %mul3A_767 : vector<16xf32>
          %swap3A_769 = arith.index_cast %add3A_718 : i32 to index
          %swap3A_770 = arith.constant 64 : index
          %swap3A_771 = tpu.vector_load %arg10[%swap3A_769, %swap3A_770] {strides = array<i32>} : memref<128x128xf32, #tpu.memory_space<vmem>>, vector<1x16xf32>,
          %swap3A_772 = vector.shape_cast %swap3A_771 : vector<1x16xf32> to vector<16xf32>
          %swap3A_773 = vector.shape_cast %mul3A_768 : vector<16xf32> to vector<1x16xf32>
          tpu.vector_store %arg10[%swap3A_769, %swap3A_770], %swap3A_773 {strides = array<i32>} : memref<128x128xf32, #tpu.memory_space<vmem>>, vector<1x16xf32>,
          %get3A_774 = arith.index_cast %add3A_718 : i32 to index
          %get3A_775 = arith.constant 80 : index
          %get3A_776 = tpu.vector_load %arg10[%get3A_774, %get3A_775] {strides = array<i32>} : memref<128x128xf32, #tpu.memory_space<vmem>>, vector<1x16xf32>,
          %get3A_777 = vector.shape_cast %get3A_776 : vector<1x16xf32> to vector<16xf32>
          %mul3A_778 = vector.broadcast %squeeze3A_714 : f32 to vector<16xf32>
          %mul3A_779 = arith.mulf %get3A_777, %mul3A_778 : vector<16xf32>
          %swap3A_780 = arith.index_cast %add3A_718 : i32 to index
          %swap3A_781 = arith.constant 80 : index
          %swap3A_782 = tpu.vector_load %arg10[%swap3A_780, %swap3A_781] {strides = array<i32>} : memref<128x128xf32, #tpu.memory_space<vmem>>, vector<1x16xf32>,
          %swap3A_783 = vector.shape_cast %swap3A_782 : vector<1x16xf32> to vector<16xf32>
          %swap3A_784 = vector.shape_cast %mul3A_779 : vector<16xf32> to vector<1x16xf32>
          tpu.vector_store %arg10[%swap3A_780, %swap3A_781], %swap3A_784 {strides = array<i32>} : memref<128x128xf32, #tpu.memory_space<vmem>>, vector<1x16xf32>,
          %get3A_785 = arith.index_cast %add3A_718 : i32 to index
          %get3A_786 = arith.constant 96 : index
          %get3A_787 = tpu.vector_load %arg10[%get3A_785, %get3A_786] {strides = array<i32>} : memref<128x128xf32, #tpu.memory_space<vmem>>, vector<1x16xf32>,
          %get3A_788 = vector.shape_cast %get3A_787 : vector<1x16xf32> to vector<16xf32>
          %mul3A_789 = vector.broadcast %squeeze3A_714 : f32 to vector<16xf32>
          %mul3A_790 = arith.mulf %get3A_788, %mul3A_789 : vector<16xf32>
          %swap3A_791 = arith.index_cast %add3A_718 : i32 to index
          %swap3A_792 = arith.constant 96 : index
          %swap3A_793 = tpu.vector_load %arg10[%swap3A_791, %swap3A_792] {strides = array<i32>} : memref<128x128xf32, #tpu.memory_space<vmem>>, vector<1x16xf32>,
          %swap3A_794 = vector.shape_cast %swap3A_793 : vector<1x16xf32> to vector<16xf32>
          %swap3A_795 = vector.shape_cast %mul3A_790 : vector<16xf32> to vector<1x16xf32>
          tpu.vector_store %arg10[%swap3A_791, %swap3A_792], %swap3A_795 {strides = array<i32>} : memref<128x128xf32, #tpu.memory_space<vmem>>, vector<1x16xf32>,
          %get3A_796 = arith.index_cast %add3A_718 : i32 to index
          %get3A_797 = arith.constant 112 : index
          %get3A_798 = tpu.vector_load %arg10[%get3A_796, %get3A_797] {strides = array<i32>} : memref<128x128xf32, #tpu.memory_space<vmem>>, vector<1x16xf32>,
          %get3A_799 = vector.shape_cast %get3A_798 : vector<1x16xf32> to vector<16xf32>
          %mul3A_800 = vector.broadcast %squeeze3A_714 : f32 to vector<16xf32>
          %mul3A_801 = arith.mulf %get3A_799, %mul3A_800 : vector<16xf32>
          %swap3A_802 = arith.index_cast %add3A_718 : i32 to index
          %swap3A_803 = arith.constant 112 : index
          %swap3A_804 = tpu.vector_load %arg10[%swap3A_802, %swap3A_803] {strides = array<i32>} : memref<128x128xf32, #tpu.memory_space<vmem>>, vector<1x16xf32>,
          %swap3A_805 = vector.shape_cast %swap3A_804 : vector<1x16xf32> to vector<16xf32>
          %swap3A_806 = vector.shape_cast %mul3A_801 : vector<16xf32> to vector<1x16xf32>
          tpu.vector_store %arg10[%swap3A_802, %swap3A_803], %swap3A_806 {strides = array<i32>} : memref<128x128xf32, #tpu.memory_space<vmem>>, vector<1x16xf32>,
          %slice3A_807 = vector.extract_strided_slice %get3A_57 {offsets = [8], sizes = [1], strides = [1]} : vector<16xf32> to vector<1xf32>
          %squeeze3A_808 = vector.extract %slice3A_807[0] : f32 from vector<1xf32>
          %mul3A_809 = arith.constant 16 : i32
          %mul3A_810 = arith.muli %scan3A_51, %mul3A_809 : i32
          %add3A_811 = arith.constant 8 : i32
          %add3A_812 = arith.addi %mul3A_810, %add3A_811 : i32
          %get3A_813 = arith.index_cast %add3A_812 : i32 to index
          %get3A_814 = arith.constant 0 : index
          %get3A_815 = tpu.vector_load %arg10[%get3A_813, %get3A_814] {strides = array<i32>} : memref<128x128xf32, #tpu.memory_space<vmem>>, vector<1x16xf32>,
          %get3A_816 = vector.shape_cast %get3A_815 : vector<1x16xf32> to vector<16xf32>
          %mul3A_817 = vector.broadcast %squeeze3A_808 : f32 to vector<16xf32>
          %mul3A_818 = arith.mulf %get3A_816, %mul3A_817 : vector<16xf32>
          %swap3A_819 = arith.index_cast %add3A_812 : i32 to index
          %swap3A_820 = arith.constant 0 : index
          %swap3A_821 = tpu.vector_load %arg10[%swap3A_819, %swap3A_820] {strides = array<i32>} : memref<128x128xf32, #tpu.memory_space<vmem>>, vector<1x16xf32>,
          %swap3A_822 = vector.shape_cast %swap3A_821 : vector<1x16xf32> to vector<16xf32>
          %swap3A_823 = vector.shape_cast %mul3A_818 : vector<16xf32> to vector<1x16xf32>
          tpu.vector_store %arg10[%swap3A_819, %swap3A_820], %swap3A_823 {strides = array<i32>} : memref<128x128xf32, #tpu.memory_space<vmem>>, vector<1x16xf32>,
          %get3A_824 = arith.index_cast %add3A_812 : i32 to index
          %get3A_825 = arith.constant 16 : index
          %get3A_826 = tpu.vector_load %arg10[%get3A_824, %get3A_825] {strides = array<i32>} : memref<128x128xf32, #tpu.memory_space<vmem>>, vector<1x16xf32>,
          %get3A_827 = vector.shape_cast %get3A_826 : vector<1x16xf32> to vector<16xf32>
          %mul3A_828 = vector.broadcast %squeeze3A_808 : f32 to vector<16xf32>
          %mul3A_829 = arith.mulf %get3A_827, %mul3A_828 : vector<16xf32>
          %swap3A_830 = arith.index_cast %add3A_812 : i32 to index
          %swap3A_831 = arith.constant 16 : index
          %swap3A_832 = tpu.vector_load %arg10[%swap3A_830, %swap3A_831] {strides = array<i32>} : memref<128x128xf32, #tpu.memory_space<vmem>>, vector<1x16xf32>,
          %swap3A_833 = vector.shape_cast %swap3A_832 : vector<1x16xf32> to vector<16xf32>
          %swap3A_834 = vector.shape_cast %mul3A_829 : vector<16xf32> to vector<1x16xf32>
          tpu.vector_store %arg10[%swap3A_830, %swap3A_831], %swap3A_834 {strides = array<i32>} : memref<128x128xf32, #tpu.memory_space<vmem>>, vector<1x16xf32>,
          %get3A_835 = arith.index_cast %add3A_812 : i32 to index
          %get3A_836 = arith.constant 32 : index
          %get3A_837 = tpu.vector_load %arg10[%get3A_835, %get3A_836] {strides = array<i32>} : memref<128x128xf32, #tpu.memory_space<vmem>>, vector<1x16xf32>,
          %get3A_838 = vector.shape_cast %get3A_837 : vector<1x16xf32> to vector<16xf32>
          %mul3A_839 = vector.broadcast %squeeze3A_808 : f32 to vector<16xf32>
          %mul3A_840 = arith.mulf %get3A_838, %mul3A_839 : vector<16xf32>
          %swap3A_841 = arith.index_cast %add3A_812 : i32 to index
          %swap3A_842 = arith.constant 32 : index
          %swap3A_843 = tpu.vector_load %arg10[%swap3A_841, %swap3A_842] {strides = array<i32>} : memref<128x128xf32, #tpu.memory_space<vmem>>, vector<1x16xf32>,
          %swap3A_844 = vector.shape_cast %swap3A_843 : vector<1x16xf32> to vector<16xf32>
          %swap3A_845 = vector.shape_cast %mul3A_840 : vector<16xf32> to vector<1x16xf32>
          tpu.vector_store %arg10[%swap3A_841, %swap3A_842], %swap3A_845 {strides = array<i32>} : memref<128x128xf32, #tpu.memory_space<vmem>>, vector<1x16xf32>,
          %get3A_846 = arith.index_cast %add3A_812 : i32 to index
          %get3A_847 = arith.constant 48 : index
          %get3A_848 = tpu.vector_load %arg10[%get3A_846, %get3A_847] {strides = array<i32>} : memref<128x128xf32, #tpu.memory_space<vmem>>, vector<1x16xf32>,
          %get3A_849 = vector.shape_cast %get3A_848 : vector<1x16xf32> to vector<16xf32>
          %mul3A_850 = vector.broadcast %squeeze3A_808 : f32 to vector<16xf32>
          %mul3A_851 = arith.mulf %get3A_849, %mul3A_850 : vector<16xf32>
          %swap3A_852 = arith.index_cast %add3A_812 : i32 to index
          %swap3A_853 = arith.constant 48 : index
          %swap3A_854 = tpu.vector_load %arg10[%swap3A_852, %swap3A_853] {strides = array<i32>} : memref<128x128xf32, #tpu.memory_space<vmem>>, vector<1x16xf32>,
          %swap3A_855 = vector.shape_cast %swap3A_854 : vector<1x16xf32> to vector<16xf32>
          %swap3A_856 = vector.shape_cast %mul3A_851 : vector<16xf32> to vector<1x16xf32>
          tpu.vector_store %arg10[%swap3A_852, %swap3A_853], %swap3A_856 {strides = array<i32>} : memref<128x128xf32, #tpu.memory_space<vmem>>, vector<1x16xf32>,
          %get3A_857 = arith.index_cast %add3A_812 : i32 to index
          %get3A_858 = arith.constant 64 : index
          %get3A_859 = tpu.vector_load %arg10[%get3A_857, %get3A_858] {strides = array<i32>} : memref<128x128xf32, #tpu.memory_space<vmem>>, vector<1x16xf32>,
          %get3A_860 = vector.shape_cast %get3A_859 : vector<1x16xf32> to vector<16xf32>
          %mul3A_861 = vector.broadcast %squeeze3A_808 : f32 to vector<16xf32>
          %mul3A_862 = arith.mulf %get3A_860, %mul3A_861 : vector<16xf32>
          %swap3A_863 = arith.index_cast %add3A_812 : i32 to index
          %swap3A_864 = arith.constant 64 : index
          %swap3A_865 = tpu.vector_load %arg10[%swap3A_863, %swap3A_864] {strides = array<i32>} : memref<128x128xf32, #tpu.memory_space<vmem>>, vector<1x16xf32>,
          %swap3A_866 = vector.shape_cast %swap3A_865 : vector<1x16xf32> to vector<16xf32>
          %swap3A_867 = vector.shape_cast %mul3A_862 : vector<16xf32> to vector<1x16xf32>
          tpu.vector_store %arg10[%swap3A_863, %swap3A_864], %swap3A_867 {strides = array<i32>} : memref<128x128xf32, #tpu.memory_space<vmem>>, vector<1x16xf32>,
          %get3A_868 = arith.index_cast %add3A_812 : i32 to index
          %get3A_869 = arith.constant 80 : index
          %get3A_870 = tpu.vector_load %arg10[%get3A_868, %get3A_869] {strides = array<i32>} : memref<128x128xf32, #tpu.memory_space<vmem>>, vector<1x16xf32>,
          %get3A_871 = vector.shape_cast %get3A_870 : vector<1x16xf32> to vector<16xf32>
          %mul3A_872 = vector.broadcast %squeeze3A_808 : f32 to vector<16xf32>
          %mul3A_873 = arith.mulf %get3A_871, %mul3A_872 : vector<16xf32>
          %swap3A_874 = arith.index_cast %add3A_812 : i32 to index
          %swap3A_875 = arith.constant 80 : index
          %swap3A_876 = tpu.vector_load %arg10[%swap3A_874, %swap3A_875] {strides = array<i32>} : memref<128x128xf32, #tpu.memory_space<vmem>>, vector<1x16xf32>,
          %swap3A_877 = vector.shape_cast %swap3A_876 : vector<1x16xf32> to vector<16xf32>
          %swap3A_878 = vector.shape_cast %mul3A_873 : vector<16xf32> to vector<1x16xf32>
          tpu.vector_store %arg10[%swap3A_874, %swap3A_875], %swap3A_878 {strides = array<i32>} : memref<128x128xf32, #tpu.memory_space<vmem>>, vector<1x16xf32>,
          %get3A_879 = arith.index_cast %add3A_812 : i32 to index
          %get3A_880 = arith.constant 96 : index
          %get3A_881 = tpu.vector_load %arg10[%get3A_879, %get3A_880] {strides = array<i32>} : memref<128x128xf32, #tpu.memory_space<vmem>>, vector<1x16xf32>,
          %get3A_882 = vector.shape_cast %get3A_881 : vector<1x16xf32> to vector<16xf32>
          %mul3A_883 = vector.broadcast %squeeze3A_808 : f32 to vector<16xf32>
          %mul3A_884 = arith.mulf %get3A_882, %mul3A_883 : vector<16xf32>
          %swap3A_885 = arith.index_cast %add3A_812 : i32 to index
          %swap3A_886 = arith.constant 96 : index
          %swap3A_887 = tpu.vector_load %arg10[%swap3A_885, %swap3A_886] {strides = array<i32>} : memref<128x128xf32, #tpu.memory_space<vmem>>, vector<1x16xf32>,
          %swap3A_888 = vector.shape_cast %swap3A_887 : vector<1x16xf32> to vector<16xf32>
          %swap3A_889 = vector.shape_cast %mul3A_884 : vector<16xf32> to vector<1x16xf32>
          tpu.vector_store %arg10[%swap3A_885, %swap3A_886], %swap3A_889 {strides = array<i32>} : memref<128x128xf32, #tpu.memory_space<vmem>>, vector<1x16xf32>,
          %get3A_890 = arith.index_cast %add3A_812 : i32 to index
          %get3A_891 = arith.constant 112 : index
          %get3A_892 = tpu.vector_load %arg10[%get3A_890, %get3A_891] {strides = array<i32>} : memref<128x128xf32, #tpu.memory_space<vmem>>, vector<1x16xf32>,
          %get3A_893 = vector.shape_cast %get3A_892 : vector<1x16xf32> to vector<16xf32>
          %mul3A_894 = vector.broadcast %squeeze3A_808 : f32 to vector<16xf32>
          %mul3A_895 = arith.mulf %get3A_893, %mul3A_894 : vector<16xf32>
          %swap3A_896 = arith.index_cast %add3A_812 : i32 to index
          %swap3A_897 = arith.constant 112 : index
          %swap3A_898 = tpu.vector_load %arg10[%swap3A_896, %swap3A_897] {strides = array<i32>} : memref<128x128xf32, #tpu.memory_space<vmem>>, vector<1x16xf32>,
          %swap3A_899 = vector.shape_cast %swap3A_898 : vector<1x16xf32> to vector<16xf32>
          %swap3A_900 = vector.shape_cast %mul3A_895 : vector<16xf32> to vector<1x16xf32>
          tpu.vector_store %arg10[%swap3A_896, %swap3A_897], %swap3A_900 {strides = array<i32>} : memref<128x128xf32, #tpu.memory_space<vmem>>, vector<1x16xf32>,
          %slice3A_901 = vector.extract_strided_slice %get3A_57 {offsets = [9], sizes = [1], strides = [1]} : vector<16xf32> to vector<1xf32>
          %squeeze3A_902 = vector.extract %slice3A_901[0] : f32 from vector<1xf32>
          %mul3A_903 = arith.constant 16 : i32
          %mul3A_904 = arith.muli %scan3A_51, %mul3A_903 : i32
          %add3A_905 = arith.constant 9 : i32
          %add3A_906 = arith.addi %mul3A_904, %add3A_905 : i32
          %get3A_907 = arith.index_cast %add3A_906 : i32 to index
          %get3A_908 = arith.constant 0 : index
          %get3A_909 = tpu.vector_load %arg10[%get3A_907, %get3A_908] {strides = array<i32>} : memref<128x128xf32, #tpu.memory_space<vmem>>, vector<1x16xf32>,
          %get3A_910 = vector.shape_cast %get3A_909 : vector<1x16xf32> to vector<16xf32>
          %mul3A_911 = vector.broadcast %squeeze3A_902 : f32 to vector<16xf32>
          %mul3A_912 = arith.mulf %get3A_910, %mul3A_911 : vector<16xf32>
          %swap3A_913 = arith.index_cast %add3A_906 : i32 to index
          %swap3A_914 = arith.constant 0 : index
          %swap3A_915 = tpu.vector_load %arg10[%swap3A_913, %swap3A_914] {strides = array<i32>} : memref<128x128xf32, #tpu.memory_space<vmem>>, vector<1x16xf32>,
          %swap3A_916 = vector.shape_cast %swap3A_915 : vector<1x16xf32> to vector<16xf32>
          %swap3A_917 = vector.shape_cast %mul3A_912 : vector<16xf32> to vector<1x16xf32>
          tpu.vector_store %arg10[%swap3A_913, %swap3A_914], %swap3A_917 {strides = array<i32>} : memref<128x128xf32, #tpu.memory_space<vmem>>, vector<1x16xf32>,
          %get3A_918 = arith.index_cast %add3A_906 : i32 to index
          %get3A_919 = arith.constant 16 : index
          %get3A_920 = tpu.vector_load %arg10[%get3A_918, %get3A_919] {strides = array<i32>} : memref<128x128xf32, #tpu.memory_space<vmem>>, vector<1x16xf32>,
          %get3A_921 = vector.shape_cast %get3A_920 : vector<1x16xf32> to vector<16xf32>
          %mul3A_922 = vector.broadcast %squeeze3A_902 : f32 to vector<16xf32>
          %mul3A_923 = arith.mulf %get3A_921, %mul3A_922 : vector<16xf32>
          %swap3A_924 = arith.index_cast %add3A_906 : i32 to index
          %swap3A_925 = arith.constant 16 : index
          %swap3A_926 = tpu.vector_load %arg10[%swap3A_924, %swap3A_925] {strides = array<i32>} : memref<128x128xf32, #tpu.memory_space<vmem>>, vector<1x16xf32>,
          %swap3A_927 = vector.shape_cast %swap3A_926 : vector<1x16xf32> to vector<16xf32>
          %swap3A_928 = vector.shape_cast %mul3A_923 : vector<16xf32> to vector<1x16xf32>
          tpu.vector_store %arg10[%swap3A_924, %swap3A_925], %swap3A_928 {strides = array<i32>} : memref<128x128xf32, #tpu.memory_space<vmem>>, vector<1x16xf32>,
          %get3A_929 = arith.index_cast %add3A_906 : i32 to index
          %get3A_930 = arith.constant 32 : index
          %get3A_931 = tpu.vector_load %arg10[%get3A_929, %get3A_930] {strides = array<i32>} : memref<128x128xf32, #tpu.memory_space<vmem>>, vector<1x16xf32>,
          %get3A_932 = vector.shape_cast %get3A_931 : vector<1x16xf32> to vector<16xf32>
          %mul3A_933 = vector.broadcast %squeeze3A_902 : f32 to vector<16xf32>
          %mul3A_934 = arith.mulf %get3A_932, %mul3A_933 : vector<16xf32>
          %swap3A_935 = arith.index_cast %add3A_906 : i32 to index
          %swap3A_936 = arith.constant 32 : index
          %swap3A_937 = tpu.vector_load %arg10[%swap3A_935, %swap3A_936] {strides = array<i32>} : memref<128x128xf32, #tpu.memory_space<vmem>>, vector<1x16xf32>,
          %swap3A_938 = vector.shape_cast %swap3A_937 : vector<1x16xf32> to vector<16xf32>
          %swap3A_939 = vector.shape_cast %mul3A_934 : vector<16xf32> to vector<1x16xf32>
          tpu.vector_store %arg10[%swap3A_935, %swap3A_936], %swap3A_939 {strides = array<i32>} : memref<128x128xf32, #tpu.memory_space<vmem>>, vector<1x16xf32>,
          %get3A_940 = arith.index_cast %add3A_906 : i32 to index
          %get3A_941 = arith.constant 48 : index
          %get3A_942 = tpu.vector_load %arg10[%get3A_940, %get3A_941] {strides = array<i32>} : memref<128x128xf32, #tpu.memory_space<vmem>>, vector<1x16xf32>,
          %get3A_943 = vector.shape_cast %get3A_942 : vector<1x16xf32> to vector<16xf32>
          %mul3A_944 = vector.broadcast %squeeze3A_902 : f32 to vector<16xf32>
          %mul3A_945 = arith.mulf %get3A_943, %mul3A_944 : vector<16xf32>
          %swap3A_946 = arith.index_cast %add3A_906 : i32 to index
          %swap3A_947 = arith.constant 48 : index
          %swap3A_948 = tpu.vector_load %arg10[%swap3A_946, %swap3A_947] {strides = array<i32>} : memref<128x128xf32, #tpu.memory_space<vmem>>, vector<1x16xf32>,
          %swap3A_949 = vector.shape_cast %swap3A_948 : vector<1x16xf32> to vector<16xf32>
          %swap3A_950 = vector.shape_cast %mul3A_945 : vector<16xf32> to vector<1x16xf32>
          tpu.vector_store %arg10[%swap3A_946, %swap3A_947], %swap3A_950 {strides = array<i32>} : memref<128x128xf32, #tpu.memory_space<vmem>>, vector<1x16xf32>,
          %get3A_951 = arith.index_cast %add3A_906 : i32 to index
          %get3A_952 = arith.constant 64 : index
          %get3A_953 = tpu.vector_load %arg10[%get3A_951, %get3A_952] {strides = array<i32>} : memref<128x128xf32, #tpu.memory_space<vmem>>, vector<1x16xf32>,
          %get3A_954 = vector.shape_cast %get3A_953 : vector<1x16xf32> to vector<16xf32>
          %mul3A_955 = vector.broadcast %squeeze3A_902 : f32 to vector<16xf32>
          %mul3A_956 = arith.mulf %get3A_954, %mul3A_955 : vector<16xf32>
          %swap3A_957 = arith.index_cast %add3A_906 : i32 to index
          %swap3A_958 = arith.constant 64 : index
          %swap3A_959 = tpu.vector_load %arg10[%swap3A_957, %swap3A_958] {strides = array<i32>} : memref<128x128xf32, #tpu.memory_space<vmem>>, vector<1x16xf32>,
          %swap3A_960 = vector.shape_cast %swap3A_959 : vector<1x16xf32> to vector<16xf32>
          %swap3A_961 = vector.shape_cast %mul3A_956 : vector<16xf32> to vector<1x16xf32>
          tpu.vector_store %arg10[%swap3A_957, %swap3A_958], %swap3A_961 {strides = array<i32>} : memref<128x128xf32, #tpu.memory_space<vmem>>, vector<1x16xf32>,
          %get3A_962 = arith.index_cast %add3A_906 : i32 to index
          %get3A_963 = arith.constant 80 : index
          %get3A_964 = tpu.vector_load %arg10[%get3A_962, %get3A_963] {strides = array<i32>} : memref<128x128xf32, #tpu.memory_space<vmem>>, vector<1x16xf32>,
          %get3A_965 = vector.shape_cast %get3A_964 : vector<1x16xf32> to vector<16xf32>
          %mul3A_966 = vector.broadcast %squeeze3A_902 : f32 to vector<16xf32>
          %mul3A_967 = arith.mulf %get3A_965, %mul3A_966 : vector<16xf32>
          %swap3A_968 = arith.index_cast %add3A_906 : i32 to index
          %swap3A_969 = arith.constant 80 : index
          %swap3A_970 = tpu.vector_load %arg10[%swap3A_968, %swap3A_969] {strides = array<i32>} : memref<128x128xf32, #tpu.memory_space<vmem>>, vector<1x16xf32>,
          %swap3A_971 = vector.shape_cast %swap3A_970 : vector<1x16xf32> to vector<16xf32>
          %swap3A_972 = vector.shape_cast %mul3A_967 : vector<16xf32> to vector<1x16xf32>
          tpu.vector_store %arg10[%swap3A_968, %swap3A_969], %swap3A_972 {strides = array<i32>} : memref<128x128xf32, #tpu.memory_space<vmem>>, vector<1x16xf32>,
          %get3A_973 = arith.index_cast %add3A_906 : i32 to index
          %get3A_974 = arith.constant 96 : index
          %get3A_975 = tpu.vector_load %arg10[%get3A_973, %get3A_974] {strides = array<i32>} : memref<128x128xf32, #tpu.memory_space<vmem>>, vector<1x16xf32>,
          %get3A_976 = vector.shape_cast %get3A_975 : vector<1x16xf32> to vector<16xf32>
          %mul3A_977 = vector.broadcast %squeeze3A_902 : f32 to vector<16xf32>
          %mul3A_978 = arith.mulf %get3A_976, %mul3A_977 : vector<16xf32>
          %swap3A_979 = arith.index_cast %add3A_906 : i32 to index
          %swap3A_980 = arith.constant 96 : index
          %swap3A_981 = tpu.vector_load %arg10[%swap3A_979, %swap3A_980] {strides = array<i32>} : memref<128x128xf32, #tpu.memory_space<vmem>>, vector<1x16xf32>,
          %swap3A_982 = vector.shape_cast %swap3A_981 : vector<1x16xf32> to vector<16xf32>
          %swap3A_983 = vector.shape_cast %mul3A_978 : vector<16xf32> to vector<1x16xf32>
          tpu.vector_store %arg10[%swap3A_979, %swap3A_980], %swap3A_983 {strides = array<i32>} : memref<128x128xf32, #tpu.memory_space<vmem>>, vector<1x16xf32>,
          %get3A_984 = arith.index_cast %add3A_906 : i32 to index
          %get3A_985 = arith.constant 112 : index
          %get3A_986 = tpu.vector_load %arg10[%get3A_984, %get3A_985] {strides = array<i32>} : memref<128x128xf32, #tpu.memory_space<vmem>>, vector<1x16xf32>,
          %get3A_987 = vector.shape_cast %get3A_986 : vector<1x16xf32> to vector<16xf32>
          %mul3A_988 = vector.broadcast %squeeze3A_902 : f32 to vector<16xf32>
          %mul3A_989 = arith.mulf %get3A_987, %mul3A_988 : vector<16xf32>
          %swap3A_990 = arith.index_cast %add3A_906 : i32 to index
          %swap3A_991 = arith.constant 112 : index
          %swap3A_992 = tpu.vector_load %arg10[%swap3A_990, %swap3A_991] {strides = array<i32>} : memref<128x128xf32, #tpu.memory_space<vmem>>, vector<1x16xf32>,
          %swap3A_993 = vector.shape_cast %swap3A_992 : vector<1x16xf32> to vector<16xf32>
          %swap3A_994 = vector.shape_cast %mul3A_989 : vector<16xf32> to vector<1x16xf32>
          tpu.vector_store %arg10[%swap3A_990, %swap3A_991], %swap3A_994 {strides = array<i32>} : memref<128x128xf32, #tpu.memory_space<vmem>>, vector<1x16xf32>,
          %slice3A_995 = vector.extract_strided_slice %get3A_57 {offsets = [10], sizes = [1], strides = [1]} : vector<16xf32> to vector<1xf32>
          %squeeze3A_996 = vector.extract %slice3A_995[0] : f32 from vector<1xf32>
          %mul3A_997 = arith.constant 16 : i32
          %mul3A_998 = arith.muli %scan3A_51, %mul3A_997 : i32
          %add3A_999 = arith.constant 10 : i32
          %add3A_1000 = arith.addi %mul3A_998, %add3A_999 : i32
          %get3A_1001 = arith.index_cast %add3A_1000 : i32 to index
          %get3A_1002 = arith.constant 0 : index
          %get3A_1003 = tpu.vector_load %arg10[%get3A_1001, %get3A_1002] {strides = array<i32>} : memref<128x128xf32, #tpu.memory_space<vmem>>, vector<1x16xf32>,
          %get3A_1004 = vector.shape_cast %get3A_1003 : vector<1x16xf32> to vector<16xf32>
          %mul3A_1005 = vector.broadcast %squeeze3A_996 : f32 to vector<16xf32>
          %mul3A_1006 = arith.mulf %get3A_1004, %mul3A_1005 : vector<16xf32>
          %swap3A_1007 = arith.index_cast %add3A_1000 : i32 to index
          %swap3A_1008 = arith.constant 0 : index
          %swap3A_1009 = tpu.vector_load %arg10[%swap3A_1007, %swap3A_1008] {strides = array<i32>} : memref<128x128xf32, #tpu.memory_space<vmem>>, vector<1x16xf32>,
          %swap3A_1010 = vector.shape_cast %swap3A_1009 : vector<1x16xf32> to vector<16xf32>
          %swap3A_1011 = vector.shape_cast %mul3A_1006 : vector<16xf32> to vector<1x16xf32>
          tpu.vector_store %arg10[%swap3A_1007, %swap3A_1008], %swap3A_1011 {strides = array<i32>} : memref<128x128xf32, #tpu.memory_space<vmem>>, vector<1x16xf32>,
          %get3A_1012 = arith.index_cast %add3A_1000 : i32 to index
          %get3A_1013 = arith.constant 16 : index
          %get3A_1014 = tpu.vector_load %arg10[%get3A_1012, %get3A_1013] {strides = array<i32>} : memref<128x128xf32, #tpu.memory_space<vmem>>, vector<1x16xf32>,
          %get3A_1015 = vector.shape_cast %get3A_1014 : vector<1x16xf32> to vector<16xf32>
          %mul3A_1016 = vector.broadcast %squeeze3A_996 : f32 to vector<16xf32>
          %mul3A_1017 = arith.mulf %get3A_1015, %mul3A_1016 : vector<16xf32>
          %swap3A_1018 = arith.index_cast %add3A_1000 : i32 to index
          %swap3A_1019 = arith.constant 16 : index
          %swap3A_1020 = tpu.vector_load %arg10[%swap3A_1018, %swap3A_1019] {strides = array<i32>} : memref<128x128xf32, #tpu.memory_space<vmem>>, vector<1x16xf32>,
          %swap3A_1021 = vector.shape_cast %swap3A_1020 : vector<1x16xf32> to vector<16xf32>
          %swap3A_1022 = vector.shape_cast %mul3A_1017 : vector<16xf32> to vector<1x16xf32>
          tpu.vector_store %arg10[%swap3A_1018, %swap3A_1019], %swap3A_1022 {strides = array<i32>} : memref<128x128xf32, #tpu.memory_space<vmem>>, vector<1x16xf32>,
          %get3A_1023 = arith.index_cast %add3A_1000 : i32 to index
          %get3A_1024 = arith.constant 32 : index
          %get3A_1025 = tpu.vector_load %arg10[%get3A_1023, %get3A_1024] {strides = array<i32>} : memref<128x128xf32, #tpu.memory_space<vmem>>, vector<1x16xf32>,
          %get3A_1026 = vector.shape_cast %get3A_1025 : vector<1x16xf32> to vector<16xf32>
          %mul3A_1027 = vector.broadcast %squeeze3A_996 : f32 to vector<16xf32>
          %mul3A_1028 = arith.mulf %get3A_1026, %mul3A_1027 : vector<16xf32>
          %swap3A_1029 = arith.index_cast %add3A_1000 : i32 to index
          %swap3A_1030 = arith.constant 32 : index
          %swap3A_1031 = tpu.vector_load %arg10[%swap3A_1029, %swap3A_1030] {strides = array<i32>} : memref<128x128xf32, #tpu.memory_space<vmem>>, vector<1x16xf32>,
          %swap3A_1032 = vector.shape_cast %swap3A_1031 : vector<1x16xf32> to vector<16xf32>
          %swap3A_1033 = vector.shape_cast %mul3A_1028 : vector<16xf32> to vector<1x16xf32>
          tpu.vector_store %arg10[%swap3A_1029, %swap3A_1030], %swap3A_1033 {strides = array<i32>} : memref<128x128xf32, #tpu.memory_space<vmem>>, vector<1x16xf32>,
          %get3A_1034 = arith.index_cast %add3A_1000 : i32 to index
          %get3A_1035 = arith.constant 48 : index
          %get3A_1036 = tpu.vector_load %arg10[%get3A_1034, %get3A_1035] {strides = array<i32>} : memref<128x128xf32, #tpu.memory_space<vmem>>, vector<1x16xf32>,
          %get3A_1037 = vector.shape_cast %get3A_1036 : vector<1x16xf32> to vector<16xf32>
          %mul3A_1038 = vector.broadcast %squeeze3A_996 : f32 to vector<16xf32>
          %mul3A_1039 = arith.mulf %get3A_1037, %mul3A_1038 : vector<16xf32>
          %swap3A_1040 = arith.index_cast %add3A_1000 : i32 to index
          %swap3A_1041 = arith.constant 48 : index
          %swap3A_1042 = tpu.vector_load %arg10[%swap3A_1040, %swap3A_1041] {strides = array<i32>} : memref<128x128xf32, #tpu.memory_space<vmem>>, vector<1x16xf32>,
          %swap3A_1043 = vector.shape_cast %swap3A_1042 : vector<1x16xf32> to vector<16xf32>
          %swap3A_1044 = vector.shape_cast %mul3A_1039 : vector<16xf32> to vector<1x16xf32>
          tpu.vector_store %arg10[%swap3A_1040, %swap3A_1041], %swap3A_1044 {strides = array<i32>} : memref<128x128xf32, #tpu.memory_space<vmem>>, vector<1x16xf32>,
          %get3A_1045 = arith.index_cast %add3A_1000 : i32 to index
          %get3A_1046 = arith.constant 64 : index
          %get3A_1047 = tpu.vector_load %arg10[%get3A_1045, %get3A_1046] {strides = array<i32>} : memref<128x128xf32, #tpu.memory_space<vmem>>, vector<1x16xf32>,
          %get3A_1048 = vector.shape_cast %get3A_1047 : vector<1x16xf32> to vector<16xf32>
          %mul3A_1049 = vector.broadcast %squeeze3A_996 : f32 to vector<16xf32>
          %mul3A_1050 = arith.mulf %get3A_1048, %mul3A_1049 : vector<16xf32>
          %swap3A_1051 = arith.index_cast %add3A_1000 : i32 to index
          %swap3A_1052 = arith.constant 64 : index
          %swap3A_1053 = tpu.vector_load %arg10[%swap3A_1051, %swap3A_1052] {strides = array<i32>} : memref<128x128xf32, #tpu.memory_space<vmem>>, vector<1x16xf32>,
          %swap3A_1054 = vector.shape_cast %swap3A_1053 : vector<1x16xf32> to vector<16xf32>
          %swap3A_1055 = vector.shape_cast %mul3A_1050 : vector<16xf32> to vector<1x16xf32>
          tpu.vector_store %arg10[%swap3A_1051, %swap3A_1052], %swap3A_1055 {strides = array<i32>} : memref<128x128xf32, #tpu.memory_space<vmem>>, vector<1x16xf32>,
          %get3A_1056 = arith.index_cast %add3A_1000 : i32 to index
          %get3A_1057 = arith.constant 80 : index
          %get3A_1058 = tpu.vector_load %arg10[%get3A_1056, %get3A_1057] {strides = array<i32>} : memref<128x128xf32, #tpu.memory_space<vmem>>, vector<1x16xf32>,
          %get3A_1059 = vector.shape_cast %get3A_1058 : vector<1x16xf32> to vector<16xf32>
          %mul3A_1060 = vector.broadcast %squeeze3A_996 : f32 to vector<16xf32>
          %mul3A_1061 = arith.mulf %get3A_1059, %mul3A_1060 : vector<16xf32>
          %swap3A_1062 = arith.index_cast %add3A_1000 : i32 to index
          %swap3A_1063 = arith.constant 80 : index
          %swap3A_1064 = tpu.vector_load %arg10[%swap3A_1062, %swap3A_1063] {strides = array<i32>} : memref<128x128xf32, #tpu.memory_space<vmem>>, vector<1x16xf32>,
          %swap3A_1065 = vector.shape_cast %swap3A_1064 : vector<1x16xf32> to vector<16xf32>
          %swap3A_1066 = vector.shape_cast %mul3A_1061 : vector<16xf32> to vector<1x16xf32>
          tpu.vector_store %arg10[%swap3A_1062, %swap3A_1063], %swap3A_1066 {strides = array<i32>} : memref<128x128xf32, #tpu.memory_space<vmem>>, vector<1x16xf32>,
          %get3A_1067 = arith.index_cast %add3A_1000 : i32 to index
          %get3A_1068 = arith.constant 96 : index
          %get3A_1069 = tpu.vector_load %arg10[%get3A_1067, %get3A_1068] {strides = array<i32>} : memref<128x128xf32, #tpu.memory_space<vmem>>, vector<1x16xf32>,
          %get3A_1070 = vector.shape_cast %get3A_1069 : vector<1x16xf32> to vector<16xf32>
          %mul3A_1071 = vector.broadcast %squeeze3A_996 : f32 to vector<16xf32>
          %mul3A_1072 = arith.mulf %get3A_1070, %mul3A_1071 : vector<16xf32>
          %swap3A_1073 = arith.index_cast %add3A_1000 : i32 to index
          %swap3A_1074 = arith.constant 96 : index
          %swap3A_1075 = tpu.vector_load %arg10[%swap3A_1073, %swap3A_1074] {strides = array<i32>} : memref<128x128xf32, #tpu.memory_space<vmem>>, vector<1x16xf32>,
          %swap3A_1076 = vector.shape_cast %swap3A_1075 : vector<1x16xf32> to vector<16xf32>
          %swap3A_1077 = vector.shape_cast %mul3A_1072 : vector<16xf32> to vector<1x16xf32>
          tpu.vector_store %arg10[%swap3A_1073, %swap3A_1074], %swap3A_1077 {strides = array<i32>} : memref<128x128xf32, #tpu.memory_space<vmem>>, vector<1x16xf32>,
          %get3A_1078 = arith.index_cast %add3A_1000 : i32 to index
          %get3A_1079 = arith.constant 112 : index
          %get3A_1080 = tpu.vector_load %arg10[%get3A_1078, %get3A_1079] {strides = array<i32>} : memref<128x128xf32, #tpu.memory_space<vmem>>, vector<1x16xf32>,
          %get3A_1081 = vector.shape_cast %get3A_1080 : vector<1x16xf32> to vector<16xf32>
          %mul3A_1082 = vector.broadcast %squeeze3A_996 : f32 to vector<16xf32>
          %mul3A_1083 = arith.mulf %get3A_1081, %mul3A_1082 : vector<16xf32>
          %swap3A_1084 = arith.index_cast %add3A_1000 : i32 to index
          %swap3A_1085 = arith.constant 112 : index
          %swap3A_1086 = tpu.vector_load %arg10[%swap3A_1084, %swap3A_1085] {strides = array<i32>} : memref<128x128xf32, #tpu.memory_space<vmem>>, vector<1x16xf32>,
          %swap3A_1087 = vector.shape_cast %swap3A_1086 : vector<1x16xf32> to vector<16xf32>
          %swap3A_1088 = vector.shape_cast %mul3A_1083 : vector<16xf32> to vector<1x16xf32>
          tpu.vector_store %arg10[%swap3A_1084, %swap3A_1085], %swap3A_1088 {strides = array<i32>} : memref<128x128xf32, #tpu.memory_space<vmem>>, vector<1x16xf32>,
          %slice3A_1089 = vector.extract_strided_slice %get3A_57 {offsets = [11], sizes = [1], strides = [1]} : vector<16xf32> to vector<1xf32>
          %squeeze3A_1090 = vector.extract %slice3A_1089[0] : f32 from vector<1xf32>
          %mul3A_1091 = arith.constant 16 : i32
          %mul3A_1092 = arith.muli %scan3A_51, %mul3A_1091 : i32
          %add3A_1093 = arith.constant 11 : i32
          %add3A_1094 = arith.addi %mul3A_1092, %add3A_1093 : i32
          %get3A_1095 = arith.index_cast %add3A_1094 : i32 to index
          %get3A_1096 = arith.constant 0 : index
          %get3A_1097 = tpu.vector_load %arg10[%get3A_1095, %get3A_1096] {strides = array<i32>} : memref<128x128xf32, #tpu.memory_space<vmem>>, vector<1x16xf32>,
          %get3A_1098 = vector.shape_cast %get3A_1097 : vector<1x16xf32> to vector<16xf32>
          %mul3A_1099 = vector.broadcast %squeeze3A_1090 : f32 to vector<16xf32>
          %mul3A_1100 = arith.mulf %get3A_1098, %mul3A_1099 : vector<16xf32>
          %swap3A_1101 = arith.index_cast %add3A_1094 : i32 to index
          %swap3A_1102 = arith.constant 0 : index
          %swap3A_1103 = tpu.vector_load %arg10[%swap3A_1101, %swap3A_1102] {strides = array<i32>} : memref<128x128xf32, #tpu.memory_space<vmem>>, vector<1x16xf32>,
          %swap3A_1104 = vector.shape_cast %swap3A_1103 : vector<1x16xf32> to vector<16xf32>
          %swap3A_1105 = vector.shape_cast %mul3A_1100 : vector<16xf32> to vector<1x16xf32>
          tpu.vector_store %arg10[%swap3A_1101, %swap3A_1102], %swap3A_1105 {strides = array<i32>} : memref<128x128xf32, #tpu.memory_space<vmem>>, vector<1x16xf32>,
          %get3A_1106 = arith.index_cast %add3A_1094 : i32 to index
          %get3A_1107 = arith.constant 16 : index
          %get3A_1108 = tpu.vector_load %arg10[%get3A_1106, %get3A_1107] {strides = array<i32>} : memref<128x128xf32, #tpu.memory_space<vmem>>, vector<1x16xf32>,
          %get3A_1109 = vector.shape_cast %get3A_1108 : vector<1x16xf32> to vector<16xf32>
          %mul3A_1110 = vector.broadcast %squeeze3A_1090 : f32 to vector<16xf32>
          %mul3A_1111 = arith.mulf %get3A_1109, %mul3A_1110 : vector<16xf32>
          %swap3A_1112 = arith.index_cast %add3A_1094 : i32 to index
          %swap3A_1113 = arith.constant 16 : index
          %swap3A_1114 = tpu.vector_load %arg10[%swap3A_1112, %swap3A_1113] {strides = array<i32>} : memref<128x128xf32, #tpu.memory_space<vmem>>, vector<1x16xf32>,
          %swap3A_1115 = vector.shape_cast %swap3A_1114 : vector<1x16xf32> to vector<16xf32>
          %swap3A_1116 = vector.shape_cast %mul3A_1111 : vector<16xf32> to vector<1x16xf32>
          tpu.vector_store %arg10[%swap3A_1112, %swap3A_1113], %swap3A_1116 {strides = array<i32>} : memref<128x128xf32, #tpu.memory_space<vmem>>, vector<1x16xf32>,
          %get3A_1117 = arith.index_cast %add3A_1094 : i32 to index
          %get3A_1118 = arith.constant 32 : index
          %get3A_1119 = tpu.vector_load %arg10[%get3A_1117, %get3A_1118] {strides = array<i32>} : memref<128x128xf32, #tpu.memory_space<vmem>>, vector<1x16xf32>,
          %get3A_1120 = vector.shape_cast %get3A_1119 : vector<1x16xf32> to vector<16xf32>
          %mul3A_1121 = vector.broadcast %squeeze3A_1090 : f32 to vector<16xf32>
          %mul3A_1122 = arith.mulf %get3A_1120, %mul3A_1121 : vector<16xf32>
          %swap3A_1123 = arith.index_cast %add3A_1094 : i32 to index
          %swap3A_1124 = arith.constant 32 : index
          %swap3A_1125 = tpu.vector_load %arg10[%swap3A_1123, %swap3A_1124] {strides = array<i32>} : memref<128x128xf32, #tpu.memory_space<vmem>>, vector<1x16xf32>,
          %swap3A_1126 = vector.shape_cast %swap3A_1125 : vector<1x16xf32> to vector<16xf32>
          %swap3A_1127 = vector.shape_cast %mul3A_1122 : vector<16xf32> to vector<1x16xf32>
          tpu.vector_store %arg10[%swap3A_1123, %swap3A_1124], %swap3A_1127 {strides = array<i32>} : memref<128x128xf32, #tpu.memory_space<vmem>>, vector<1x16xf32>,
          %get3A_1128 = arith.index_cast %add3A_1094 : i32 to index
          %get3A_1129 = arith.constant 48 : index
          %get3A_1130 = tpu.vector_load %arg10[%get3A_1128, %get3A_1129] {strides = array<i32>} : memref<128x128xf32, #tpu.memory_space<vmem>>, vector<1x16xf32>,
          %get3A_1131 = vector.shape_cast %get3A_1130 : vector<1x16xf32> to vector<16xf32>
          %mul3A_1132 = vector.broadcast %squeeze3A_1090 : f32 to vector<16xf32>
          %mul3A_1133 = arith.mulf %get3A_1131, %mul3A_1132 : vector<16xf32>
          %swap3A_1134 = arith.index_cast %add3A_1094 : i32 to index
          %swap3A_1135 = arith.constant 48 : index
          %swap3A_1136 = tpu.vector_load %arg10[%swap3A_1134, %swap3A_1135] {strides = array<i32>} : memref<128x128xf32, #tpu.memory_space<vmem>>, vector<1x16xf32>,
          %swap3A_1137 = vector.shape_cast %swap3A_1136 : vector<1x16xf32> to vector<16xf32>
          %swap3A_1138 = vector.shape_cast %mul3A_1133 : vector<16xf32> to vector<1x16xf32>
          tpu.vector_store %arg10[%swap3A_1134, %swap3A_1135], %swap3A_1138 {strides = array<i32>} : memref<128x128xf32, #tpu.memory_space<vmem>>, vector<1x16xf32>,
          %get3A_1139 = arith.index_cast %add3A_1094 : i32 to index
          %get3A_1140 = arith.constant 64 : index
          %get3A_1141 = tpu.vector_load %arg10[%get3A_1139, %get3A_1140] {strides = array<i32>} : memref<128x128xf32, #tpu.memory_space<vmem>>, vector<1x16xf32>,
          %get3A_1142 = vector.shape_cast %get3A_1141 : vector<1x16xf32> to vector<16xf32>
          %mul3A_1143 = vector.broadcast %squeeze3A_1090 : f32 to vector<16xf32>
          %mul3A_1144 = arith.mulf %get3A_1142, %mul3A_1143 : vector<16xf32>
          %swap3A_1145 = arith.index_cast %add3A_1094 : i32 to index
          %swap3A_1146 = arith.constant 64 : index
          %swap3A_1147 = tpu.vector_load %arg10[%swap3A_1145, %swap3A_1146] {strides = array<i32>} : memref<128x128xf32, #tpu.memory_space<vmem>>, vector<1x16xf32>,
          %swap3A_1148 = vector.shape_cast %swap3A_1147 : vector<1x16xf32> to vector<16xf32>
          %swap3A_1149 = vector.shape_cast %mul3A_1144 : vector<16xf32> to vector<1x16xf32>
          tpu.vector_store %arg10[%swap3A_1145, %swap3A_1146], %swap3A_1149 {strides = array<i32>} : memref<128x128xf32, #tpu.memory_space<vmem>>, vector<1x16xf32>,
          %get3A_1150 = arith.index_cast %add3A_1094 : i32 to index
          %get3A_1151 = arith.constant 80 : index
          %get3A_1152 = tpu.vector_load %arg10[%get3A_1150, %get3A_1151] {strides = array<i32>} : memref<128x128xf32, #tpu.memory_space<vmem>>, vector<1x16xf32>,
          %get3A_1153 = vector.shape_cast %get3A_1152 : vector<1x16xf32> to vector<16xf32>
          %mul3A_1154 = vector.broadcast %squeeze3A_1090 : f32 to vector<16xf32>
          %mul3A_1155 = arith.mulf %get3A_1153, %mul3A_1154 : vector<16xf32>
          %swap3A_1156 = arith.index_cast %add3A_1094 : i32 to index
          %swap3A_1157 = arith.constant 80 : index
          %swap3A_1158 = tpu.vector_load %arg10[%swap3A_1156, %swap3A_1157] {strides = array<i32>} : memref<128x128xf32, #tpu.memory_space<vmem>>, vector<1x16xf32>,
          %swap3A_1159 = vector.shape_cast %swap3A_1158 : vector<1x16xf32> to vector<16xf32>
          %swap3A_1160 = vector.shape_cast %mul3A_1155 : vector<16xf32> to vector<1x16xf32>
          tpu.vector_store %arg10[%swap3A_1156, %swap3A_1157], %swap3A_1160 {strides = array<i32>} : memref<128x128xf32, #tpu.memory_space<vmem>>, vector<1x16xf32>,
          %get3A_1161 = arith.index_cast %add3A_1094 : i32 to index
          %get3A_1162 = arith.constant 96 : index
          %get3A_1163 = tpu.vector_load %arg10[%get3A_1161, %get3A_1162] {strides = array<i32>} : memref<128x128xf32, #tpu.memory_space<vmem>>, vector<1x16xf32>,
          %get3A_1164 = vector.shape_cast %get3A_1163 : vector<1x16xf32> to vector<16xf32>
          %mul3A_1165 = vector.broadcast %squeeze3A_1090 : f32 to vector<16xf32>
          %mul3A_1166 = arith.mulf %get3A_1164, %mul3A_1165 : vector<16xf32>
          %swap3A_1167 = arith.index_cast %add3A_1094 : i32 to index
          %swap3A_1168 = arith.constant 96 : index
          %swap3A_1169 = tpu.vector_load %arg10[%swap3A_1167, %swap3A_1168] {strides = array<i32>} : memref<128x128xf32, #tpu.memory_space<vmem>>, vector<1x16xf32>,
          %swap3A_1170 = vector.shape_cast %swap3A_1169 : vector<1x16xf32> to vector<16xf32>
          %swap3A_1171 = vector.shape_cast %mul3A_1166 : vector<16xf32> to vector<1x16xf32>
          tpu.vector_store %arg10[%swap3A_1167, %swap3A_1168], %swap3A_1171 {strides = array<i32>} : memref<128x128xf32, #tpu.memory_space<vmem>>, vector<1x16xf32>,
          %get3A_1172 = arith.index_cast %add3A_1094 : i32 to index
          %get3A_1173 = arith.constant 112 : index
          %get3A_1174 = tpu.vector_load %arg10[%get3A_1172, %get3A_1173] {strides = array<i32>} : memref<128x128xf32, #tpu.memory_space<vmem>>, vector<1x16xf32>,
          %get3A_1175 = vector.shape_cast %get3A_1174 : vector<1x16xf32> to vector<16xf32>
          %mul3A_1176 = vector.broadcast %squeeze3A_1090 : f32 to vector<16xf32>
          %mul3A_1177 = arith.mulf %get3A_1175, %mul3A_1176 : vector<16xf32>
          %swap3A_1178 = arith.index_cast %add3A_1094 : i32 to index
          %swap3A_1179 = arith.constant 112 : index
          %swap3A_1180 = tpu.vector_load %arg10[%swap3A_1178, %swap3A_1179] {strides = array<i32>} : memref<128x128xf32, #tpu.memory_space<vmem>>, vector<1x16xf32>,
          %swap3A_1181 = vector.shape_cast %swap3A_1180 : vector<1x16xf32> to vector<16xf32>
          %swap3A_1182 = vector.shape_cast %mul3A_1177 : vector<16xf32> to vector<1x16xf32>
          tpu.vector_store %arg10[%swap3A_1178, %swap3A_1179], %swap3A_1182 {strides = array<i32>} : memref<128x128xf32, #tpu.memory_space<vmem>>, vector<1x16xf32>,
          %slice3A_1183 = vector.extract_strided_slice %get3A_57 {offsets = [12], sizes = [1], strides = [1]} : vector<16xf32> to vector<1xf32>
          %squeeze3A_1184 = vector.extract %slice3A_1183[0] : f32 from vector<1xf32>
          %mul3A_1185 = arith.constant 16 : i32
          %mul3A_1186 = arith.muli %scan3A_51, %mul3A_1185 : i32
          %add3A_1187 = arith.constant 12 : i32
          %add3A_1188 = arith.addi %mul3A_1186, %add3A_1187 : i32
          %get3A_1189 = arith.index_cast %add3A_1188 : i32 to index
          %get3A_1190 = arith.constant 0 : index
          %get3A_1191 = tpu.vector_load %arg10[%get3A_1189, %get3A_1190] {strides = array<i32>} : memref<128x128xf32, #tpu.memory_space<vmem>>, vector<1x16xf32>,
          %get3A_1192 = vector.shape_cast %get3A_1191 : vector<1x16xf32> to vector<16xf32>
          %mul3A_1193 = vector.broadcast %squeeze3A_1184 : f32 to vector<16xf32>
          %mul3A_1194 = arith.mulf %get3A_1192, %mul3A_1193 : vector<16xf32>
          %swap3A_1195 = arith.index_cast %add3A_1188 : i32 to index
          %swap3A_1196 = arith.constant 0 : index
          %swap3A_1197 = tpu.vector_load %arg10[%swap3A_1195, %swap3A_1196] {strides = array<i32>} : memref<128x128xf32, #tpu.memory_space<vmem>>, vector<1x16xf32>,
          %swap3A_1198 = vector.shape_cast %swap3A_1197 : vector<1x16xf32> to vector<16xf32>
          %swap3A_1199 = vector.shape_cast %mul3A_1194 : vector<16xf32> to vector<1x16xf32>
          tpu.vector_store %arg10[%swap3A_1195, %swap3A_1196], %swap3A_1199 {strides = array<i32>} : memref<128x128xf32, #tpu.memory_space<vmem>>, vector<1x16xf32>,
          %get3A_1200 = arith.index_cast %add3A_1188 : i32 to index
          %get3A_1201 = arith.constant 16 : index
          %get3A_1202 = tpu.vector_load %arg10[%get3A_1200, %get3A_1201] {strides = array<i32>} : memref<128x128xf32, #tpu.memory_space<vmem>>, vector<1x16xf32>,
          %get3A_1203 = vector.shape_cast %get3A_1202 : vector<1x16xf32> to vector<16xf32>
          %mul3A_1204 = vector.broadcast %squeeze3A_1184 : f32 to vector<16xf32>
          %mul3A_1205 = arith.mulf %get3A_1203, %mul3A_1204 : vector<16xf32>
          %swap3A_1206 = arith.index_cast %add3A_1188 : i32 to index
          %swap3A_1207 = arith.constant 16 : index
          %swap3A_1208 = tpu.vector_load %arg10[%swap3A_1206, %swap3A_1207] {strides = array<i32>} : memref<128x128xf32, #tpu.memory_space<vmem>>, vector<1x16xf32>,
          %swap3A_1209 = vector.shape_cast %swap3A_1208 : vector<1x16xf32> to vector<16xf32>
          %swap3A_1210 = vector.shape_cast %mul3A_1205 : vector<16xf32> to vector<1x16xf32>
          tpu.vector_store %arg10[%swap3A_1206, %swap3A_1207], %swap3A_1210 {strides = array<i32>} : memref<128x128xf32, #tpu.memory_space<vmem>>, vector<1x16xf32>,
          %get3A_1211 = arith.index_cast %add3A_1188 : i32 to index
          %get3A_1212 = arith.constant 32 : index
          %get3A_1213 = tpu.vector_load %arg10[%get3A_1211, %get3A_1212] {strides = array<i32>} : memref<128x128xf32, #tpu.memory_space<vmem>>, vector<1x16xf32>,
          %get3A_1214 = vector.shape_cast %get3A_1213 : vector<1x16xf32> to vector<16xf32>
          %mul3A_1215 = vector.broadcast %squeeze3A_1184 : f32 to vector<16xf32>
          %mul3A_1216 = arith.mulf %get3A_1214, %mul3A_1215 : vector<16xf32>
          %swap3A_1217 = arith.index_cast %add3A_1188 : i32 to index
          %swap3A_1218 = arith.constant 32 : index
          %swap3A_1219 = tpu.vector_load %arg10[%swap3A_1217, %swap3A_1218] {strides = array<i32>} : memref<128x128xf32, #tpu.memory_space<vmem>>, vector<1x16xf32>,
          %swap3A_1220 = vector.shape_cast %swap3A_1219 : vector<1x16xf32> to vector<16xf32>
          %swap3A_1221 = vector.shape_cast %mul3A_1216 : vector<16xf32> to vector<1x16xf32>
          tpu.vector_store %arg10[%swap3A_1217, %swap3A_1218], %swap3A_1221 {strides = array<i32>} : memref<128x128xf32, #tpu.memory_space<vmem>>, vector<1x16xf32>,
          %get3A_1222 = arith.index_cast %add3A_1188 : i32 to index
          %get3A_1223 = arith.constant 48 : index
          %get3A_1224 = tpu.vector_load %arg10[%get3A_1222, %get3A_1223] {strides = array<i32>} : memref<128x128xf32, #tpu.memory_space<vmem>>, vector<1x16xf32>,
          %get3A_1225 = vector.shape_cast %get3A_1224 : vector<1x16xf32> to vector<16xf32>
          %mul3A_1226 = vector.broadcast %squeeze3A_1184 : f32 to vector<16xf32>
          %mul3A_1227 = arith.mulf %get3A_1225, %mul3A_1226 : vector<16xf32>
          %swap3A_1228 = arith.index_cast %add3A_1188 : i32 to index
          %swap3A_1229 = arith.constant 48 : index
          %swap3A_1230 = tpu.vector_load %arg10[%swap3A_1228, %swap3A_1229] {strides = array<i32>} : memref<128x128xf32, #tpu.memory_space<vmem>>, vector<1x16xf32>,
          %swap3A_1231 = vector.shape_cast %swap3A_1230 : vector<1x16xf32> to vector<16xf32>
          %swap3A_1232 = vector.shape_cast %mul3A_1227 : vector<16xf32> to vector<1x16xf32>
          tpu.vector_store %arg10[%swap3A_1228, %swap3A_1229], %swap3A_1232 {strides = array<i32>} : memref<128x128xf32, #tpu.memory_space<vmem>>, vector<1x16xf32>,
          %get3A_1233 = arith.index_cast %add3A_1188 : i32 to index
          %get3A_1234 = arith.constant 64 : index
          %get3A_1235 = tpu.vector_load %arg10[%get3A_1233, %get3A_1234] {strides = array<i32>} : memref<128x128xf32, #tpu.memory_space<vmem>>, vector<1x16xf32>,
          %get3A_1236 = vector.shape_cast %get3A_1235 : vector<1x16xf32> to vector<16xf32>
          %mul3A_1237 = vector.broadcast %squeeze3A_1184 : f32 to vector<16xf32>
          %mul3A_1238 = arith.mulf %get3A_1236, %mul3A_1237 : vector<16xf32>
          %swap3A_1239 = arith.index_cast %add3A_1188 : i32 to index
          %swap3A_1240 = arith.constant 64 : index
          %swap3A_1241 = tpu.vector_load %arg10[%swap3A_1239, %swap3A_1240] {strides = array<i32>} : memref<128x128xf32, #tpu.memory_space<vmem>>, vector<1x16xf32>,
          %swap3A_1242 = vector.shape_cast %swap3A_1241 : vector<1x16xf32> to vector<16xf32>
          %swap3A_1243 = vector.shape_cast %mul3A_1238 : vector<16xf32> to vector<1x16xf32>
          tpu.vector_store %arg10[%swap3A_1239, %swap3A_1240], %swap3A_1243 {strides = array<i32>} : memref<128x128xf32, #tpu.memory_space<vmem>>, vector<1x16xf32>,
          %get3A_1244 = arith.index_cast %add3A_1188 : i32 to index
          %get3A_1245 = arith.constant 80 : index
          %get3A_1246 = tpu.vector_load %arg10[%get3A_1244, %get3A_1245] {strides = array<i32>} : memref<128x128xf32, #tpu.memory_space<vmem>>, vector<1x16xf32>,
          %get3A_1247 = vector.shape_cast %get3A_1246 : vector<1x16xf32> to vector<16xf32>
          %mul3A_1248 = vector.broadcast %squeeze3A_1184 : f32 to vector<16xf32>
          %mul3A_1249 = arith.mulf %get3A_1247, %mul3A_1248 : vector<16xf32>
          %swap3A_1250 = arith.index_cast %add3A_1188 : i32 to index
          %swap3A_1251 = arith.constant 80 : index
          %swap3A_1252 = tpu.vector_load %arg10[%swap3A_1250, %swap3A_1251] {strides = array<i32>} : memref<128x128xf32, #tpu.memory_space<vmem>>, vector<1x16xf32>,
          %swap3A_1253 = vector.shape_cast %swap3A_1252 : vector<1x16xf32> to vector<16xf32>
          %swap3A_1254 = vector.shape_cast %mul3A_1249 : vector<16xf32> to vector<1x16xf32>
          tpu.vector_store %arg10[%swap3A_1250, %swap3A_1251], %swap3A_1254 {strides = array<i32>} : memref<128x128xf32, #tpu.memory_space<vmem>>, vector<1x16xf32>,
          %get3A_1255 = arith.index_cast %add3A_1188 : i32 to index
          %get3A_1256 = arith.constant 96 : index
          %get3A_1257 = tpu.vector_load %arg10[%get3A_1255, %get3A_1256] {strides = array<i32>} : memref<128x128xf32, #tpu.memory_space<vmem>>, vector<1x16xf32>,
          %get3A_1258 = vector.shape_cast %get3A_1257 : vector<1x16xf32> to vector<16xf32>
          %mul3A_1259 = vector.broadcast %squeeze3A_1184 : f32 to vector<16xf32>
          %mul3A_1260 = arith.mulf %get3A_1258, %mul3A_1259 : vector<16xf32>
          %swap3A_1261 = arith.index_cast %add3A_1188 : i32 to index
          %swap3A_1262 = arith.constant 96 : index
          %swap3A_1263 = tpu.vector_load %arg10[%swap3A_1261, %swap3A_1262] {strides = array<i32>} : memref<128x128xf32, #tpu.memory_space<vmem>>, vector<1x16xf32>,
          %swap3A_1264 = vector.shape_cast %swap3A_1263 : vector<1x16xf32> to vector<16xf32>
          %swap3A_1265 = vector.shape_cast %mul3A_1260 : vector<16xf32> to vector<1x16xf32>
          tpu.vector_store %arg10[%swap3A_1261, %swap3A_1262], %swap3A_1265 {strides = array<i32>} : memref<128x128xf32, #tpu.memory_space<vmem>>, vector<1x16xf32>,
          %get3A_1266 = arith.index_cast %add3A_1188 : i32 to index
          %get3A_1267 = arith.constant 112 : index
          %get3A_1268 = tpu.vector_load %arg10[%get3A_1266, %get3A_1267] {strides = array<i32>} : memref<128x128xf32, #tpu.memory_space<vmem>>, vector<1x16xf32>,
          %get3A_1269 = vector.shape_cast %get3A_1268 : vector<1x16xf32> to vector<16xf32>
          %mul3A_1270 = vector.broadcast %squeeze3A_1184 : f32 to vector<16xf32>
          %mul3A_1271 = arith.mulf %get3A_1269, %mul3A_1270 : vector<16xf32>
          %swap3A_1272 = arith.index_cast %add3A_1188 : i32 to index
          %swap3A_1273 = arith.constant 112 : index
          %swap3A_1274 = tpu.vector_load %arg10[%swap3A_1272, %swap3A_1273] {strides = array<i32>} : memref<128x128xf32, #tpu.memory_space<vmem>>, vector<1x16xf32>,
          %swap3A_1275 = vector.shape_cast %swap3A_1274 : vector<1x16xf32> to vector<16xf32>
          %swap3A_1276 = vector.shape_cast %mul3A_1271 : vector<16xf32> to vector<1x16xf32>
          tpu.vector_store %arg10[%swap3A_1272, %swap3A_1273], %swap3A_1276 {strides = array<i32>} : memref<128x128xf32, #tpu.memory_space<vmem>>, vector<1x16xf32>,
          %slice3A_1277 = vector.extract_strided_slice %get3A_57 {offsets = [13], sizes = [1], strides = [1]} : vector<16xf32> to vector<1xf32>
          %squeeze3A_1278 = vector.extract %slice3A_1277[0] : f32 from vector<1xf32>
          %mul3A_1279 = arith.constant 16 : i32
          %mul3A_1280 = arith.muli %scan3A_51, %mul3A_1279 : i32
          %add3A_1281 = arith.constant 13 : i32
          %add3A_1282 = arith.addi %mul3A_1280, %add3A_1281 : i32
          %get3A_1283 = arith.index_cast %add3A_1282 : i32 to index
          %get3A_1284 = arith.constant 0 : index
          %get3A_1285 = tpu.vector_load %arg10[%get3A_1283, %get3A_1284] {strides = array<i32>} : memref<128x128xf32, #tpu.memory_space<vmem>>, vector<1x16xf32>,
          %get3A_1286 = vector.shape_cast %get3A_1285 : vector<1x16xf32> to vector<16xf32>
          %mul3A_1287 = vector.broadcast %squeeze3A_1278 : f32 to vector<16xf32>
          %mul3A_1288 = arith.mulf %get3A_1286, %mul3A_1287 : vector<16xf32>
          %swap3A_1289 = arith.index_cast %add3A_1282 : i32 to index
          %swap3A_1290 = arith.constant 0 : index
          %swap3A_1291 = tpu.vector_load %arg10[%swap3A_1289, %swap3A_1290] {strides = array<i32>} : memref<128x128xf32, #tpu.memory_space<vmem>>, vector<1x16xf32>,
          %swap3A_1292 = vector.shape_cast %swap3A_1291 : vector<1x16xf32> to vector<16xf32>
          %swap3A_1293 = vector.shape_cast %mul3A_1288 : vector<16xf32> to vector<1x16xf32>
          tpu.vector_store %arg10[%swap3A_1289, %swap3A_1290], %swap3A_1293 {strides = array<i32>} : memref<128x128xf32, #tpu.memory_space<vmem>>, vector<1x16xf32>,
          %get3A_1294 = arith.index_cast %add3A_1282 : i32 to index
          %get3A_1295 = arith.constant 16 : index
          %get3A_1296 = tpu.vector_load %arg10[%get3A_1294, %get3A_1295] {strides = array<i32>} : memref<128x128xf32, #tpu.memory_space<vmem>>, vector<1x16xf32>,
          %get3A_1297 = vector.shape_cast %get3A_1296 : vector<1x16xf32> to vector<16xf32>
          %mul3A_1298 = vector.broadcast %squeeze3A_1278 : f32 to vector<16xf32>
          %mul3A_1299 = arith.mulf %get3A_1297, %mul3A_1298 : vector<16xf32>
          %swap3A_1300 = arith.index_cast %add3A_1282 : i32 to index
          %swap3A_1301 = arith.constant 16 : index
          %swap3A_1302 = tpu.vector_load %arg10[%swap3A_1300, %swap3A_1301] {strides = array<i32>} : memref<128x128xf32, #tpu.memory_space<vmem>>, vector<1x16xf32>,
          %swap3A_1303 = vector.shape_cast %swap3A_1302 : vector<1x16xf32> to vector<16xf32>
          %swap3A_1304 = vector.shape_cast %mul3A_1299 : vector<16xf32> to vector<1x16xf32>
          tpu.vector_store %arg10[%swap3A_1300, %swap3A_1301], %swap3A_1304 {strides = array<i32>} : memref<128x128xf32, #tpu.memory_space<vmem>>, vector<1x16xf32>,
          %get3A_1305 = arith.index_cast %add3A_1282 : i32 to index
          %get3A_1306 = arith.constant 32 : index
          %get3A_1307 = tpu.vector_load %arg10[%get3A_1305, %get3A_1306] {strides = array<i32>} : memref<128x128xf32, #tpu.memory_space<vmem>>, vector<1x16xf32>,
          %get3A_1308 = vector.shape_cast %get3A_1307 : vector<1x16xf32> to vector<16xf32>
          %mul3A_1309 = vector.broadcast %squeeze3A_1278 : f32 to vector<16xf32>
          %mul3A_1310 = arith.mulf %get3A_1308, %mul3A_1309 : vector<16xf32>
          %swap3A_1311 = arith.index_cast %add3A_1282 : i32 to index
          %swap3A_1312 = arith.constant 32 : index
          %swap3A_1313 = tpu.vector_load %arg10[%swap3A_1311, %swap3A_1312] {strides = array<i32>} : memref<128x128xf32, #tpu.memory_space<vmem>>, vector<1x16xf32>,
          %swap3A_1314 = vector.shape_cast %swap3A_1313 : vector<1x16xf32> to vector<16xf32>
          %swap3A_1315 = vector.shape_cast %mul3A_1310 : vector<16xf32> to vector<1x16xf32>
          tpu.vector_store %arg10[%swap3A_1311, %swap3A_1312], %swap3A_1315 {strides = array<i32>} : memref<128x128xf32, #tpu.memory_space<vmem>>, vector<1x16xf32>,
          %get3A_1316 = arith.index_cast %add3A_1282 : i32 to index
          %get3A_1317 = arith.constant 48 : index
          %get3A_1318 = tpu.vector_load %arg10[%get3A_1316, %get3A_1317] {strides = array<i32>} : memref<128x128xf32, #tpu.memory_space<vmem>>, vector<1x16xf32>,
          %get3A_1319 = vector.shape_cast %get3A_1318 : vector<1x16xf32> to vector<16xf32>
          %mul3A_1320 = vector.broadcast %squeeze3A_1278 : f32 to vector<16xf32>
          %mul3A_1321 = arith.mulf %get3A_1319, %mul3A_1320 : vector<16xf32>
          %swap3A_1322 = arith.index_cast %add3A_1282 : i32 to index
          %swap3A_1323 = arith.constant 48 : index
          %swap3A_1324 = tpu.vector_load %arg10[%swap3A_1322, %swap3A_1323] {strides = array<i32>} : memref<128x128xf32, #tpu.memory_space<vmem>>, vector<1x16xf32>,
          %swap3A_1325 = vector.shape_cast %swap3A_1324 : vector<1x16xf32> to vector<16xf32>
          %swap3A_1326 = vector.shape_cast %mul3A_1321 : vector<16xf32> to vector<1x16xf32>
          tpu.vector_store %arg10[%swap3A_1322, %swap3A_1323], %swap3A_1326 {strides = array<i32>} : memref<128x128xf32, #tpu.memory_space<vmem>>, vector<1x16xf32>,
          %get3A_1327 = arith.index_cast %add3A_1282 : i32 to index
          %get3A_1328 = arith.constant 64 : index
          %get3A_1329 = tpu.vector_load %arg10[%get3A_1327, %get3A_1328] {strides = array<i32>} : memref<128x128xf32, #tpu.memory_space<vmem>>, vector<1x16xf32>,
          %get3A_1330 = vector.shape_cast %get3A_1329 : vector<1x16xf32> to vector<16xf32>
          %mul3A_1331 = vector.broadcast %squeeze3A_1278 : f32 to vector<16xf32>
          %mul3A_1332 = arith.mulf %get3A_1330, %mul3A_1331 : vector<16xf32>
          %swap3A_1333 = arith.index_cast %add3A_1282 : i32 to index
          %swap3A_1334 = arith.constant 64 : index
          %swap3A_1335 = tpu.vector_load %arg10[%swap3A_1333, %swap3A_1334] {strides = array<i32>} : memref<128x128xf32, #tpu.memory_space<vmem>>, vector<1x16xf32>,
          %swap3A_1336 = vector.shape_cast %swap3A_1335 : vector<1x16xf32> to vector<16xf32>
          %swap3A_1337 = vector.shape_cast %mul3A_1332 : vector<16xf32> to vector<1x16xf32>
          tpu.vector_store %arg10[%swap3A_1333, %swap3A_1334], %swap3A_1337 {strides = array<i32>} : memref<128x128xf32, #tpu.memory_space<vmem>>, vector<1x16xf32>,
          %get3A_1338 = arith.index_cast %add3A_1282 : i32 to index
          %get3A_1339 = arith.constant 80 : index
          %get3A_1340 = tpu.vector_load %arg10[%get3A_1338, %get3A_1339] {strides = array<i32>} : memref<128x128xf32, #tpu.memory_space<vmem>>, vector<1x16xf32>,
          %get3A_1341 = vector.shape_cast %get3A_1340 : vector<1x16xf32> to vector<16xf32>
          %mul3A_1342 = vector.broadcast %squeeze3A_1278 : f32 to vector<16xf32>
          %mul3A_1343 = arith.mulf %get3A_1341, %mul3A_1342 : vector<16xf32>
          %swap3A_1344 = arith.index_cast %add3A_1282 : i32 to index
          %swap3A_1345 = arith.constant 80 : index
          %swap3A_1346 = tpu.vector_load %arg10[%swap3A_1344, %swap3A_1345] {strides = array<i32>} : memref<128x128xf32, #tpu.memory_space<vmem>>, vector<1x16xf32>,
          %swap3A_1347 = vector.shape_cast %swap3A_1346 : vector<1x16xf32> to vector<16xf32>
          %swap3A_1348 = vector.shape_cast %mul3A_1343 : vector<16xf32> to vector<1x16xf32>
          tpu.vector_store %arg10[%swap3A_1344, %swap3A_1345], %swap3A_1348 {strides = array<i32>} : memref<128x128xf32, #tpu.memory_space<vmem>>, vector<1x16xf32>,
          %get3A_1349 = arith.index_cast %add3A_1282 : i32 to index
          %get3A_1350 = arith.constant 96 : index
          %get3A_1351 = tpu.vector_load %arg10[%get3A_1349, %get3A_1350] {strides = array<i32>} : memref<128x128xf32, #tpu.memory_space<vmem>>, vector<1x16xf32>,
          %get3A_1352 = vector.shape_cast %get3A_1351 : vector<1x16xf32> to vector<16xf32>
          %mul3A_1353 = vector.broadcast %squeeze3A_1278 : f32 to vector<16xf32>
          %mul3A_1354 = arith.mulf %get3A_1352, %mul3A_1353 : vector<16xf32>
          %swap3A_1355 = arith.index_cast %add3A_1282 : i32 to index
          %swap3A_1356 = arith.constant 96 : index
          %swap3A_1357 = tpu.vector_load %arg10[%swap3A_1355, %swap3A_1356] {strides = array<i32>} : memref<128x128xf32, #tpu.memory_space<vmem>>, vector<1x16xf32>,
          %swap3A_1358 = vector.shape_cast %swap3A_1357 : vector<1x16xf32> to vector<16xf32>
          %swap3A_1359 = vector.shape_cast %mul3A_1354 : vector<16xf32> to vector<1x16xf32>
          tpu.vector_store %arg10[%swap3A_1355, %swap3A_1356], %swap3A_1359 {strides = array<i32>} : memref<128x128xf32, #tpu.memory_space<vmem>>, vector<1x16xf32>,
          %get3A_1360 = arith.index_cast %add3A_1282 : i32 to index
          %get3A_1361 = arith.constant 112 : index
          %get3A_1362 = tpu.vector_load %arg10[%get3A_1360, %get3A_1361] {strides = array<i32>} : memref<128x128xf32, #tpu.memory_space<vmem>>, vector<1x16xf32>,
          %get3A_1363 = vector.shape_cast %get3A_1362 : vector<1x16xf32> to vector<16xf32>
          %mul3A_1364 = vector.broadcast %squeeze3A_1278 : f32 to vector<16xf32>
          %mul3A_1365 = arith.mulf %get3A_1363, %mul3A_1364 : vector<16xf32>
          %swap3A_1366 = arith.index_cast %add3A_1282 : i32 to index
          %swap3A_1367 = arith.constant 112 : index
          %swap3A_1368 = tpu.vector_load %arg10[%swap3A_1366, %swap3A_1367] {strides = array<i32>} : memref<128x128xf32, #tpu.memory_space<vmem>>, vector<1x16xf32>,
          %swap3A_1369 = vector.shape_cast %swap3A_1368 : vector<1x16xf32> to vector<16xf32>
          %swap3A_1370 = vector.shape_cast %mul3A_1365 : vector<16xf32> to vector<1x16xf32>
          tpu.vector_store %arg10[%swap3A_1366, %swap3A_1367], %swap3A_1370 {strides = array<i32>} : memref<128x128xf32, #tpu.memory_space<vmem>>, vector<1x16xf32>,
          %slice3A_1371 = vector.extract_strided_slice %get3A_57 {offsets = [14], sizes = [1], strides = [1]} : vector<16xf32> to vector<1xf32>
          %squeeze3A_1372 = vector.extract %slice3A_1371[0] : f32 from vector<1xf32>
          %mul3A_1373 = arith.constant 16 : i32
          %mul3A_1374 = arith.muli %scan3A_51, %mul3A_1373 : i32
          %add3A_1375 = arith.constant 14 : i32
          %add3A_1376 = arith.addi %mul3A_1374, %add3A_1375 : i32
          %get3A_1377 = arith.index_cast %add3A_1376 : i32 to index
          %get3A_1378 = arith.constant 0 : index
          %get3A_1379 = tpu.vector_load %arg10[%get3A_1377, %get3A_1378] {strides = array<i32>} : memref<128x128xf32, #tpu.memory_space<vmem>>, vector<1x16xf32>,
          %get3A_1380 = vector.shape_cast %get3A_1379 : vector<1x16xf32> to vector<16xf32>
          %mul3A_1381 = vector.broadcast %squeeze3A_1372 : f32 to vector<16xf32>
          %mul3A_1382 = arith.mulf %get3A_1380, %mul3A_1381 : vector<16xf32>
          %swap3A_1383 = arith.index_cast %add3A_1376 : i32 to index
          %swap3A_1384 = arith.constant 0 : index
          %swap3A_1385 = tpu.vector_load %arg10[%swap3A_1383, %swap3A_1384] {strides = array<i32>} : memref<128x128xf32, #tpu.memory_space<vmem>>, vector<1x16xf32>,
          %swap3A_1386 = vector.shape_cast %swap3A_1385 : vector<1x16xf32> to vector<16xf32>
          %swap3A_1387 = vector.shape_cast %mul3A_1382 : vector<16xf32> to vector<1x16xf32>
          tpu.vector_store %arg10[%swap3A_1383, %swap3A_1384], %swap3A_1387 {strides = array<i32>} : memref<128x128xf32, #tpu.memory_space<vmem>>, vector<1x16xf32>,
          %get3A_1388 = arith.index_cast %add3A_1376 : i32 to index
          %get3A_1389 = arith.constant 16 : index
          %get3A_1390 = tpu.vector_load %arg10[%get3A_1388, %get3A_1389] {strides = array<i32>} : memref<128x128xf32, #tpu.memory_space<vmem>>, vector<1x16xf32>,
          %get3A_1391 = vector.shape_cast %get3A_1390 : vector<1x16xf32> to vector<16xf32>
          %mul3A_1392 = vector.broadcast %squeeze3A_1372 : f32 to vector<16xf32>
          %mul3A_1393 = arith.mulf %get3A_1391, %mul3A_1392 : vector<16xf32>
          %swap3A_1394 = arith.index_cast %add3A_1376 : i32 to index
          %swap3A_1395 = arith.constant 16 : index
          %swap3A_1396 = tpu.vector_load %arg10[%swap3A_1394, %swap3A_1395] {strides = array<i32>} : memref<128x128xf32, #tpu.memory_space<vmem>>, vector<1x16xf32>,
          %swap3A_1397 = vector.shape_cast %swap3A_1396 : vector<1x16xf32> to vector<16xf32>
          %swap3A_1398 = vector.shape_cast %mul3A_1393 : vector<16xf32> to vector<1x16xf32>
          tpu.vector_store %arg10[%swap3A_1394, %swap3A_1395], %swap3A_1398 {strides = array<i32>} : memref<128x128xf32, #tpu.memory_space<vmem>>, vector<1x16xf32>,
          %get3A_1399 = arith.index_cast %add3A_1376 : i32 to index
          %get3A_1400 = arith.constant 32 : index
          %get3A_1401 = tpu.vector_load %arg10[%get3A_1399, %get3A_1400] {strides = array<i32>} : memref<128x128xf32, #tpu.memory_space<vmem>>, vector<1x16xf32>,
          %get3A_1402 = vector.shape_cast %get3A_1401 : vector<1x16xf32> to vector<16xf32>
          %mul3A_1403 = vector.broadcast %squeeze3A_1372 : f32 to vector<16xf32>
          %mul3A_1404 = arith.mulf %get3A_1402, %mul3A_1403 : vector<16xf32>
          %swap3A_1405 = arith.index_cast %add3A_1376 : i32 to index
          %swap3A_1406 = arith.constant 32 : index
          %swap3A_1407 = tpu.vector_load %arg10[%swap3A_1405, %swap3A_1406] {strides = array<i32>} : memref<128x128xf32, #tpu.memory_space<vmem>>, vector<1x16xf32>,
          %swap3A_1408 = vector.shape_cast %swap3A_1407 : vector<1x16xf32> to vector<16xf32>
          %swap3A_1409 = vector.shape_cast %mul3A_1404 : vector<16xf32> to vector<1x16xf32>
          tpu.vector_store %arg10[%swap3A_1405, %swap3A_1406], %swap3A_1409 {strides = array<i32>} : memref<128x128xf32, #tpu.memory_space<vmem>>, vector<1x16xf32>,
          %get3A_1410 = arith.index_cast %add3A_1376 : i32 to index
          %get3A_1411 = arith.constant 48 : index
          %get3A_1412 = tpu.vector_load %arg10[%get3A_1410, %get3A_1411] {strides = array<i32>} : memref<128x128xf32, #tpu.memory_space<vmem>>, vector<1x16xf32>,
          %get3A_1413 = vector.shape_cast %get3A_1412 : vector<1x16xf32> to vector<16xf32>
          %mul3A_1414 = vector.broadcast %squeeze3A_1372 : f32 to vector<16xf32>
          %mul3A_1415 = arith.mulf %get3A_1413, %mul3A_1414 : vector<16xf32>
          %swap3A_1416 = arith.index_cast %add3A_1376 : i32 to index
          %swap3A_1417 = arith.constant 48 : index
          %swap3A_1418 = tpu.vector_load %arg10[%swap3A_1416, %swap3A_1417] {strides = array<i32>} : memref<128x128xf32, #tpu.memory_space<vmem>>, vector<1x16xf32>,
          %swap3A_1419 = vector.shape_cast %swap3A_1418 : vector<1x16xf32> to vector<16xf32>
          %swap3A_1420 = vector.shape_cast %mul3A_1415 : vector<16xf32> to vector<1x16xf32>
          tpu.vector_store %arg10[%swap3A_1416, %swap3A_1417], %swap3A_1420 {strides = array<i32>} : memref<128x128xf32, #tpu.memory_space<vmem>>, vector<1x16xf32>,
          %get3A_1421 = arith.index_cast %add3A_1376 : i32 to index
          %get3A_1422 = arith.constant 64 : index
          %get3A_1423 = tpu.vector_load %arg10[%get3A_1421, %get3A_1422] {strides = array<i32>} : memref<128x128xf32, #tpu.memory_space<vmem>>, vector<1x16xf32>,
          %get3A_1424 = vector.shape_cast %get3A_1423 : vector<1x16xf32> to vector<16xf32>
          %mul3A_1425 = vector.broadcast %squeeze3A_1372 : f32 to vector<16xf32>
          %mul3A_1426 = arith.mulf %get3A_1424, %mul3A_1425 : vector<16xf32>
          %swap3A_1427 = arith.index_cast %add3A_1376 : i32 to index
          %swap3A_1428 = arith.constant 64 : index
          %swap3A_1429 = tpu.vector_load %arg10[%swap3A_1427, %swap3A_1428] {strides = array<i32>} : memref<128x128xf32, #tpu.memory_space<vmem>>, vector<1x16xf32>,
          %swap3A_1430 = vector.shape_cast %swap3A_1429 : vector<1x16xf32> to vector<16xf32>
          %swap3A_1431 = vector.shape_cast %mul3A_1426 : vector<16xf32> to vector<1x16xf32>
          tpu.vector_store %arg10[%swap3A_1427, %swap3A_1428], %swap3A_1431 {strides = array<i32>} : memref<128x128xf32, #tpu.memory_space<vmem>>, vector<1x16xf32>,
          %get3A_1432 = arith.index_cast %add3A_1376 : i32 to index
          %get3A_1433 = arith.constant 80 : index
          %get3A_1434 = tpu.vector_load %arg10[%get3A_1432, %get3A_1433] {strides = array<i32>} : memref<128x128xf32, #tpu.memory_space<vmem>>, vector<1x16xf32>,
          %get3A_1435 = vector.shape_cast %get3A_1434 : vector<1x16xf32> to vector<16xf32>
          %mul3A_1436 = vector.broadcast %squeeze3A_1372 : f32 to vector<16xf32>
          %mul3A_1437 = arith.mulf %get3A_1435, %mul3A_1436 : vector<16xf32>
          %swap3A_1438 = arith.index_cast %add3A_1376 : i32 to index
          %swap3A_1439 = arith.constant 80 : index
          %swap3A_1440 = tpu.vector_load %arg10[%swap3A_1438, %swap3A_1439] {strides = array<i32>} : memref<128x128xf32, #tpu.memory_space<vmem>>, vector<1x16xf32>,
          %swap3A_1441 = vector.shape_cast %swap3A_1440 : vector<1x16xf32> to vector<16xf32>
          %swap3A_1442 = vector.shape_cast %mul3A_1437 : vector<16xf32> to vector<1x16xf32>
          tpu.vector_store %arg10[%swap3A_1438, %swap3A_1439], %swap3A_1442 {strides = array<i32>} : memref<128x128xf32, #tpu.memory_space<vmem>>, vector<1x16xf32>,
          %get3A_1443 = arith.index_cast %add3A_1376 : i32 to index
          %get3A_1444 = arith.constant 96 : index
          %get3A_1445 = tpu.vector_load %arg10[%get3A_1443, %get3A_1444] {strides = array<i32>} : memref<128x128xf32, #tpu.memory_space<vmem>>, vector<1x16xf32>,
          %get3A_1446 = vector.shape_cast %get3A_1445 : vector<1x16xf32> to vector<16xf32>
          %mul3A_1447 = vector.broadcast %squeeze3A_1372 : f32 to vector<16xf32>
          %mul3A_1448 = arith.mulf %get3A_1446, %mul3A_1447 : vector<16xf32>
          %swap3A_1449 = arith.index_cast %add3A_1376 : i32 to index
          %swap3A_1450 = arith.constant 96 : index
          %swap3A_1451 = tpu.vector_load %arg10[%swap3A_1449, %swap3A_1450] {strides = array<i32>} : memref<128x128xf32, #tpu.memory_space<vmem>>, vector<1x16xf32>,
          %swap3A_1452 = vector.shape_cast %swap3A_1451 : vector<1x16xf32> to vector<16xf32>
          %swap3A_1453 = vector.shape_cast %mul3A_1448 : vector<16xf32> to vector<1x16xf32>
          tpu.vector_store %arg10[%swap3A_1449, %swap3A_1450], %swap3A_1453 {strides = array<i32>} : memref<128x128xf32, #tpu.memory_space<vmem>>, vector<1x16xf32>,
          %get3A_1454 = arith.index_cast %add3A_1376 : i32 to index
          %get3A_1455 = arith.constant 112 : index
          %get3A_1456 = tpu.vector_load %arg10[%get3A_1454, %get3A_1455] {strides = array<i32>} : memref<128x128xf32, #tpu.memory_space<vmem>>, vector<1x16xf32>,
          %get3A_1457 = vector.shape_cast %get3A_1456 : vector<1x16xf32> to vector<16xf32>
          %mul3A_1458 = vector.broadcast %squeeze3A_1372 : f32 to vector<16xf32>
          %mul3A_1459 = arith.mulf %get3A_1457, %mul3A_1458 : vector<16xf32>
          %swap3A_1460 = arith.index_cast %add3A_1376 : i32 to index
          %swap3A_1461 = arith.constant 112 : index
          %swap3A_1462 = tpu.vector_load %arg10[%swap3A_1460, %swap3A_1461] {strides = array<i32>} : memref<128x128xf32, #tpu.memory_space<vmem>>, vector<1x16xf32>,
          %swap3A_1463 = vector.shape_cast %swap3A_1462 : vector<1x16xf32> to vector<16xf32>
          %swap3A_1464 = vector.shape_cast %mul3A_1459 : vector<16xf32> to vector<1x16xf32>
          tpu.vector_store %arg10[%swap3A_1460, %swap3A_1461], %swap3A_1464 {strides = array<i32>} : memref<128x128xf32, #tpu.memory_space<vmem>>, vector<1x16xf32>,
          %slice3A_1465 = vector.extract_strided_slice %get3A_57 {offsets = [15], sizes = [1], strides = [1]} : vector<16xf32> to vector<1xf32>
          %squeeze3A_1466 = vector.extract %slice3A_1465[0] : f32 from vector<1xf32>
          %mul3A_1467 = arith.constant 16 : i32
          %mul3A_1468 = arith.muli %scan3A_51, %mul3A_1467 : i32
          %add3A_1469 = arith.constant 15 : i32
          %add3A_1470 = arith.addi %mul3A_1468, %add3A_1469 : i32
          %get3A_1471 = arith.index_cast %add3A_1470 : i32 to index
          %get3A_1472 = arith.constant 0 : index
          %get3A_1473 = tpu.vector_load %arg10[%get3A_1471, %get3A_1472] {strides = array<i32>} : memref<128x128xf32, #tpu.memory_space<vmem>>, vector<1x16xf32>,
          %get3A_1474 = vector.shape_cast %get3A_1473 : vector<1x16xf32> to vector<16xf32>
          %mul3A_1475 = vector.broadcast %squeeze3A_1466 : f32 to vector<16xf32>
          %mul3A_1476 = arith.mulf %get3A_1474, %mul3A_1475 : vector<16xf32>
          %swap3A_1477 = arith.index_cast %add3A_1470 : i32 to index
          %swap3A_1478 = arith.constant 0 : index
          %swap3A_1479 = tpu.vector_load %arg10[%swap3A_1477, %swap3A_1478] {strides = array<i32>} : memref<128x128xf32, #tpu.memory_space<vmem>>, vector<1x16xf32>,
          %swap3A_1480 = vector.shape_cast %swap3A_1479 : vector<1x16xf32> to vector<16xf32>
          %swap3A_1481 = vector.shape_cast %mul3A_1476 : vector<16xf32> to vector<1x16xf32>
          tpu.vector_store %arg10[%swap3A_1477, %swap3A_1478], %swap3A_1481 {strides = array<i32>} : memref<128x128xf32, #tpu.memory_space<vmem>>, vector<1x16xf32>,
          %get3A_1482 = arith.index_cast %add3A_1470 : i32 to index
          %get3A_1483 = arith.constant 16 : index
          %get3A_1484 = tpu.vector_load %arg10[%get3A_1482, %get3A_1483] {strides = array<i32>} : memref<128x128xf32, #tpu.memory_space<vmem>>, vector<1x16xf32>,
          %get3A_1485 = vector.shape_cast %get3A_1484 : vector<1x16xf32> to vector<16xf32>
          %mul3A_1486 = vector.broadcast %squeeze3A_1466 : f32 to vector<16xf32>
          %mul3A_1487 = arith.mulf %get3A_1485, %mul3A_1486 : vector<16xf32>
          %swap3A_1488 = arith.index_cast %add3A_1470 : i32 to index
          %swap3A_1489 = arith.constant 16 : index
          %swap3A_1490 = tpu.vector_load %arg10[%swap3A_1488, %swap3A_1489] {strides = array<i32>} : memref<128x128xf32, #tpu.memory_space<vmem>>, vector<1x16xf32>,
          %swap3A_1491 = vector.shape_cast %swap3A_1490 : vector<1x16xf32> to vector<16xf32>
          %swap3A_1492 = vector.shape_cast %mul3A_1487 : vector<16xf32> to vector<1x16xf32>
          tpu.vector_store %arg10[%swap3A_1488, %swap3A_1489], %swap3A_1492 {strides = array<i32>} : memref<128x128xf32, #tpu.memory_space<vmem>>, vector<1x16xf32>,
          %get3A_1493 = arith.index_cast %add3A_1470 : i32 to index
          %get3A_1494 = arith.constant 32 : index
          %get3A_1495 = tpu.vector_load %arg10[%get3A_1493, %get3A_1494] {strides = array<i32>} : memref<128x128xf32, #tpu.memory_space<vmem>>, vector<1x16xf32>,
          %get3A_1496 = vector.shape_cast %get3A_1495 : vector<1x16xf32> to vector<16xf32>
          %mul3A_1497 = vector.broadcast %squeeze3A_1466 : f32 to vector<16xf32>
          %mul3A_1498 = arith.mulf %get3A_1496, %mul3A_1497 : vector<16xf32>
          %swap3A_1499 = arith.index_cast %add3A_1470 : i32 to index
          %swap3A_1500 = arith.constant 32 : index
          %swap3A_1501 = tpu.vector_load %arg10[%swap3A_1499, %swap3A_1500] {strides = array<i32>} : memref<128x128xf32, #tpu.memory_space<vmem>>, vector<1x16xf32>,
          %swap3A_1502 = vector.shape_cast %swap3A_1501 : vector<1x16xf32> to vector<16xf32>
          %swap3A_1503 = vector.shape_cast %mul3A_1498 : vector<16xf32> to vector<1x16xf32>
          tpu.vector_store %arg10[%swap3A_1499, %swap3A_1500], %swap3A_1503 {strides = array<i32>} : memref<128x128xf32, #tpu.memory_space<vmem>>, vector<1x16xf32>,
          %get3A_1504 = arith.index_cast %add3A_1470 : i32 to index
          %get3A_1505 = arith.constant 48 : index
          %get3A_1506 = tpu.vector_load %arg10[%get3A_1504, %get3A_1505] {strides = array<i32>} : memref<128x128xf32, #tpu.memory_space<vmem>>, vector<1x16xf32>,
          %get3A_1507 = vector.shape_cast %get3A_1506 : vector<1x16xf32> to vector<16xf32>
          %mul3A_1508 = vector.broadcast %squeeze3A_1466 : f32 to vector<16xf32>
          %mul3A_1509 = arith.mulf %get3A_1507, %mul3A_1508 : vector<16xf32>
          %swap3A_1510 = arith.index_cast %add3A_1470 : i32 to index
          %swap3A_1511 = arith.constant 48 : index
          %swap3A_1512 = tpu.vector_load %arg10[%swap3A_1510, %swap3A_1511] {strides = array<i32>} : memref<128x128xf32, #tpu.memory_space<vmem>>, vector<1x16xf32>,
          %swap3A_1513 = vector.shape_cast %swap3A_1512 : vector<1x16xf32> to vector<16xf32>
          %swap3A_1514 = vector.shape_cast %mul3A_1509 : vector<16xf32> to vector<1x16xf32>
          tpu.vector_store %arg10[%swap3A_1510, %swap3A_1511], %swap3A_1514 {strides = array<i32>} : memref<128x128xf32, #tpu.memory_space<vmem>>, vector<1x16xf32>,
          %get3A_1515 = arith.index_cast %add3A_1470 : i32 to index
          %get3A_1516 = arith.constant 64 : index
          %get3A_1517 = tpu.vector_load %arg10[%get3A_1515, %get3A_1516] {strides = array<i32>} : memref<128x128xf32, #tpu.memory_space<vmem>>, vector<1x16xf32>,
          %get3A_1518 = vector.shape_cast %get3A_1517 : vector<1x16xf32> to vector<16xf32>
          %mul3A_1519 = vector.broadcast %squeeze3A_1466 : f32 to vector<16xf32>
          %mul3A_1520 = arith.mulf %get3A_1518, %mul3A_1519 : vector<16xf32>
          %swap3A_1521 = arith.index_cast %add3A_1470 : i32 to index
          %swap3A_1522 = arith.constant 64 : index
          %swap3A_1523 = tpu.vector_load %arg10[%swap3A_1521, %swap3A_1522] {strides = array<i32>} : memref<128x128xf32, #tpu.memory_space<vmem>>, vector<1x16xf32>,
          %swap3A_1524 = vector.shape_cast %swap3A_1523 : vector<1x16xf32> to vector<16xf32>
          %swap3A_1525 = vector.shape_cast %mul3A_1520 : vector<16xf32> to vector<1x16xf32>
          tpu.vector_store %arg10[%swap3A_1521, %swap3A_1522], %swap3A_1525 {strides = array<i32>} : memref<128x128xf32, #tpu.memory_space<vmem>>, vector<1x16xf32>,
          %get3A_1526 = arith.index_cast %add3A_1470 : i32 to index
          %get3A_1527 = arith.constant 80 : index
          %get3A_1528 = tpu.vector_load %arg10[%get3A_1526, %get3A_1527] {strides = array<i32>} : memref<128x128xf32, #tpu.memory_space<vmem>>, vector<1x16xf32>,
          %get3A_1529 = vector.shape_cast %get3A_1528 : vector<1x16xf32> to vector<16xf32>
          %mul3A_1530 = vector.broadcast %squeeze3A_1466 : f32 to vector<16xf32>
          %mul3A_1531 = arith.mulf %get3A_1529, %mul3A_1530 : vector<16xf32>
          %swap3A_1532 = arith.index_cast %add3A_1470 : i32 to index
          %swap3A_1533 = arith.constant 80 : index
          %swap3A_1534 = tpu.vector_load %arg10[%swap3A_1532, %swap3A_1533] {strides = array<i32>} : memref<128x128xf32, #tpu.memory_space<vmem>>, vector<1x16xf32>,
          %swap3A_1535 = vector.shape_cast %swap3A_1534 : vector<1x16xf32> to vector<16xf32>
          %swap3A_1536 = vector.shape_cast %mul3A_1531 : vector<16xf32> to vector<1x16xf32>
          tpu.vector_store %arg10[%swap3A_1532, %swap3A_1533], %swap3A_1536 {strides = array<i32>} : memref<128x128xf32, #tpu.memory_space<vmem>>, vector<1x16xf32>,
          %get3A_1537 = arith.index_cast %add3A_1470 : i32 to index
          %get3A_1538 = arith.constant 96 : index
          %get3A_1539 = tpu.vector_load %arg10[%get3A_1537, %get3A_1538] {strides = array<i32>} : memref<128x128xf32, #tpu.memory_space<vmem>>, vector<1x16xf32>,
          %get3A_1540 = vector.shape_cast %get3A_1539 : vector<1x16xf32> to vector<16xf32>
          %mul3A_1541 = vector.broadcast %squeeze3A_1466 : f32 to vector<16xf32>
          %mul3A_1542 = arith.mulf %get3A_1540, %mul3A_1541 : vector<16xf32>
          %swap3A_1543 = arith.index_cast %add3A_1470 : i32 to index
          %swap3A_1544 = arith.constant 96 : index
          %swap3A_1545 = tpu.vector_load %arg10[%swap3A_1543, %swap3A_1544] {strides = array<i32>} : memref<128x128xf32, #tpu.memory_space<vmem>>, vector<1x16xf32>,
          %swap3A_1546 = vector.shape_cast %swap3A_1545 : vector<1x16xf32> to vector<16xf32>
          %swap3A_1547 = vector.shape_cast %mul3A_1542 : vector<16xf32> to vector<1x16xf32>
          tpu.vector_store %arg10[%swap3A_1543, %swap3A_1544], %swap3A_1547 {strides = array<i32>} : memref<128x128xf32, #tpu.memory_space<vmem>>, vector<1x16xf32>,
          %get3A_1548 = arith.index_cast %add3A_1470 : i32 to index
          %get3A_1549 = arith.constant 112 : index
          %get3A_1550 = tpu.vector_load %arg10[%get3A_1548, %get3A_1549] {strides = array<i32>} : memref<128x128xf32, #tpu.memory_space<vmem>>, vector<1x16xf32>,
          %get3A_1551 = vector.shape_cast %get3A_1550 : vector<1x16xf32> to vector<16xf32>
          %mul3A_1552 = vector.broadcast %squeeze3A_1466 : f32 to vector<16xf32>
          %mul3A_1553 = arith.mulf %get3A_1551, %mul3A_1552 : vector<16xf32>
          %swap3A_1554 = arith.index_cast %add3A_1470 : i32 to index
          %swap3A_1555 = arith.constant 112 : index
          %swap3A_1556 = tpu.vector_load %arg10[%swap3A_1554, %swap3A_1555] {strides = array<i32>} : memref<128x128xf32, #tpu.memory_space<vmem>>, vector<1x16xf32>,
          %swap3A_1557 = vector.shape_cast %swap3A_1556 : vector<1x16xf32> to vector<16xf32>
          %swap3A_1558 = vector.shape_cast %mul3A_1553 : vector<16xf32> to vector<1x16xf32>
          tpu.vector_store %arg10[%swap3A_1554, %swap3A_1555], %swap3A_1558 {strides = array<i32>} : memref<128x128xf32, #tpu.memory_space<vmem>>, vector<1x16xf32>,
          %scan3A_1559 = arith.constant 0 : i32
          scf.yield %scan3A_1559 : i32
        }
        %scan3A_49 = arith.constant 8 : i32
        "tpu.region"() ({
          %run_scoped3A = tpu.sem_alloc : memref<!tpu.dma_semaphore, #tpu.memory_space<semaphore_mem>>
          %dma_start3A = arith.constant 0 : i32
          %dma_start3A_51 = tpu.memref_slice %arg8[%scan3A_41, %dma_start3A] : memref<40x128xi32, #tpu.memory_space<vmem>> -> memref<1x128xi32, #tpu.memory_space<vmem>>
          %dma_start3A_52 = tpu.memref_squeeze %dma_start3A_51 : memref<1x128xi32, #tpu.memory_space<vmem>> -> memref<128xi32, #tpu.memory_space<vmem>>
          %dma_start3A_53 = arith.constant 0 : i32
          %dma_start3A_54 = arith.constant 0 : i32
          %dma_start3A_55 = tpu.memref_slice %arg12[%dma_start3A_53, %dma_start3A_54] : memref<10240x128xf32, #tpu.memory_space<vmem_shared>> -> memref<10240x128xf32, #tpu.memory_space<vmem_shared>>
          tpu.enqueue_indirect_dma source(%arg10 : memref<128x128xf32, #tpu.memory_space<vmem>>) target(%dma_start3A_55 : memref<10240x128xf32, #tpu.memory_space<vmem_shared>>) offsets(%dma_start3A_52 : memref<128xi32, #tpu.memory_space<vmem>>) semaphore(%run_scoped3A : memref<!tpu.dma_semaphore, #tpu.memory_space<semaphore_mem>>) {add = true}
          %dma_wait3A = arith.constant 0 : i32
          %dma_wait3A_56 = tpu.memref_slice %arg8[%scan3A_41, %dma_wait3A] : memref<40x128xi32, #tpu.memory_space<vmem>> -> memref<1x128xi32, #tpu.memory_space<vmem>>
          %dma_wait3A_57 = tpu.memref_squeeze %dma_wait3A_56 : memref<1x128xi32, #tpu.memory_space<vmem>> -> memref<128xi32, #tpu.memory_space<vmem>>
          %dma_wait3A_58 = arith.constant 0 : i32
          %dma_wait3A_59 = arith.constant 0 : i32
          %dma_wait3A_60 = tpu.memref_slice %arg12[%dma_wait3A_58, %dma_wait3A_59] : memref<10240x128xf32, #tpu.memory_space<vmem_shared>> -> memref<10240x128xf32, #tpu.memory_space<vmem_shared>>
          tpu.wait_indirect_dma semaphore(%run_scoped3A : memref<!tpu.dma_semaphore, #tpu.memory_space<semaphore_mem>>) src(%arg10 : memref<128x128xf32, #tpu.memory_space<vmem>>) dst(%dma_wait3A_60 : memref<10240x128xf32, #tpu.memory_space<vmem_shared>>)
          tpu.yield
        }) : () -> ()
        %scan3A_50 = arith.constant 0 : i32
        scf.yield %scan3A_50 : i32
      }
      %scan3A_39 = arith.constant 40 : i32
      %scan3A_40 = arith.constant 0 : i32
      scf.yield %scan3A_40 : i32
    }
    %scan3A_20 = arith.constant 2 : i32
    %barrier3A_21 = arith.constant 0 : index
    tpu.barrier barrier_id(%barrier3A_21)
    %mul3A_22 = arith.constant 640 : i32
    %mul3A_23 = arith.muli %arg1, %mul3A_22 : i32
    %mul3A_24 = arith.constant 640 : i32
    %mul3A_25 = arith.muli %arg1, %mul3A_24 : i32
    "tpu.region"() ({
      %run_scoped3A = tpu.sem_alloc : memref<!tpu.dma_semaphore, #tpu.memory_space<semaphore_mem>>
      %dma_start3A = arith.constant 0 : i32
      %dma_start3A_26 = tpu.memref_slice %arg6[%arg0, %mul3A_25, %dma_start3A] : memref<2x10240x128xf32, #tpu.memory_space<hbm>> -> memref<1x640x128xf32, #tpu.memory_space<hbm>>
      %dma_start3A_27 = tpu.memref_squeeze %dma_start3A_26 : memref<1x640x128xf32, #tpu.memory_space<hbm>> -> memref<640x128xf32, #tpu.memory_space<hbm>>
      %dma_start3A_28 = arith.constant 0 : i32
      %dma_start3A_29 = tpu.memref_slice %arg12[%mul3A_23, %dma_start3A_28] : memref<10240x128xf32, #tpu.memory_space<vmem_shared>> -> memref<640x128xf32, #tpu.memory_space<vmem_shared>>
      tpu.enqueue_dma source(%dma_start3A_29 : memref<640x128xf32, #tpu.memory_space<vmem_shared>>) target(%dma_start3A_27 : memref<640x128xf32, #tpu.memory_space<hbm>>) target_semaphore(%run_scoped3A : memref<!tpu.dma_semaphore, #tpu.memory_space<semaphore_mem>>)
      %dma_wait3A = arith.constant 0 : i32
      %dma_wait3A_30 = tpu.memref_slice %arg6[%arg0, %mul3A_25, %dma_wait3A] : memref<2x10240x128xf32, #tpu.memory_space<hbm>> -> memref<1x640x128xf32, #tpu.memory_space<hbm>>
      %dma_wait3A_31 = tpu.memref_squeeze %dma_wait3A_30 : memref<1x640x128xf32, #tpu.memory_space<hbm>> -> memref<640x128xf32, #tpu.memory_space<hbm>>
      %dma_wait3A_32 = arith.constant 0 : i32
      %dma_wait3A_33 = tpu.memref_slice %arg12[%mul3A_23, %dma_wait3A_32] : memref<10240x128xf32, #tpu.memory_space<vmem_shared>> -> memref<640x128xf32, #tpu.memory_space<vmem_shared>>
      tpu.wait_dma2 semaphore(%run_scoped3A : memref<!tpu.dma_semaphore, #tpu.memory_space<semaphore_mem>>) src(%dma_wait3A_33 : memref<640x128xf32, #tpu.memory_space<vmem_shared>>) dst(%dma_wait3A_31 : memref<640x128xf32, #tpu.memory_space<hbm>>)
      tpu.yield
    }) : () -> ()
    return
  }
}

module attributes {stable_mosaic.version = 14 : i64} {
  func.func @_gmat_body(%arg0: i32, %arg1: memref<256x128xf32, #tpu.memory_space<vmem>>, %arg2: memref<128x128xf32, #tpu.memory_space<vmem>>, %arg3: memref<2x256xf32, #tpu.memory_space<vmem>>, %arg4: memref<256x128xf32, #tpu.memory_space<vmem>>) attributes {dimension_semantics = [#tpu.dimension_semantics<arbitrary>], iteration_bounds = array<i64: 40>, scalar_prefetch = 0 : i64, scratch_operands = 0 : i64, tpu.core_type = #tpu.core_type<tc>, window_params = [{transform_indices = @transform_0, window_bounds = array<i64: 256, 128>}, {pipeline_mode = #tpu.pipeline_mode<synchronous>, transform_indices = @transform_1, window_bounds = array<i64: 128, 128>}, {transform_indices = @transform_2, window_bounds = array<i64: 2, 256>}, {transform_indices = @transform_3, window_bounds = array<i64: 256, 128>}]} {
    %get3A = arith.constant 0 : index
    %get3A_0 = arith.constant 0 : index
    %get3A_1 = vector.load %arg3[%get3A, %get3A_0] : memref<2x256xf32, #tpu.memory_space<vmem>>, vector<1x256xf32>
    %get3A_2 = vector.shape_cast %get3A_1 : vector<1x256xf32> to vector<256xf32>
    %get3A_3 = arith.constant 1 : index
    %get3A_4 = arith.constant 0 : index
    %get3A_5 = vector.load %arg3[%get3A_3, %get3A_4] : memref<2x256xf32, #tpu.memory_space<vmem>>, vector<1x256xf32>
    %get3A_6 = vector.shape_cast %get3A_5 : vector<1x256xf32> to vector<256xf32>
    %add3A = arith.addf %get3A_2, %get3A_6 : vector<256xf32>
    %max3A = arith.constant 9.99999997E-7 : f32
    %max3A_7 = vector.broadcast %max3A : f32 to vector<256xf32>
    %max3A_8 = arith.maximumf %add3A, %max3A_7 : vector<256xf32>
    %rsqrt3A = math.rsqrt %max3A_8 : vector<256xf32>
    %get3A_9 = arith.constant 0 : index
    %get3A_10 = arith.constant 0 : index
    %get3A_11 = vector.load %arg1[%get3A_9, %get3A_10] : memref<256x128xf32, #tpu.memory_space<vmem>>, vector<256x128xf32>
    %broadcast_in_dim3A = vector.shape_cast %rsqrt3A : vector<256xf32> to vector<256x1xf32>
    %mul3A = vector.broadcast %broadcast_in_dim3A : vector<256x1xf32> to vector<256x128xf32>
    %mul3A_12 = arith.mulf %get3A_11, %mul3A : vector<256x128xf32>
    %get3A_13 = arith.constant 0 : index
    %get3A_14 = arith.constant 0 : index
    %get3A_15 = vector.load %arg2[%get3A_13, %get3A_14] : memref<128x128xf32, #tpu.memory_space<vmem>>, vector<128x128xf32>
    %dot_general3A = arith.constant dense<0.000000e+00> : vector<256x128xf32>
    %dot_general3A_16 = tpu.matmul %mul3A_12, %get3A_15, %dot_general3A {dimension_numbers = #tpu.dot_dimension_numbers<[1], [1], [0], [0], [0, 0, 1, 0], [], []>, transpose_lhs_hint = false} : vector<256x128xf32>, vector<128x128xf32>, vector<256x128xf32> -> vector<256x128xf32>
    %swap3A = arith.constant 0 : index
    %swap3A_17 = arith.constant 0 : index
    %swap3A_18 = vector.load %arg4[%swap3A, %swap3A_17] : memref<256x128xf32, #tpu.memory_space<vmem>>, vector<256x128xf32>
    tpu.vector_store %arg4[%swap3A, %swap3A_17], %dot_general3A_16 {strides = array<i32>} : memref<256x128xf32, #tpu.memory_space<vmem>>, vector<256x128xf32>,
    return
  }
  func.func @transform_0(%arg0: i32) -> (i32, i32) {
    %c0_i32 = arith.constant 0 : i32
    %c0_i32_0 = arith.constant 0 : i32
    return %arg0, %c0_i32 : i32, i32
  }
  func.func @transform_1(%arg0: i32) -> (i32, i32) {
    %c0_i32 = arith.constant 0 : i32
    %c0_i32_0 = arith.constant 0 : i32
    %c0_i32_1 = arith.constant 0 : i32
    return %c0_i32, %c0_i32_0 : i32, i32
  }
  func.func @transform_2(%arg0: i32) -> (i32, i32) {
    %c0_i32 = arith.constant 0 : i32
    %c0_i32_0 = arith.constant 0 : i32
    return %c0_i32, %arg0 : i32, i32
  }
  func.func @transform_3(%arg0: i32) -> (i32, i32) {
    %c0_i32 = arith.constant 0 : i32
    %c0_i32_0 = arith.constant 0 : i32
    return %arg0, %c0_i32 : i32, i32
  }
}

module attributes {stable_mosaic.version = 14 : i64} {
  func.func @_final_body(%arg0: i32, %arg1: memref<2x256x128xf32, #tpu.memory_space<vmem>>, %arg2: memref<2x256xf32, #tpu.memory_space<vmem>>, %arg3: memref<256x128xf32, #tpu.memory_space<vmem>>) attributes {dimension_semantics = [#tpu.dimension_semantics<arbitrary>], iteration_bounds = array<i64: 40>, scalar_prefetch = 0 : i64, scratch_operands = 0 : i64, tpu.core_type = #tpu.core_type<tc>, window_params = [{transform_indices = @transform_0, window_bounds = array<i64: 2, 256, 128>}, {transform_indices = @transform_1, window_bounds = array<i64: 2, 256>}, {transform_indices = @transform_2, window_bounds = array<i64: 256, 128>}]} {
    %get3A = arith.constant 0 : index
    %get3A_0 = arith.constant 0 : index
    %get3A_1 = vector.load %arg2[%get3A, %get3A_0] : memref<2x256xf32, #tpu.memory_space<vmem>>, vector<1x256xf32>
    %get3A_2 = vector.shape_cast %get3A_1 : vector<1x256xf32> to vector<256xf32>
    %get3A_3 = arith.constant 1 : index
    %get3A_4 = arith.constant 0 : index
    %get3A_5 = vector.load %arg2[%get3A_3, %get3A_4] : memref<2x256xf32, #tpu.memory_space<vmem>>, vector<1x256xf32>
    %get3A_6 = vector.shape_cast %get3A_5 : vector<1x256xf32> to vector<256xf32>
    %add3A = arith.addf %get3A_2, %get3A_6 : vector<256xf32>
    %max3A = arith.constant 9.99999997E-7 : f32
    %max3A_7 = vector.broadcast %max3A : f32 to vector<256xf32>
    %max3A_8 = arith.maximumf %add3A, %max3A_7 : vector<256xf32>
    %rsqrt3A = math.rsqrt %max3A_8 : vector<256xf32>
    %get3A_9 = arith.constant 0 : index
    %get3A_10 = arith.constant 0 : index
    %get3A_11 = arith.constant 0 : index
    %get3A_12 = vector.load %arg1[%get3A_9, %get3A_10, %get3A_11] : memref<2x256x128xf32, #tpu.memory_space<vmem>>, vector<1x256x128xf32>
    %get3A_13 = vector.shape_cast %get3A_12 : vector<1x256x128xf32> to vector<256x128xf32>
    %get3A_14 = arith.constant 1 : index
    %get3A_15 = arith.constant 0 : index
    %get3A_16 = arith.constant 0 : index
    %get3A_17 = vector.load %arg1[%get3A_14, %get3A_15, %get3A_16] : memref<2x256x128xf32, #tpu.memory_space<vmem>>, vector<1x256x128xf32>
    %get3A_18 = vector.shape_cast %get3A_17 : vector<1x256x128xf32> to vector<256x128xf32>
    %add3A_19 = arith.addf %get3A_13, %get3A_18 : vector<256x128xf32>
    %broadcast_in_dim3A = vector.shape_cast %rsqrt3A : vector<256xf32> to vector<256x1xf32>
    %mul3A = vector.broadcast %broadcast_in_dim3A : vector<256x1xf32> to vector<256x128xf32>
    %mul3A_20 = arith.mulf %add3A_19, %mul3A : vector<256x128xf32>
    %swap3A = arith.constant 0 : index
    %swap3A_21 = arith.constant 0 : index
    %swap3A_22 = vector.load %arg3[%swap3A, %swap3A_21] : memref<256x128xf32, #tpu.memory_space<vmem>>, vector<256x128xf32>
    tpu.vector_store %arg3[%swap3A, %swap3A_21], %mul3A_20 {strides = array<i32>} : memref<256x128xf32, #tpu.memory_space<vmem>>, vector<256x128xf32>,
    return
  }
  func.func @transform_0(%arg0: i32) -> (i32, i32, i32) {
    %c0_i32 = arith.constant 0 : i32
    %c0_i32_0 = arith.constant 0 : i32
    %c0_i32_1 = arith.constant 0 : i32
    return %c0_i32, %arg0, %c0_i32_0 : i32, i32, i32
  }
  func.func @transform_1(%arg0: i32) -> (i32, i32) {
    %c0_i32 = arith.constant 0 : i32
    %c0_i32_0 = arith.constant 0 : i32
    return %c0_i32, %arg0 : i32, i32
  }
  func.func @transform_2(%arg0: i32) -> (i32, i32) {
    %c0_i32 = arith.constant 0 : i32
    %c0_i32_0 = arith.constant 0 : i32
    return %arg0, %c0_i32 : i32, i32
  }
}

</mosaic_0001>

<sc_bundles>
// kernel: kernel.6.cloned.1.call-start
scs
__scs_entry_jumppad:
0x0: {  	(pc) =	sbr.rel $0x88, $3  }
0x1: {  	(tag) =	ssettag $0x0;
	lr =	simm.s32 $0x1  }
0x2: {  	[smem:$0x3F9D] =	sst lr;
	_ =	strace $0xD0000000  }
0x3: {  	_ = 	snop  }
0x4: {  	_ = 	snop  }
0x5: {  	_ = 	snop  }
0x6: {  	_ = 	snop  }
0x7: {  	_ = 	snop  }
__scs_overlays_trampoline_lowered:
0x8: {  	[smem:$0x3FAC] =	sst s0  }
0x9: {  	[smem:$0x3FAD] =	sst s1  }
0xa: {  	[smem:$0x3FAE] =	sst s2  }
0xb: {  	[smem:$0x3FAF] =	sst s3  }
0xc: {  	[smem:$0x3FB0] =	sst s4  }
0xd: {  	[smem:$0x3FB1] =	sst s5  }
0xe: {  	[smem:$0x3FB2] =	sst s6  }
0xf: {  	[smem:$0x3FB3] =	sst s7  }
0x10: {  	[smem:$0x3FB4] =	sst s8  }
0x11: {  	[smem:$0x3FB5] =	sst s9;
	s0 =	simm.s32 @!p0 $0x0  }
0x12: {  	s1 =	sld [smem:$0x3F9B];
	s0 =	simm.s32 @p0 $0x1  }
0x13: {  	[smem:$0x3FB6] =	sst s0;
	s0 =	simm.s32 @!p1 $0x0  }
0x14: {  	s2 =	sld [smem:$0x3F9A];
	s0 =	simm.s32 @p1 $0x1  }
0x15: {  	[smem:$0x3FB7] =	sst s0;
	s0 =	simm.s32 @!p2 $0x0  }
0x16: {  	s3 =	sld [smem:$0x3FDB];
	s0 =	simm.s32 @p2 $0x1  }
0x17: {  	s4 =	simm.s32 $0x1BF5;
	[smem:$0x3FB9] =	sst s0  }
0x18: {  	s0 =	sld [smem:$0x3F9C];
	_ =	swait.ge [sflag:s4], $0x0  }
0x19: {  	s7 =	sld [smem:$0x3F9D]  }
0x1a: {  	s8 =	sadd.s32 $0xFFFFE003, lr  }
0x1b: {  	s9 =	sadd.s32 $0xFFFFFEF7, lr;
	s5 =	simm.s32 $0xFFFFFFFF;
	p2 =	slt.u32 s8, $0xFFFFF086  }
0x1c: {  	p1 =	slt.u32 s9, $0xF7A;
	s5 =	simm.s32 @!p2 $0x0  }
0x1d: {  	s5 =	simm.s32 @p1 $0x1;
	p0 =	seq.s32 s7, s2  }
0x1e: {  	s7 =	smul.u32 @!p0 $0xF7A, s2;
	p2 =	seq.s32 @!p0 s5, $0x0  }
0x1f: {  	s9 =	smul.u32 $0xF7A, s1;
	s8 =	simm.s32 @!p0 $0x1BF5;
	p2 =	por !p2, p0  }
0x20: {  	[sflag:s8] =	ssyncset.s32 @!p0 $0xFFFFF086;
	s6 =	sadd.s32 @!p0 s3, s7;
	s7 =	simm.s32 @!p0 $0x108  }
0x21: {  	s3 =	sadd.s32 s3, s9;
	s6 =	sadd.s32 @!p0 $0x88, s6;
	s7 =	simm.s32 @p2 $0x1082  }
0x22: {  	[simem:s7], [sflag:s8] =	dma.local @!p0 [hbm:s6], $0xF7A  }
0x23: {  	s9 =	sor.u32 $0xD0000000, s2;
	s6 =	simm.s32 $0x108;
	_ =	swait.ge @!p0 [sflag:s8], $0x0  }
0x24: {  	s3 =	sadd.s32 $0x88, s3;
	s6 =	simm.s32 @!p1 $0x1082;
	[sflag:s4] =	ssyncset.s32 $0xFFFFF086  }
0x25: {  	[simem:s6], [sflag:s4] =	dma.local [hbm:s3], $0xF7A  }
0x26: {  	[smem:$0x3F9D] =	sst s1;
	(tag) =	ssettag s2;
	_ =	strace s9  }
0x27: {  	s1 =	sld [smem:$0x3FAD]  }
0x28: {  	s2 =	sld [smem:$0x3FAE]  }
0x29: {  	s4 =	sld [smem:$0x3FB0]  }
0x2a: {  	p0 =	seq.s32 s5, $0x0;
	s5 =	sld [smem:$0x3FB1]  }
0x2b: {  	s6 =	sld [smem:$0x3FB2]  }
0x2c: {  	s7 =	sld [smem:$0x3FB3]  }
0x2d: {  	s3 =	simm.s32 $0x108;
	s8 =	sld [smem:$0x3FB4]  }
0x2e: {  	s3 =	simm.s32 @!p0 $0x1082;
	s9 =	sld [smem:$0x3FB5]  }
0x2f: {  	lr =	sadd.s32 s0, s3;
	s0 =	sld [smem:$0x3FAC]  }
0x30: {  	s3 =	sld [smem:$0x3FAF]  }
0x31: {  	[smem:$0x3FB8] =	sst s10  }
0x32: {  	s10 =	sld [smem:$0x3FB6];
	_ =	sdelay $0x3  }
0x33: {  	p0 =	seq.s32 s10, $0x1;
	s10 =	sld [smem:$0x3FB8];
	_ =	sdelay $0x3  }
0x34: {  	[smem:$0x3FB8] =	sst s10  }
0x35: {  	s10 =	sld [smem:$0x3FB7];
	_ =	sdelay $0x3  }
0x36: {  	p1 =	seq.s32 s10, $0x1;
	s10 =	sld [smem:$0x3FB8];
	_ =	sdelay $0x3  }
0x37: {  	[smem:$0x3FB8] =	sst s10  }
0x38: {  	s10 =	sld [smem:$0x3FB9]  }
0x39: {  	_ = 	snop;
	(pc) =	sbr.ind lr, $3  }
0x3a: {  	_ = 	snop  }
0x3b: {  	_ = 	snop  }
0x3c: {  	p2 =	seq.s32 s10, $0x1;
	s10 =	sld [smem:$0x3FB8]  }
0x3d: {  	_ =	shalt  }
0x3e: {  	_ =	shalt  }
0x3f: {  	_ =	shalt  }
0x40: {  	_ =	shalt  }
0x41: {  	_ =	shalt  }
0x42: {  	_ =	shalt  }
0x43: {  	_ =	shalt  }
0x44: {  	_ =	shalt  }
0x45: {  	_ =	shalt  }
0x46: {  	_ =	shalt  }
0x47: {  	_ =	shalt  }
0x48: {  	_ =	shalt  }
0x49: {  	_ =	shalt  }
0x4a: {  	_ =	shalt  }
0x4b: {  	_ =	shalt  }
0x4c: {  	_ =	shalt  }
0x4d: {  	_ =	shalt  }
0x4e: {  	_ =	shalt  }
0x4f: {  	_ =	shalt  }
0x50: {  	_ =	shalt  }
0x51: {  	_ =	shalt  }
0x52: {  	_ =	shalt  }
0x53: {  	_ =	shalt  }
0x54: {  	_ =	shalt  }
0x55: {  	_ =	shalt  }
0x56: {  	_ =	shalt  }
0x57: {  	_ =	shalt  }
0x58: {  	_ =	shalt  }
0x59: {  	_ =	shalt  }
0x5a: {  	_ =	shalt  }
0x5b: {  	_ =	shalt  }
0x5c: {  	_ =	shalt  }
0x5d: {  	_ =	shalt  }
0x5e: {  	_ =	shalt  }
0x5f: {  	_ =	shalt  }
0x60: {  	_ =	shalt  }
0x61: {  	_ =	shalt  }
0x62: {  	_ =	shalt  }
0x63: {  	_ =	shalt  }
0x64: {  	_ =	shalt  }
0x65: {  	_ =	shalt  }
0x66: {  	_ =	shalt  }
0x67: {  	_ =	shalt  }
0x68: {  	_ =	shalt  }
0x69: {  	_ =	shalt  }
0x6a: {  	_ =	shalt  }
0x6b: {  	_ =	shalt  }
0x6c: {  	_ =	shalt  }
0x6d: {  	_ =	shalt  }
0x6e: {  	_ =	shalt  }
0x6f: {  	_ =	shalt  }
0x70: {  	_ =	shalt  }
0x71: {  	_ =	shalt  }
0x72: {  	_ =	shalt  }
0x73: {  	_ =	shalt  }
0x74: {  	_ =	shalt  }
0x75: {  	_ =	shalt  }
0x76: {  	_ =	shalt  }
0x77: {  	_ =	shalt  }
0x78: {  	_ =	shalt  }
0x79: {  	_ =	shalt  }
0x7a: {  	_ =	shalt  }
0x7b: {  	_ =	shalt  }
0x7c: {  	_ =	shalt  }
0x7d: {  	_ =	shalt  }
0x7e: {  	_ =	shalt  }
0x7f: {  	_ =	shalt  }
0x80: {  	_ =	shalt  }
0x81: {  	_ =	shalt  }
0x82: {  	_ =	shalt  }
0x83: {  	_ =	shalt  }
0x84: {  	_ =	shalt  }
0x85: {  	_ =	shalt  }
0x86: {  	_ =	shalt  }
0x87: {  	_ =	shalt  }
.Lfunc_end0:
.L_simem_size_0:
called_computation_lowered:
.L_overlay_start_0:
0x88: {  	s2 =	sld [smem:$0x3FD9]  }
0x89: {  	s3 =	sld [smem:$0x3FFE];
	_ =	sdelay $0x1  }
0x8a: {  	s1 =	srdreg.scid  }
0x8b: {  	s0 =	sand.u32 $0x1, s1  }
0x8c: {  	s16 =	sshll.u32 s0, $0xA;
	s2 =	sadd.s32 s3, s2  }
0x8d: {  	s2 =	sadd.s32 s2, s16  }
0x8e: {  	[smem:$0x3FC4] =	sst s2  }
0x8f: {  	_ = 	snop  }
0x90: {  	(tm) =	ssettm $0x1  }
0x91: {  	s17 =	sld [smem:$0x3FFB];
	_ =	sdelay $0x3  }
0x92: {  	_ =	strace s17  }
0x93: {  	s2 =	sld [smem:$0x3FFC];
	_ =	sdelay $0x3  }
0x94: {  	_ =	strace s2  }
0x95: {  	s2 =	sld [smem:$0x3FFD];
	_ =	sdelay $0x3  }
0x96: {  	_ =	strace s2  }
0x97: {  	_ =	strace $0x8FFFFFFF  }
0x98: {  	s18 =	sld [smem:$0x3FDB];
	_ =	sdelay $0x1  }
0x99: {  	s19 =	simm.s32 $_scs_section_size  }
0x9a: {  	s4 =	simm.s32 $_size__tile_overlayer_lowered;
	s5 =	simm.s32 $_tile_overlayer_lowered  }
0x9b: {  	s22 =	simm.s32 $0x1BFF;
	s21 =	sshll.u32 s5, $0x1;
	s2 =	sadd.s32 s19, s18  }
0x9c: {  	s6 =	simm.s32 $0x0;
	s20 =	sshll.u32 s4, $0x1;
	s4 =	sadd.s32 s21, s2  }
0x9d: {  	[timem:s6], [sflag:s22] =	dma.local [hbm:s4], s20  }
0x9e: {  	_ =	swait.ge [sflag:s22], s20  }
0x9f: {  	s3 =	ssub.s32 $0x0, s20;
	[sflag:s22] =	ssyncset.done $0x0  }
0xa0: {  	[sflag:s22] =	ssyncadd.s32 s3;
	_ =	sdelay $0x1  }
0xa1: {  	s23 =	simm.s32 $0x1B8B  }
0xa2: {  	_ =	swait.ge [sflag:s23], $0x1  }
0xa3: {  	[sflag:s23] =	ssyncset.done $0x0  }
0xa4: {  	s25 =	simm.s32 $0x1B8E;
	s24 =	sld [smem:$0x3FFE];
	[sflag:s23] =	ssyncadd.s32 $0xFFFFFFFF  }
0xa5: {  	s26 =	simm.s32 $execute0_lowered;
	[smem:$0x3FD2] =	sst s25  }
0xa6: {  	s4 =	sshll.u32 s26, $0x1;
	_ =	strace $0x80000046;
	[dreg:$0x1] =	wrdreg $0xFFFFFFFF  }
0xa7: {  	s28 =	simm.s32 $_size_execute0_lowered;
	s2 =	sadd.s32 s2, s4;
	[dreg:$0x0] =	wrdreg $0x0  }
0xa8: {  	s4 =	sshll.u32 s28, $0x1;
	[dreg:$0x2] =	wrdreg s2  }
0xa9: {  	[dreg:$0x3] =	wrdreg s4  }
0xaa: {  	[dreg:$0x4] =	wrdreg $0xC0  }
0xab: {  	_ =	task [dreg:s6], $0x5FFFF  }
0xac: {  	[dreg:$0x1] =	wrdreg $0xFFFFFFFF  }
0xad: {  	[dreg:$0x0] =	wrdreg $0x60  }
0xae: {  	[dreg:$0x2] =	wrdreg s24  }
0xaf: {  	[dreg:$0x3] =	wrdreg $0x52800  }
0xb0: {  	[dreg:$0x4] =	wrdreg $0x9  }
0xb1: {  	_ =	task.clear_ibuf [dreg:s6], $0x5FFFF;
	_ =	strace $0x90000046  }
0xb2: {  	s29 =	simm.s32 $0x9;
	_ =	strace $0x80000048  }
0xb3: {  	_ =	swait.ge [sflag:s29], $0x1  }
0xb4: {  	[sflag:s29] =	ssyncadd.s32 $0xFFFFFFFF  }
0xb5: {  	_ =	strace $0x90000048  }
0xb6: {  	_ =	sfence  }
0xb7: {  	s30 =	sld [smem:$0x0];
	_ =	sdelay $0x2  }
0xb8: {  	s31 =	sshll.u32 s1, $0xD;
	s1 =	sshrl.u32 s1, $0x2  }
0xb9: {  	s3 =	sand.u32 $0x4000, s31;
	s1 =	sadd.s32 s1, s30  }
0xba: {  	s0 =	sor.u32 s3, s0;
	s1 =	sshll.u32 s1, $0x11  }
0xbb: {  	s0 =	sor.u32 s1, s0  }
0xbc: {  	s0 =	sadd.s32 $0x8F2B, s0  }
0xbd: {  	[sflag:s0] =	ssyncadd.remote.s32 $0x1  }
0xbe: {  	_ =	sfence.sel $0xFFFF  }
0xbf: {  	[dreg:$0x0] =	wrdreg $0xFFFFFFFF;
	(pc) =	sbr.abs _section_cstart, $3  }
0xc0: {  	[dreg:$0x1] =	wrdreg $0xFFFFFFFF  }
0xc1: {  	_ =	task.clear_ibuf [dreg:s6], $0x2FFFF;
	_ =	strace $0x9FFFFFFF  }
0xc2: {  	(tm) =	ssettm $0x7FFFFFFF  }
0xc3: {  	_ =	shalt  }
tec
execute0_lowered:
.L_overlay_start_1:
0x0: {  	(tag) =	ssettag $0x1  }
0x1: {  	s0 =	srdreg.scid;
	s4 =	rddreg [dreg:$0x0]  }
0x2: {  	s11 =	stileid.u32;
	s1 =	rddreg [dreg:$0x1]  }
0x3: {  	s2 =	simm.s32 $0x0;
	s3 =	sand.u32 $0x1, s0;
	s0 =	rddreg [dreg:$0x2]  }
0x4: {  	s10 =	simm.s32 $0x2800;
	s13 =	simm.s32 $0x0;
	[smem:$0x7FF] =	sst s2  }
0x5: {  	s7 =	smul.u32 $0xA00, s11;
	p0 =	sne.s32 s11, $0x0;
	s5 =	sshll.u32 s3, $0x4  }
0x6: {  	s3 =	ssub.s32 $0x2, s3;
	_ =	strace $0x80000047;
	s6 =	sor.u32 s11, s5  }
0x7: {  	s12 =	sshrl.u32 @!p0 s1, $0x3;
	s8 =	sshrl.u32 s3, $0x1;
	s6 =	smul.u32 $0x500, s6  }
0x8: {  	s9 =	sadd.s32 s5, s4;
	s31 =	sshrl.u32 s7, $0x2;
	s11 =	simm.s32 $0x80  }
0x9: {  	s8 =	ssub.s32 s3, s8;
	s3 =	sadd.s32 s31, s1;
	s6 =	sadd.s32 s6, s4  }
0xa: {  	s7 =	smax.u32 s8, $0x1;
	s8 =	simm.s32 $0x5000;
	s4 =	sadd.s32 $0xB400, s6  }
0xb: {  	v0 =	vimm.f32 $0.0e+00;
	s5 =	sadd.s32 $0x1400, s6;
	s6 =	sadd.s32 $0x15400, s9;
	s9 =	simm.s32 $0x1  }
.LBB2_1:
0xc: {  	[tilespmem:$0x5000] =	vst v0  }
0xd: {  	[tilespmem:$0x5010] =	vst v0  }
0xe: {  	[tilespmem:$0x5020] =	vst v0  }
0xf: {  	[tilespmem:$0x5030] =	vst v0  }
0x10: {  	[tilespmem:$0x5040] =	vst v0  }
0x11: {  	[tilespmem:$0x5050] =	vst v0  }
0x12: {  	[tilespmem:$0x5060] =	vst v0  }
0x13: {  	[tilespmem:$0x5070] =	vst v0  }
0x14: {  	[tilespmem:$0x5080] =	vst v0  }
0x15: {  	[tilespmem:$0x5090] =	vst v0  }
0x16: {  	[tilespmem:$0x50A0] =	vst v0  }
0x17: {  	[tilespmem:$0x50B0] =	vst v0  }
0x18: {  	[tilespmem:$0x50C0] =	vst v0  }
0x19: {  	[tilespmem:$0x50D0] =	vst v0  }
0x1a: {  	[tilespmem:$0x50E0] =	vst v0  }
0x1b: {  	[tilespmem:$0x50F0] =	vst v0  }
0x1c: {  	[tilespmem:$0x5100] =	vst v0  }
0x1d: {  	[tilespmem:$0x5110] =	vst v0  }
0x1e: {  	[tilespmem:$0x5120] =	vst v0  }
0x1f: {  	[tilespmem:$0x5130] =	vst v0  }
0x20: {  	[tilespmem:$0x5140] =	vst v0  }
0x21: {  	[tilespmem:$0x5150] =	vst v0  }
0x22: {  	[tilespmem:$0x5160] =	vst v0  }
0x23: {  	[tilespmem:$0x5170] =	vst v0  }
0x24: {  	[tilespmem:$0x5180] =	vst v0  }
0x25: {  	[tilespmem:$0x5190] =	vst v0  }
0x26: {  	[tilespmem:$0x51A0] =	vst v0  }
0x27: {  	[tilespmem:$0x51B0] =	vst v0  }
0x28: {  	[tilespmem:$0x51C0] =	vst v0  }
0x29: {  	[tilespmem:$0x51D0] =	vst v0  }
0x2a: {  	[tilespmem:$0x51E0] =	vst v0  }
0x2b: {  	[tilespmem:$0x51F0] =	vst v0  }
0x2c: {  	[tilespmem:$0x5200] =	vst v0  }
0x2d: {  	[tilespmem:$0x5210] =	vst v0  }
0x2e: {  	[tilespmem:$0x5220] =	vst v0  }
0x2f: {  	[tilespmem:$0x5230] =	vst v0  }
0x30: {  	[tilespmem:$0x5240] =	vst v0  }
0x31: {  	[tilespmem:$0x5250] =	vst v0  }
0x32: {  	[tilespmem:$0x5260] =	vst v0  }
0x33: {  	[tilespmem:$0x5270] =	vst v0  }
0x34: {  	[spmem:s3] =	stream.linear.scatter [tilespmem:s8], [sflag:$0x1], $0x280, $0x38;
	[tilespmem:$0x5500] =	vst v63  }
0x35: {  	_ =	swait.ge [sflag:s9], $0x280  }
0x36: {  	[sflag:s9] =	ssyncset.done $0x0  }
0x37: {  	[sflag:s9] =	ssyncadd.s32 $0xFFFFFD80  }
0x38: {  	[bflag:$0x0] =	sbarrier.arrive $0xFFFF  }
0x39: {  	[tilespmem:s2], [sflag:$0x1] =	stream.linear.gather [hbm4b:s4+s2], $0x2800, $0x38;
	[tilespmem:$0x5500] =	vst v63  }
0x3a: {  	_ =	swait.ge [sflag:s9], $0x2800  }
0x3b: {  	[sflag:s9] =	ssyncset.done $0x0  }
0x3c: {  	[sflag:s9] =	ssyncadd.s32 $0xFFFFD800  }
0x3d: {  	[tilespmem:s10], [sflag:$0x1] =	stream.linear.gather [hbm4b:s5+s2], $0x2800, $0x38;
	[tilespmem:$0x5500] =	vst v63  }
0x3e: {  	_ =	swait.ge [sflag:s9], $0x2800  }
0x3f: {  	[sflag:s9] =	ssyncset.done $0x0  }
0x40: {  	s14 =	simm.s32 $0x0;
	s15 =	simm.s32 $0x2800;
	[sflag:s9] =	ssyncadd.s32 $0xFFFFD800  }
0x41: {  	[spmem:s1] =	stream.indirect.scatter.add.f32 [tilespmem:s15], [sflag:$0x1], $0x1, s14, s11, $0xb8;
	[tilespmem:$0x5500] =	vst v63  }
0x42: {  	s14 =	simm.s32 $0x200;
	_ =	swait.ge [sflag:s9], $0x80  }
.LBB2_2:
0x43: {  	s15 =	sshra.s32 s14, $0x2;
	[sflag:s9] =	ssyncset.done $0x0;
	p1 =	sne.s32 s14, $0x9E00  }
.Ltmp0:
0x44: {  	s16 =	sadd.s32 $0x2800, s15;
	[sflag:s9] =	ssyncadd.s32 $0xFFFFFF80;
	(pc) =	sbr.rel @p1 .LBB2_2-.Ltmp0, $3  }
0x45: {  	[spmem:s1] =	stream.indirect.scatter.add.f32 [tilespmem:s16], [sflag:$0x1], $0x1, s15, s11, $0xb8;
	[tilespmem:$0x5500] =	vst v63  }
0x46: {  	s14 =	sadd.s32 $0x200, s14;
	_ =	sdelay $0x1  }
0x47: {  	_ =	swait.ge [sflag:s9], $0x80  }
0x48: {  	[sflag:s9] =	ssyncset.done $0x0  }
0x49: {  	s14 =	simm.s32 @!p0 $0x1;
	s15 =	simm.s32 @!p0 $0x20;
	s13 =	sadd.s32 $0x1, s13  }
0x4a: {  	s16 =	simm.s32 @!p0 $0x10;
	[sflag:s9] =	ssyncadd.s32 $0xFFFFFF80;
	p1 =	sne.s32 s13, s7  }
.Ltmp1:
0x4b: {  	s17 =	simm.s32 @!p0 $0x1C01;
	[bflag:$0x0] =	sbarrier.arrive $0xFFFF;
	(pc) =	sbr.rel @p1 .LBB2_1-.Ltmp1, $4  }
0x4c: {  	[hbm:s6@s15], [sflag:s17] =	dma.strided @!p0 [spmem:s12@s16], $0x500, s14, $0x10   }
0x4d: {  	_ =	swait.ge @!p0 [sflag:s14], $0x500  }
0x4e: {  	[sflag:s14] =	ssyncset.done @!p0 $0x0  }
0x4f: {  	[sflag:s14] =	ssyncadd.s32 @!p0 $0xFFFFFB00  }
0x50: {  	_ =	sfence.sel $0x180000  }
0x51: {  	[bflag:$0x0] =	sbarrier.arrive $0xFFFF  }
0x52: {  	_ =	strace $0x90000047  }
0x53: {  	s0 =	sadd.s32 @!p0 $0x100000, s0;
	[bflag:$0x2] =	sbarrier.arrive $0xFFFF  }
0x54: {  	[sflag:s0] =	ssyncadd.tile.s32 @!p0 $0x1;
	_ =	shalt  }
.Lfunc_end2:
_tile_overlayer_lowered:
.L_overlay_start_2:
0x55: {  	(tag) =	ssettag $0x2  }
0x56: {  	s0 =	rddreg [dreg:$0x0];
	s2 =	stileid.u32  }
0x57: {  	s1 =	rddreg [dreg:$0x1];
	p0 =	sne.s32 s2, $0x0  }
0x58: {  	s3 =	rddreg [dreg:$0x2];
	[bflag:$0x3] =	sbarrier.arrive $0xFFFF;
	s2 =	simm.s32 @!p0 $0x1C01  }
0x59: {  	[timem:s3], [sflag:s2] =	dma.local @!p0 [hbm:s0], s1  }
0x5a: {  	s0 =	simm.s32 @!p0 $0x1  }
0x5b: {  	_ =	swait.ge @!p0 [sflag:s0], s1  }
0x5c: {  	s1 =	ssub.s32 @!p0 $0x0, s1;
	[sflag:s0] =	ssyncset.done @!p0 $0x0  }
0x5d: {  	[sflag:s0] =	ssyncadd.s32 @!p0 s1  }
0x5e: {  	[bflag:$0x3] =	sbarrier.arrive $0xFFFF  }
0x5f: {  	_ =	shalt  }

// kernel: kernel.9.cloned.1.call-start
scs
__scs_entry_jumppad:
0x0: {  	(pc) =	sbr.rel $0x88, $3  }
0x1: {  	(tag) =	ssettag $0x0;
	lr =	simm.s32 $0x1  }
0x2: {  	[smem:$0x3F9D] =	sst lr;
	_ =	strace $0xD0000000  }
0x3: {  	_ = 	snop  }
0x4: {  	_ = 	snop  }
0x5: {  	_ = 	snop  }
0x6: {  	_ = 	snop  }
0x7: {  	_ = 	snop  }
__scs_overlays_trampoline_lowered:
0x8: {  	[smem:$0x3FAC] =	sst s0  }
0x9: {  	[smem:$0x3FAD] =	sst s1  }
0xa: {  	[smem:$0x3FAE] =	sst s2  }
0xb: {  	[smem:$0x3FAF] =	sst s3  }
0xc: {  	[smem:$0x3FB0] =	sst s4  }
0xd: {  	[smem:$0x3FB1] =	sst s5  }
0xe: {  	[smem:$0x3FB2] =	sst s6  }
0xf: {  	[smem:$0x3FB3] =	sst s7  }
0x10: {  	[smem:$0x3FB4] =	sst s8  }
0x11: {  	[smem:$0x3FB5] =	sst s9;
	s0 =	simm.s32 @!p0 $0x0  }
0x12: {  	s1 =	sld [smem:$0x3F9B];
	s0 =	simm.s32 @p0 $0x1  }
0x13: {  	[smem:$0x3FB6] =	sst s0;
	s0 =	simm.s32 @!p1 $0x0  }
0x14: {  	s2 =	sld [smem:$0x3F9A];
	s0 =	simm.s32 @p1 $0x1  }
0x15: {  	[smem:$0x3FB7] =	sst s0;
	s0 =	simm.s32 @!p2 $0x0  }
0x16: {  	s3 =	sld [smem:$0x3FDB];
	s0 =	simm.s32 @p2 $0x1  }
0x17: {  	s4 =	simm.s32 $0x1BF5;
	[smem:$0x3FB9] =	sst s0  }
0x18: {  	s0 =	sld [smem:$0x3F9C];
	_ =	swait.ge [sflag:s4], $0x0  }
0x19: {  	s7 =	sld [smem:$0x3F9D]  }
0x1a: {  	s8 =	sadd.s32 $0xFFFFE003, lr  }
0x1b: {  	s9 =	sadd.s32 $0xFFFFFEF7, lr;
	s5 =	simm.s32 $0xFFFFFFFF;
	p2 =	slt.u32 s8, $0xFFFFF086  }
0x1c: {  	p1 =	slt.u32 s9, $0xF7A;
	s5 =	simm.s32 @!p2 $0x0  }
0x1d: {  	s5 =	simm.s32 @p1 $0x1;
	p0 =	seq.s32 s7, s2  }
0x1e: {  	s7 =	smul.u32 @!p0 $0xF7A, s2;
	p2 =	seq.s32 @!p0 s5, $0x0  }
0x1f: {  	s9 =	smul.u32 $0xF7A, s1;
	s8 =	simm.s32 @!p0 $0x1BF5;
	p2 =	por !p2, p0  }
0x20: {  	[sflag:s8] =	ssyncset.s32 @!p0 $0xFFFFF086;
	s6 =	sadd.s32 @!p0 s3, s7;
	s7 =	simm.s32 @!p0 $0x108  }
0x21: {  	s3 =	sadd.s32 s3, s9;
	s6 =	sadd.s32 @!p0 $0x88, s6;
	s7 =	simm.s32 @p2 $0x1082  }
0x22: {  	[simem:s7], [sflag:s8] =	dma.local @!p0 [hbm:s6], $0xF7A  }
0x23: {  	s9 =	sor.u32 $0xD0000000, s2;
	s6 =	simm.s32 $0x108;
	_ =	swait.ge @!p0 [sflag:s8], $0x0  }
0x24: {  	s3 =	sadd.s32 $0x88, s3;
	s6 =	simm.s32 @!p1 $0x1082;
	[sflag:s4] =	ssyncset.s32 $0xFFFFF086  }
0x25: {  	[simem:s6], [sflag:s4] =	dma.local [hbm:s3], $0xF7A  }
0x26: {  	[smem:$0x3F9D] =	sst s1;
	(tag) =	ssettag s2;
	_ =	strace s9  }
0x27: {  	s1 =	sld [smem:$0x3FAD]  }
0x28: {  	s2 =	sld [smem:$0x3FAE]  }
0x29: {  	s4 =	sld [smem:$0x3FB0]  }
0x2a: {  	p0 =	seq.s32 s5, $0x0;
	s5 =	sld [smem:$0x3FB1]  }
0x2b: {  	s6 =	sld [smem:$0x3FB2]  }
0x2c: {  	s7 =	sld [smem:$0x3FB3]  }
0x2d: {  	s3 =	simm.s32 $0x108;
	s8 =	sld [smem:$0x3FB4]  }
0x2e: {  	s3 =	simm.s32 @!p0 $0x1082;
	s9 =	sld [smem:$0x3FB5]  }
0x2f: {  	lr =	sadd.s32 s0, s3;
	s0 =	sld [smem:$0x3FAC]  }
0x30: {  	s3 =	sld [smem:$0x3FAF]  }
0x31: {  	[smem:$0x3FB8] =	sst s10  }
0x32: {  	s10 =	sld [smem:$0x3FB6];
	_ =	sdelay $0x3  }
0x33: {  	p0 =	seq.s32 s10, $0x1;
	s10 =	sld [smem:$0x3FB8];
	_ =	sdelay $0x3  }
0x34: {  	[smem:$0x3FB8] =	sst s10  }
0x35: {  	s10 =	sld [smem:$0x3FB7];
	_ =	sdelay $0x3  }
0x36: {  	p1 =	seq.s32 s10, $0x1;
	s10 =	sld [smem:$0x3FB8];
	_ =	sdelay $0x3  }
0x37: {  	[smem:$0x3FB8] =	sst s10  }
0x38: {  	s10 =	sld [smem:$0x3FB9]  }
0x39: {  	_ = 	snop;
	(pc) =	sbr.ind lr, $3  }
0x3a: {  	_ = 	snop  }
0x3b: {  	_ = 	snop  }
0x3c: {  	p2 =	seq.s32 s10, $0x1;
	s10 =	sld [smem:$0x3FB8]  }
0x3d: {  	_ =	shalt  }
0x3e: {  	_ =	shalt  }
0x3f: {  	_ =	shalt  }
0x40: {  	_ =	shalt  }
0x41: {  	_ =	shalt  }
0x42: {  	_ =	shalt  }
0x43: {  	_ =	shalt  }
0x44: {  	_ =	shalt  }
0x45: {  	_ =	shalt  }
0x46: {  	_ =	shalt  }
0x47: {  	_ =	shalt  }
0x48: {  	_ =	shalt  }
0x49: {  	_ =	shalt  }
0x4a: {  	_ =	shalt  }
0x4b: {  	_ =	shalt  }
0x4c: {  	_ =	shalt  }
0x4d: {  	_ =	shalt  }
0x4e: {  	_ =	shalt  }
0x4f: {  	_ =	shalt  }
0x50: {  	_ =	shalt  }
0x51: {  	_ =	shalt  }
0x52: {  	_ =	shalt  }
0x53: {  	_ =	shalt  }
0x54: {  	_ =	shalt  }
0x55: {  	_ =	shalt  }
0x56: {  	_ =	shalt  }
0x57: {  	_ =	shalt  }
0x58: {  	_ =	shalt  }
0x59: {  	_ =	shalt  }
0x5a: {  	_ =	shalt  }
0x5b: {  	_ =	shalt  }
0x5c: {  	_ =	shalt  }
0x5d: {  	_ =	shalt  }
0x5e: {  	_ =	shalt  }
0x5f: {  	_ =	shalt  }
0x60: {  	_ =	shalt  }
0x61: {  	_ =	shalt  }
0x62: {  	_ =	shalt  }
0x63: {  	_ =	shalt  }
0x64: {  	_ =	shalt  }
0x65: {  	_ =	shalt  }
0x66: {  	_ =	shalt  }
0x67: {  	_ =	shalt  }
0x68: {  	_ =	shalt  }
0x69: {  	_ =	shalt  }
0x6a: {  	_ =	shalt  }
0x6b: {  	_ =	shalt  }
0x6c: {  	_ =	shalt  }
0x6d: {  	_ =	shalt  }
0x6e: {  	_ =	shalt  }
0x6f: {  	_ =	shalt  }
0x70: {  	_ =	shalt  }
0x71: {  	_ =	shalt  }
0x72: {  	_ =	shalt  }
0x73: {  	_ =	shalt  }
0x74: {  	_ =	shalt  }
0x75: {  	_ =	shalt  }
0x76: {  	_ =	shalt  }
0x77: {  	_ =	shalt  }
0x78: {  	_ =	shalt  }
0x79: {  	_ =	shalt  }
0x7a: {  	_ =	shalt  }
0x7b: {  	_ =	shalt  }
0x7c: {  	_ =	shalt  }
0x7d: {  	_ =	shalt  }
0x7e: {  	_ =	shalt  }
0x7f: {  	_ =	shalt  }
0x80: {  	_ =	shalt  }
0x81: {  	_ =	shalt  }
0x82: {  	_ =	shalt  }
0x83: {  	_ =	shalt  }
0x84: {  	_ =	shalt  }
0x85: {  	_ =	shalt  }
0x86: {  	_ =	shalt  }
0x87: {  	_ =	shalt  }
.Lfunc_end0:
.L_simem_size_0:
called_computation.1_lowered:
.L_overlay_start_0:
0x88: {  	s2 =	sld [smem:$0x3FD9]  }
0x89: {  	s3 =	sld [smem:$0x3FFE];
	_ =	sdelay $0x1  }
0x8a: {  	s1 =	srdreg.scid  }
0x8b: {  	s0 =	sand.u32 $0x1, s1  }
0x8c: {  	s17 =	sshll.u32 s0, $0xA;
	s2 =	sadd.s32 s3, s2  }
0x8d: {  	s2 =	sadd.s32 s2, s17  }
0x8e: {  	[smem:$0x3FC4] =	sst s2  }
0x8f: {  	_ = 	snop  }
0x90: {  	s2 =	sld [smem:$0x3FD0];
	(tm) =	ssettm $0x1  }
0x91: {  	s18 =	sld [smem:$0x3FFB];
	_ =	sdelay $0x3  }
0x92: {  	_ =	strace s18  }
0x93: {  	s3 =	sld [smem:$0x3FFC];
	_ =	sdelay $0x3  }
0x94: {  	_ =	strace s3  }
0x95: {  	s3 =	sld [smem:$0x3FFD];
	_ =	sdelay $0x3  }
0x96: {  	_ =	strace s3  }
0x97: {  	_ =	strace $0x8FFFFFFF  }
0x98: {  	s19 =	sld [smem:$0x3FDB];
	_ =	sdelay $0x1  }
0x99: {  	s4 =	simm.s32 $_scs_section_size  }
0x9a: {  	s5 =	simm.s32 $_size__tile_overlayer_lowered;
	s6 =	simm.s32 $_tile_overlayer_lowered  }
0x9b: {  	s22 =	simm.s32 $0x1BFF;
	s21 =	sshll.u32 s6, $0x1;
	s3 =	sadd.s32 s4, s19  }
0x9c: {  	s7 =	simm.s32 $0x0;
	s20 =	sshll.u32 s5, $0x1;
	s5 =	sadd.s32 s21, s3  }
0x9d: {  	[timem:s7], [sflag:s22] =	dma.local [hbm:s5], s20  }
0x9e: {  	_ =	swait.ge [sflag:s22], s20  }
0x9f: {  	s4 =	ssub.s32 $0x0, s20;
	[sflag:s22] =	ssyncset.done $0x0  }
0xa0: {  	[sflag:s22] =	ssyncadd.s32 s4;
	_ =	sdelay $0x1  }
0xa1: {  	s23 =	simm.s32 $0x1B8B  }
0xa2: {  	_ =	swait.ge [sflag:s23], $0x1  }
0xa3: {  	[sflag:s23] =	ssyncset.done $0x0  }
0xa4: {  	s25 =	simm.s32 $0x1B8E;
	s24 =	sld [smem:$0x3FFE];
	[sflag:s23] =	ssyncadd.s32 $0xFFFFFFFF  }
0xa5: {  	s26 =	simm.s32 $execute0_lowered;
	[smem:$0x3FD2] =	sst s25  }
0xa6: {  	s5 =	sshll.u32 s26, $0x1;
	_ =	strace $0x80000049;
	[dreg:$0x1] =	wrdreg $0xFFFFFFFF  }
0xa7: {  	s28 =	simm.s32 $_size_execute0_lowered;
	s3 =	sadd.s32 s3, s5;
	[dreg:$0x0] =	wrdreg $0x0  }
0xa8: {  	s5 =	sshll.u32 s28, $0x1;
	[dreg:$0x2] =	wrdreg s3  }
0xa9: {  	[dreg:$0x3] =	wrdreg s5  }
0xaa: {  	[dreg:$0x4] =	wrdreg $0xC0  }
0xab: {  	_ =	task [dreg:s7], $0x5FFFF  }
0xac: {  	[dreg:$0x1] =	wrdreg $0xFFFFFFFF  }
0xad: {  	[dreg:$0x0] =	wrdreg $0x60  }
0xae: {  	[dreg:$0x2] =	wrdreg s24  }
0xaf: {  	[dreg:$0x3] =	wrdreg s2  }
0xb0: {  	[dreg:$0x4] =	wrdreg $0x84000  }
0xb1: {  	[dreg:$0x5] =	wrdreg $0x9  }
0xb2: {  	_ =	task.clear_ibuf [dreg:s7], $0x6FFFF;
	_ =	strace $0x90000049  }
0xb3: {  	s29 =	simm.s32 $0x9;
	_ =	strace $0x8000004B  }
0xb4: {  	_ =	swait.ge [sflag:s29], $0x1  }
0xb5: {  	[sflag:s29] =	ssyncadd.s32 $0xFFFFFFFF  }
0xb6: {  	_ =	strace $0x9000004B  }
0xb7: {  	_ =	sfence  }
0xb8: {  	s30 =	sld [smem:$0x0];
	_ =	sdelay $0x2  }
0xb9: {  	s31 =	sshll.u32 s1, $0xD;
	s1 =	sshrl.u32 s1, $0x2  }
0xba: {  	s3 =	sand.u32 $0x4000, s31;
	s1 =	sadd.s32 s1, s30  }
0xbb: {  	s0 =	sor.u32 s3, s0;
	s1 =	sshll.u32 s1, $0x11  }
0xbc: {  	s0 =	sor.u32 s1, s0  }
0xbd: {  	s0 =	sadd.s32 $0x8F2B, s0  }
0xbe: {  	[sflag:s0] =	ssyncadd.remote.s32 $0x1  }
0xbf: {  	_ =	sfence.sel $0xFFFF  }
0xc0: {  	[dreg:$0x0] =	wrdreg $0xFFFFFFFF;
	(pc) =	sbr.abs _section_cstart, $3  }
0xc1: {  	[dreg:$0x1] =	wrdreg $0xFFFFFFFF  }
0xc2: {  	_ =	task.clear_ibuf [dreg:s7], $0x2FFFF;
	_ =	strace $0x9FFFFFFF  }
0xc3: {  	(tm) =	ssettm $0x7FFFFFFF  }
tec
execute0_lowered:
.L_overlay_start_1:
0x0: {  	(tag) =	ssettag $0x1  }
0x1: {  	s8 =	rddreg [dreg:$0x0]  }
0x2: {  	s2 =	rddreg [dreg:$0x1];
	s0 =	srdreg.scid  }
0x3: {  	s3 =	rddreg [dreg:$0x2];
	s1 =	stileid.u32  }
0x4: {  	s4 =	simm.s32 $0x0;
	s13 =	simm.s32 $0x1;
	s14 =	simm.s32 $0x1400  }
0x5: {  	s15 =	simm.s32 $0x2800;
	s16 =	simm.s32 $0x80;
	s17 =	simm.s32 $0x3C00  }
0x6: {  	s9 =	sand.u32 $0x1, s0;
	s0 =	rddreg [dreg:$0x3];
	s7 =	smul.u32 $0x14000, s1  }
0x7: {  	[smem:$0x7FF] =	sst s4;
	s5 =	sadd.s32 $0x15400, s8;
	s11 =	smul.u32 $0x50000, s1  }
0x8: {  	s18 =	sshll.u32 s1, $0x6;
	s6 =	smul.u32 $0x140000, s9;
	_ =	strace $0x8000004A  }
0x9: {  	s31 =	ssub.s32 $0x2, s9;
	s9 =	sshll.u32 s9, $0x4;
	s18 =	sor.u32 $0x1C01, s18  }
0xa: {  	s12 =	sshrl.u32 s31, $0x1;
	s11 =	sshrl.u32 s11, $0x2;
	s9 =	sor.u32 s1, s9  }
0xb: {  	s7 =	sadd.s32 s7, s6;
	s6 =	sadd.s32 $0xB400, s8;
	s12 =	ssub.s32 s31, s12  }
0xc: {  	s9 =	smul.u32 $0x50, s9;
	s10 =	sshrl.u32 s7, $0x3;
	s7 =	sadd.s32 $0x1400, s8  }
0xd: {  	s10 =	sadd.s32 s10, s8;
	s8 =	sadd.s32 s11, s3;
	s11 =	smax.u32 s12, $0x1  }
0xe: {  	v0 =	vimm.f32 $0.0e+00;
	s12 =	simm.s32 $0x7C00;
	s10 =	sadd.s32 $0x3D400, s10;
	s19 =	sshrl.u32 s8, $0x3  }
.LBB2_1:
0xf: {  	s20 =	simm.s32 $0x0  }
.LBB2_2:
0x10: {  	p0 =	sne.s32 s20, $0x7F0  }
.Ltmp0:
0x11: {  	_ = 	snop;
	(pc) =	sbr.rel @p0 .LBB2_2-.Ltmp0, $3  }
0x12: {  	_ =	sdelay $0x1  }
0x13: {  	s21 =	sand.u32 $0x7F0, s20  }
0x14: {  	s20 =	sadd.s32 $0x10, s20;
	[tilespmem:s21+$0x7C00] =	vst v0  }
0x15: {  	s20 =	sadd.s32 $0x0, s8  }
0x16: {  	[spmem:s20] =	stream.linear.scatter [tilespmem:s12], [sflag:$0x1], $0x800, $0x38;
	[tilespmem:$0x1C400] =	vst v63  }
0x17: {  	s20 =	simm.s32 $0x2000;
	_ =	swait.ge [sflag:s13], $0x800  }
.LBB2_4:
0x18: {  	s21 =	sshra.s32 s20, $0x2;
	[sflag:s13] =	ssyncset.done $0x0;
	p0 =	sne.s32 s20, $0x4E000  }
.Ltmp1:
0x19: {  	s21 =	sadd.s32 s21, s8;
	[sflag:s13] =	ssyncadd.s32 $0xFFFFF800;
	(pc) =	sbr.rel @p0 .LBB2_4-.Ltmp1, $3  }
0x1a: {  	[spmem:s21] =	stream.linear.scatter [tilespmem:s12], [sflag:$0x1], $0x800, $0x38;
	[tilespmem:$0x1C400] =	vst v63  }
0x1b: {  	s20 =	sadd.s32 $0x2000, s20;
	_ =	sdelay $0x1  }
0x1c: {  	_ =	swait.ge [sflag:s13], $0x800  }
0x1d: {  	[sflag:s13] =	ssyncset.done $0x0  }
0x1e: {  	s20 =	simm.s32 $0x0;
	[sflag:s13] =	ssyncadd.s32 $0xFFFFF800  }
0x1f: {  	p1 =	por $0x1, $0x1;
	s21 =	simm.s32 $0x0;
	[bflag:$0x0] =	sbarrier.arrive $0xFFFF  }
.LBB2_6:
0x20: {  	s21 =	sadd.s32 s9, s21  }
0x21: {  	s21 =	sshll.u32 s21, $0x4  }
0x22: {  	s22 =	sadd.s32 s2, s21  }
0x23: {  	[tilespmem:s20], [sflag:$0x1] =	stream.linear.gather [hbm4b:s22+s20], $0x1400, $0x38;
	[tilespmem:$0x1C400] =	vst v63  }
0x24: {  	_ =	swait.ge [sflag:s13], $0x1400  }
0x25: {  	[sflag:s13] =	ssyncset.done $0x0  }
0x26: {  	s31 =	sadd.s32 s6, s21;
	[sflag:s13] =	ssyncadd.s32 $0xFFFFEC00  }
0x27: {  	[tilespmem:s14], [sflag:$0x1] =	stream.linear.gather [hbm4b:s31+s20], $0x1400, $0x38;
	[tilespmem:$0x1C400] =	vst v63  }
0x28: {  	_ =	swait.ge [sflag:s13], $0x1400  }
0x29: {  	[sflag:s13] =	ssyncset.done $0x0  }
0x2a: {  	s21 =	sadd.s32 s7, s21;
	[sflag:s13] =	ssyncadd.s32 $0xFFFFEC00  }
0x2b: {  	[tilespmem:s15], [sflag:$0x1] =	stream.linear.gather [hbm4b:s21+s20], $0x1400, $0x38;
	[tilespmem:$0x1C400] =	vst v63  }
0x2c: {  	_ =	swait.ge [sflag:s13], $0x1400  }
0x2d: {  	[sflag:s13] =	ssyncset.done $0x0  }
0x2e: {  	p0 =	por p1, p1;
	s21 =	simm.s32 $0x0;
	[sflag:s13] =	ssyncadd.s32 $0xFFFFEC00  }
.LBB2_7:
0x2f: {  	s22 =	sshll.u32 s21, $0x7  }
0x30: {  	s23 =	sadd.s32 $0x2800, s22  }
0x31: {  	v1 =	vmov s23  }
0x32: {  	[tilespmem:s17], [sflag:$0x1] =	stream.indirect.gather [hbm4b:s5+s16], $0x80, s22, s16, $0xb8;
	[tilespmem:$0x1C400] =	vst v63  }
0x33: {  	_ =	swait.ge [sflag:s13], $0x4000  }
0x34: {  	s31 =	simm.s32 $0x0;
	[sflag:s13] =	ssyncset.done $0x0  }
0x35: {  	s24 =	simm.s32 $0x0;
	s23 =	sand.u32 $0x3FFFFFF0, s31;
	[sflag:s13] =	ssyncadd.s32 $0xFFFFC000  }
0x36: {  	v2 =	vld.idx.msk [tilespmem:v1+s23+$0x0 ss:$0x1], $0xffff;
	s23 =	sand.u32 $0x3FFFF800, s24  }
0x37: {  	v8 =	vld [tilespmem:s23+$0x3CC0]  }
0x38: {  	v4 =	vld [tilespmem:s23+$0x3C20]  }
0x39: {  	v5 =	vld [tilespmem:s23+$0x3C30]  }
0x3a: {  	v11 =	vld [tilespmem:s23+$0x3C60]  }
0x3b: {  	v12 =	vld [tilespmem:s23+$0x3C70];
	v3 =	vbroadcast v2, $0x0  }
0x3c: {  	v13 =	vld [tilespmem:s23+$0x3C80]  }
0x3d: {  	v14 =	vld [tilespmem:s23+$0x3C90];
	v4 =	vmul.f32 v4, v3  }
0x3e: {  	v15 =	vld [tilespmem:s23+$0x3CA0];
	v5 =	vmul.f32 v5, v3  }
0x3f: {  	v10 =	vld [tilespmem:s23+$0x3CB0];
	v21 =	vbroadcast v2, $0x1;
	v20 =	vmul.f32 v11, v3;
	[tilespmem:s23+$0x3C20] =	vst v4  }
0x40: {  	v9 =	vld [tilespmem:s23+$0x3CD0];
	v12 =	vmul.f32 v12, v3;
	[tilespmem:s23+$0x3C30] =	vst v5  }
0x41: {  	v7 =	vld [tilespmem:s23+$0x4170];
	v13 =	vmul.f32 v13, v21;
	[tilespmem:s23+$0x3C60] =	vst v20  }
0x42: {  	v23 =	vld [tilespmem:s23+$0x3CF0];
	v14 =	vmul.f32 v14, v21;
	[tilespmem:s23+$0x3C70] =	vst v12  }
0x43: {  	v24 =	vld [tilespmem:s23+$0x3D00];
	v15 =	vmul.f32 v15, v21;
	[tilespmem:s23+$0x3C80] =	vst v13  }
0x44: {  	v25 =	vld [tilespmem:s23+$0x3D10];
	v10 =	vmul.f32 v10, v21;
	[tilespmem:s23+$0x3C90] =	vst v14  }
0x45: {  	v22 =	vld [tilespmem:s23+$0x3CE0];
	v8 =	vmul.f32 v8, v21;
	[tilespmem:s23+$0x3CA0] =	vst v15  }
0x46: {  	v26 =	vld [tilespmem:s23+$0x3D20];
	v16 =	vbroadcast v2, $0x2;
	v9 =	vmul.f32 v9, v21;
	[tilespmem:s23+$0x3CB0] =	vst v10  }
0x47: {  	v27 =	vld [tilespmem:s23+$0x3D30];
	v11 =	vmul.f32 v23, v21;
	[tilespmem:s23+$0x3CC0] =	vst v8  }
0x48: {  	v28 =	vld [tilespmem:s23+$0x3D40];
	v6 =	vbroadcast v2, $0xA;
	v30 =	vmul.f32 v24, v16;
	[tilespmem:s23+$0x3CD0] =	vst v9  }
0x49: {  	v29 =	vld [tilespmem:s23+$0x3D50];
	v32 =	vmul.f32 v25, v16;
	[tilespmem:s23+$0x3CF0] =	vst v11  }
0x4a: {  	v31 =	vld [tilespmem:s23+$0x3D60];
	v4 =	vmul.f32 v7, v6;
	[tilespmem:s23+$0x3D00] =	vst v30  }
0x4b: {  	v33 =	vld [tilespmem:s23+$0x3D70];
	v12 =	vmul.f32 v22, v21;
	[tilespmem:s23+$0x3D10] =	vst v32  }
0x4c: {  	v34 =	vld [tilespmem:s23+$0x3D80];
	v10 =	vmul.f32 v26, v16;
	[tilespmem:s23+$0x4170] =	vst v4  }
0x4d: {  	v35 =	vld [tilespmem:s23+$0x3D90];
	v8 =	vmul.f32 v27, v16;
	[tilespmem:s23+$0x3CE0] =	vst v12  }
0x4e: {  	v36 =	vld [tilespmem:s23+$0x3DA0];
	v9 =	vmul.f32 v28, v16;
	[tilespmem:s23+$0x3D20] =	vst v10  }
0x4f: {  	v37 =	vld [tilespmem:s23+$0x3DB0];
	v39 =	vbroadcast v2, $0x3;
	v11 =	vmul.f32 v31, v16;
	[tilespmem:s23+$0x3D30] =	vst v8  }
0x50: {  	v38 =	vld [tilespmem:s23+$0x3DC0];
	v13 =	vmul.f32 v33, v16;
	[tilespmem:s23+$0x3D40] =	vst v9  }
0x51: {  	v40 =	vld [tilespmem:s23+$0x3DD0];
	v14 =	vmul.f32 v34, v39;
	[tilespmem:s23+$0x3D60] =	vst v11  }
0x52: {  	v41 =	vld [tilespmem:s23+$0x3DE0];
	v12 =	vmul.f32 v29, v16;
	[tilespmem:s23+$0x3D70] =	vst v13  }
0x53: {  	v42 =	vld [tilespmem:s23+$0x3DF0];
	v10 =	vmul.f32 v35, v39;
	[tilespmem:s23+$0x3D80] =	vst v14  }
0x54: {  	v43 =	vld [tilespmem:s23+$0x3E00];
	v8 =	vmul.f32 v36, v39;
	[tilespmem:s23+$0x3D50] =	vst v12  }
0x55: {  	v44 =	vld [tilespmem:s23+$0x3E10];
	v9 =	vmul.f32 v37, v39;
	[tilespmem:s23+$0x3D90] =	vst v10  }
0x56: {  	v45 =	vld [tilespmem:s23+$0x3E20];
	v11 =	vmul.f32 v40, v39;
	[tilespmem:s23+$0x3DA0] =	vst v8  }
0x57: {  	v46 =	vld [tilespmem:s23+$0x3E30];
	v13 =	vmul.f32 v41, v39;
	[tilespmem:s23+$0x3DB0] =	vst v9  }
0x58: {  	v47 =	vld [tilespmem:s23+$0x3E40];
	v48 =	vbroadcast v2, $0x4;
	v14 =	vmul.f32 v42, v39;
	[tilespmem:s23+$0x3DD0] =	vst v11  }
0x59: {  	v49 =	vld [tilespmem:s23+$0x3E50];
	v12 =	vmul.f32 v38, v39;
	[tilespmem:s23+$0x3DE0] =	vst v13  }
0x5a: {  	v50 =	vld [tilespmem:s23+$0x3E60];
	v10 =	vmul.f32 v43, v48;
	[tilespmem:s23+$0x3DF0] =	vst v14  }
0x5b: {  	v51 =	vld [tilespmem:s23+$0x3E70];
	v8 =	vmul.f32 v44, v48;
	[tilespmem:s23+$0x3DC0] =	vst v12  }
0x5c: {  	v52 =	vld [tilespmem:s23+$0x3E80];
	v9 =	vmul.f32 v45, v48;
	[tilespmem:s23+$0x3E00] =	vst v10  }
0x5d: {  	v53 =	vld [tilespmem:s23+$0x3E90];
	v11 =	vmul.f32 v47, v48;
	[tilespmem:s23+$0x3E10] =	vst v8  }
0x5e: {  	v54 =	vld [tilespmem:s23+$0x3EA0];
	v13 =	vmul.f32 v49, v48;
	[tilespmem:s23+$0x3E20] =	vst v9  }
0x5f: {  	v55 =	vld [tilespmem:s23+$0x3EB0];
	v14 =	vmul.f32 v50, v48;
	[tilespmem:s23+$0x3E40] =	vst v11  }
0x60: {  	v56 =	vld [tilespmem:s23+$0x3EC0];
	v57 =	vbroadcast v2, $0x5;
	v12 =	vmul.f32 v46, v48;
	[tilespmem:s23+$0x3E50] =	vst v13  }
0x61: {  	v58 =	vld [tilespmem:s23+$0x3ED0];
	v10 =	vmul.f32 v51, v48;
	[tilespmem:s23+$0x3E60] =	vst v14  }
0x62: {  	v59 =	vld [tilespmem:s23+$0x3EE0];
	v8 =	vmul.f32 v52, v57;
	[tilespmem:s23+$0x3E30] =	vst v12  }
0x63: {  	v60 =	vld [tilespmem:s23+$0x3EF0];
	v9 =	vmul.f32 v53, v57;
	[tilespmem:s23+$0x3E70] =	vst v10  }
0x64: {  	v61 =	vld [tilespmem:s23+$0x3F00];
	v11 =	vmul.f32 v55, v57;
	[tilespmem:s23+$0x3E80] =	vst v8  }
0x65: {  	v62 =	vld [tilespmem:s23+$0x3F10];
	v13 =	vmul.f32 v56, v57;
	[tilespmem:s23+$0x3E90] =	vst v9  }
0x66: {  	v63 =	vld [tilespmem:s23+$0x3F20];
	v14 =	vmul.f32 v58, v57;
	[tilespmem:s23+$0x3EB0] =	vst v11  }
0x67: {  	v20 =	vld [tilespmem:s23+$0x3F30];
	v12 =	vmul.f32 v54, v57;
	[tilespmem:s23+$0x3EC0] =	vst v13  }
0x68: {  	v21 =	vld [tilespmem:s23+$0x3F40];
	v22 =	vbroadcast v2, $0x6;
	v10 =	vmul.f32 v59, v57;
	[tilespmem:s23+$0x3ED0] =	vst v14  }
0x69: {  	v23 =	vld [tilespmem:s23+$0x3F50];
	v8 =	vmul.f32 v60, v57;
	[tilespmem:s23+$0x3EA0] =	vst v12  }
0x6a: {  	v24 =	vld [tilespmem:s23+$0x3F60];
	v9 =	vmul.f32 v61, v22;
	[tilespmem:s23+$0x3EE0] =	vst v10  }
0x6b: {  	v25 =	vld [tilespmem:s23+$0x3F70];
	v11 =	vmul.f32 v63, v22;
	[tilespmem:s23+$0x3EF0] =	vst v8  }
0x6c: {  	v5 =	vld [tilespmem:s23+$0x4180];
	v13 =	vmul.f32 v20, v22;
	[tilespmem:s23+$0x3F00] =	vst v9  }
0x6d: {  	v27 =	vld [tilespmem:s23+$0x3F90];
	v14 =	vmul.f32 v21, v22;
	[tilespmem:s23+$0x3F20] =	vst v11  }
0x6e: {  	v28 =	vld [tilespmem:s23+$0x3FA0];
	v12 =	vmul.f32 v62, v22;
	[tilespmem:s23+$0x3F30] =	vst v13  }
0x6f: {  	v29 =	vld [tilespmem:s23+$0x3FB0];
	v10 =	vmul.f32 v23, v22;
	[tilespmem:s23+$0x3F40] =	vst v14  }
0x70: {  	v31 =	vbroadcast v2, $0x7;
	v53 =	vld [tilespmem:s23+$0x4100];
	v8 =	vmul.f32 v24, v22;
	[tilespmem:s23+$0x3F10] =	vst v12  }
0x71: {  	v58 =	vld [tilespmem:s23+$0x4150];
	v9 =	vmul.f32 v25, v22;
	[tilespmem:s23+$0x3F50] =	vst v10  }
0x72: {  	v26 =	vld [tilespmem:s23+$0x3F80];
	v11 =	vmul.f32 v27, v31;
	[tilespmem:s23+$0x3F60] =	vst v8  }
0x73: {  	v30 =	vld [tilespmem:s23+$0x3FC0];
	v13 =	vmul.f32 v28, v31;
	[tilespmem:s23+$0x3F70] =	vst v9  }
0x74: {  	v32 =	vld [tilespmem:s23+$0x3FD0];
	v14 =	vmul.f32 v29, v31;
	[tilespmem:s23+$0x3F90] =	vst v11  }
0x75: {  	v33 =	vld [tilespmem:s23+$0x3FE0];
	v59 =	vmul.f32 v53, v6;
	[tilespmem:s23+$0x3FA0] =	vst v13  }
0x76: {  	v35 =	vld [tilespmem:s23+$0x4000];
	v21 =	vmul.f32 v58, v6;
	[tilespmem:s23+$0x3FB0] =	vst v14  }
0x77: {  	v36 =	vld [tilespmem:s23+$0x4010];
	v12 =	vmul.f32 v26, v31;
	[tilespmem:s23+$0x4100] =	vst v59  }
0x78: {  	v37 =	vld [tilespmem:s23+$0x4020];
	v10 =	vmul.f32 v30, v31;
	[tilespmem:s23+$0x4150] =	vst v21  }
0x79: {  	v7 =	vld [tilespmem:s23+$0x4190];
	v40 =	vbroadcast v2, $0x8;
	v8 =	vmul.f32 v32, v31;
	[tilespmem:s23+$0x3F80] =	vst v12  }
0x7a: {  	v34 =	vld [tilespmem:s23+$0x3FF0];
	v9 =	vmul.f32 v33, v31;
	[tilespmem:s23+$0x3FC0] =	vst v10  }
0x7b: {  	v57 =	vld [tilespmem:s23+$0x4140];
	v11 =	vmul.f32 v35, v40;
	[tilespmem:s23+$0x3FD0] =	vst v8  }
0x7c: {  	v61 =	vld [tilespmem:s23+$0x3C00];
	v24 =	vbroadcast v2, $0xB;
	v13 =	vmul.f32 v36, v40;
	[tilespmem:s23+$0x3FE0] =	vst v9  }
0x7d: {  	v4 =	vld [tilespmem:s23+$0x43D0];
	v14 =	vmul.f32 v37, v40;
	[tilespmem:s23+$0x4000] =	vst v11  }
0x7e: {  	v38 =	vld [tilespmem:s23+$0x4030];
	v5 =	vmul.f32 v5, v24;
	[tilespmem:s23+$0x4010] =	vst v13  }
0x7f: {  	v39 =	vld [tilespmem:s23+$0x4040];
	v7 =	vmul.f32 v7, v24;
	[tilespmem:s23+$0x4020] =	vst v14  }
0x80: {  	v41 =	vld [tilespmem:s23+$0x4050];
	v19 =	vmul.f32 v57, v6;
	[tilespmem:s23+$0x4180] =	vst v5  }
0x81: {  	v43 =	vld [tilespmem:s23+$0x4070];
	v25 =	vmul.f32 v3, v61;
	[tilespmem:s23+$0x4190] =	vst v7  }
0x82: {  	v44 =	vld [tilespmem:s23+$0x4080];
	v12 =	vmul.f32 v34, v31;
	[tilespmem:s23+$0x4140] =	vst v19  }
0x83: {  	v45 =	vld [tilespmem:s23+$0x4090];
	v10 =	vmul.f32 v38, v40;
	[tilespmem:s23+$0x3C00] =	vst v25  }
0x84: {  	v27 =	vld [tilespmem:s23+$0x41D0];
	v8 =	vmul.f32 v39, v40;
	[tilespmem:s23+$0x3FF0] =	vst v12  }
0x85: {  	v49 =	vbroadcast v2, $0x9;
	v29 =	vld [tilespmem:s23+$0x41F0];
	v9 =	vmul.f32 v41, v40;
	[tilespmem:s23+$0x4030] =	vst v10  }
0x86: {  	v42 =	vld [tilespmem:s23+$0x4060];
	v11 =	vmul.f32 v43, v40;
	[tilespmem:s23+$0x4040] =	vst v8  }
0x87: {  	v46 =	vld [tilespmem:s23+$0x40A0];
	v13 =	vmul.f32 v44, v49;
	[tilespmem:s23+$0x4050] =	vst v9  }
0x88: {  	v47 =	vld [tilespmem:s23+$0x40B0];
	v14 =	vmul.f32 v45, v49;
	[tilespmem:s23+$0x4070] =	vst v11  }
0x89: {  	v48 =	vld [tilespmem:s23+$0x40C0];
	v32 =	vmul.f32 v27, v24;
	[tilespmem:s23+$0x4080] =	vst v13  }
0x8a: {  	v51 =	vld [tilespmem:s23+$0x40E0];
	v7 =	vmul.f32 v29, v24;
	[tilespmem:s23+$0x4090] =	vst v14  }
0x8b: {  	v52 =	vld [tilespmem:s23+$0x40F0];
	v12 =	vmul.f32 v42, v40;
	[tilespmem:s23+$0x41D0] =	vst v32  }
0x8c: {  	v10 =	vmul.f32 v46, v49;
	[tilespmem:s23+$0x41F0] =	vst v7  }
0x8d: {  	v28 =	vld [tilespmem:s23+$0x41E0];
	v8 =	vmul.f32 v47, v49;
	[tilespmem:s23+$0x4060] =	vst v12  }
0x8e: {  	v30 =	vld [tilespmem:s23+$0x4200];
	v9 =	vmul.f32 v48, v49;
	[tilespmem:s23+$0x40A0] =	vst v10  }
0x8f: {  	v50 =	vld [tilespmem:s23+$0x40D0];
	v5 =	vbroadcast v2, $0xF;
	v11 =	vmul.f32 v51, v49;
	[tilespmem:s23+$0x40B0] =	vst v8  }
0x90: {  	v54 =	vld [tilespmem:s23+$0x4110];
	v13 =	vmul.f32 v52, v49;
	[tilespmem:s23+$0x40C0] =	vst v9  }
0x91: {  	v55 =	vld [tilespmem:s23+$0x4120];
	v35 =	vbroadcast v2, $0xC;
	v4 =	vmul.f32 v4, v5;
	[tilespmem:s23+$0x40E0] =	vst v11  }
0x92: {  	v56 =	vld [tilespmem:s23+$0x4130];
	v40 =	vmul.f32 v28, v24;
	[tilespmem:s23+$0x40F0] =	vst v13  }
0x93: {  	v60 =	vld [tilespmem:s23+$0x4160];
	v16 =	vmul.f32 v30, v35;
	[tilespmem:s23+$0x43D0] =	vst v4  }
0x94: {  	v62 =	vld [tilespmem:s23+$0x3C10];
	v12 =	vmul.f32 v50, v49;
	[tilespmem:s23+$0x41E0] =	vst v40  }
0x95: {  	v63 =	vld [tilespmem:s23+$0x3C40];
	v10 =	vmul.f32 v54, v6;
	[tilespmem:s23+$0x4200] =	vst v16  }
0x96: {  	v20 =	vld [tilespmem:s23+$0x3C50];
	v8 =	vmul.f32 v55, v6;
	[tilespmem:s23+$0x40D0] =	vst v12  }
0x97: {  	v33 =	vld [tilespmem:s23+$0x4230];
	v9 =	vmul.f32 v56, v6;
	[tilespmem:s23+$0x4110] =	vst v10  }
0x98: {  	v61 =	vld [tilespmem:s23+$0x43F0];
	v6 =	vmul.f32 v60, v6;
	[tilespmem:s23+$0x4120] =	vst v8  }
0x99: {  	v38 =	vld [tilespmem:s23+$0x4270];
	v13 =	vmul.f32 v62, v3;
	[tilespmem:s23+$0x4130] =	vst v9  }
0x9a: {  	v22 =	vld [tilespmem:s23+$0x41A0];
	v4 =	vmul.f32 v63, v3;
	[tilespmem:s23+$0x4160] =	vst v6  }
0x9b: {  	v23 =	vld [tilespmem:s23+$0x41B0];
	v3 =	vmul.f32 v20, v3;
	[tilespmem:s23+$0x3C10] =	vst v13  }
0x9c: {  	v26 =	vld [tilespmem:s23+$0x41C0];
	v62 =	vmul.f32 v33, v35;
	[tilespmem:s23+$0x3C40] =	vst v4  }
0x9d: {  	v31 =	vld [tilespmem:s23+$0x4210];
	v63 =	vmul.f32 v61, v5;
	[tilespmem:s23+$0x3C50] =	vst v3  }
0x9e: {  	v34 =	vld [tilespmem:s23+$0x4240];
	v16 =	vmul.f32 v38, v35;
	[tilespmem:s23+$0x4230] =	vst v62  }
0x9f: {  	v41 =	vld [tilespmem:s23+$0x42A0];
	v8 =	vmul.f32 v22, v24;
	[tilespmem:s23+$0x43F0] =	vst v63  }
0xa0: {  	v46 =	vld [tilespmem:s23+$0x42E0];
	v9 =	vmul.f32 v23, v24;
	[tilespmem:s23+$0x4270] =	vst v16  }
0xa1: {  	v6 =	vmul.f32 v26, v24;
	v3 =	vld [tilespmem:s23+$0x4290];
	[tilespmem:s23+$0x41A0] =	vst v8  }
0xa2: {  	v36 =	vld [tilespmem:s23+$0x4250];
	v44 =	vbroadcast v2, $0xD;
	v10 =	vmul.f32 v31, v35;
	[tilespmem:s23+$0x41B0] =	vst v9  }
0xa3: {  	v37 =	vld [tilespmem:s23+$0x4260];
	v13 =	vmul.f32 v34, v35;
	[tilespmem:s23+$0x41C0] =	vst v6  }
0xa4: {  	v39 =	vld [tilespmem:s23+$0x4280];
	v12 =	vmul.f32 v41, v44;
	[tilespmem:s23+$0x4210] =	vst v10  }
0xa5: {  	v42 =	vld [tilespmem:s23+$0x42B0];
	v51 =	vmul.f32 v46, v44;
	[tilespmem:s23+$0x4240] =	vst v13  }
0xa6: {  	v48 =	vld [tilespmem:s23+$0x4310];
	[tilespmem:s23+$0x42A0] =	vst v12;
	v3 =	vmul.f32 v3, v44  }
0xa7: {  	v49 =	vld [tilespmem:s23+$0x4320];
	v9 =	vmul.f32 v36, v35;
	[tilespmem:s23+$0x42E0] =	vst v51  }
0xa8: {  	v6 =	vmul.f32 v37, v35;
	[tilespmem:s23+$0x4290] =	vst v3;
	v3 =	vld [tilespmem:s23+$0x4300]  }
0xa9: {  	v2 =	vbroadcast v2, $0xE;
	v50 =	vld [tilespmem:s23+$0x4330];
	v10 =	vmul.f32 v39, v44;
	[tilespmem:s23+$0x4250] =	vst v9  }
0xaa: {  	v45 =	vld [tilespmem:s23+$0x42D0];
	v13 =	vmul.f32 v42, v44;
	[tilespmem:s23+$0x4260] =	vst v6  }
0xab: {  	v47 =	vld [tilespmem:s23+$0x42F0];
	v12 =	vmul.f32 v48, v2;
	[tilespmem:s23+$0x4280] =	vst v10  }
0xac: {  	v43 =	vld [tilespmem:s23+$0x42C0];
	v11 =	vmul.f32 v49, v2;
	[tilespmem:s23+$0x42B0] =	vst v13  }
0xad: {  	v55 =	vld [tilespmem:s23+$0x4380];
	[tilespmem:s23+$0x4310] =	vst v12;
	v3 =	vmul.f32 v3, v2  }
0xae: {  	v57 =	vld [tilespmem:s23+$0x43A0];
	v7 =	vmul.f32 v50, v2;
	[tilespmem:s23+$0x4320] =	vst v11  }
0xaf: {  	v6 =	vmul.f32 v45, v44;
	[tilespmem:s23+$0x4300] =	vst v3;
	v3 =	vld [tilespmem:s23+$0x4370]  }
0xb0: {  	v52 =	vld [tilespmem:s23+$0x4340];
	v10 =	vmul.f32 v47, v44;
	[tilespmem:s23+$0x4330] =	vst v7  }
0xb1: {  	v56 =	vld [tilespmem:s23+$0x4390];
	v9 =	vmul.f32 v43, v44;
	[tilespmem:s23+$0x42D0] =	vst v6  }
0xb2: {  	v54 =	vld [tilespmem:s23+$0x4360];
	v12 =	vmul.f32 v55, v5;
	[tilespmem:s23+$0x42F0] =	vst v10  }
0xb3: {  	v58 =	vld [tilespmem:s23+$0x43B0];
	v7 =	vmul.f32 v57, v5;
	[tilespmem:s23+$0x42C0] =	vst v9  }
0xb4: {  	v53 =	vld [tilespmem:s23+$0x4350];
	[tilespmem:s23+$0x4380] =	vst v12;
	v3 =	vmul.f32 v3, v2  }
0xb5: {  	v59 =	vld [tilespmem:s23+$0x43C0];
	v6 =	vmul.f32 v52, v2;
	[tilespmem:s23+$0x43A0] =	vst v7  }
0xb6: {  	v60 =	vld [tilespmem:s23+$0x43E0];
	[tilespmem:s23+$0x4370] =	vst v3;
	v3 =	vmul.f32 v56, v5  }
0xb7: {  	v10 =	vmul.f32 v54, v2;
	[tilespmem:s23+$0x4340] =	vst v6  }
0xb8: {  	v4 =	vld [tilespmem:s23+$0x4220];
	[tilespmem:s23+$0x4390] =	vst v3;
	v3 =	vmul.f32 v58, v5  }
0xb9: {  	[tilespmem:s23+$0x4360] =	vst v10;
	v2 =	vmul.f32 v53, v2  }
0xba: {  	[tilespmem:s23+$0x43B0] =	vst v3;
	v3 =	vmul.f32 v59, v5  }
0xbb: {  	[tilespmem:s23+$0x4350] =	vst v2;
	v5 =	vmul.f32 v60, v5  }
0xbc: {  	[tilespmem:s23+$0x43C0] =	vst v3  }
0xbd: {  	s24 =	simm.s32 $0x1;
	v3 =	vmul.f32 v4, v35;
	[tilespmem:s23+$0x43E0] =	vst v5  }
.LBB2_8:
0xbe: {  	s25 =	sshll.u32 s24, $0x4  }
0xbf: {  	p1 =	sne.s32 s24, $0x7;
	[tilespmem:s23+$0x4220] =	vst v3;
	s23 =	smov.u32 s24;
	s24 =	sadd.s32 $0x1, s24  }
0xc0: {  	s25 =	sand.u32 $0x3FFFFFF0, s25  }
0xc1: {  	v2 =	vld.idx.msk [tilespmem:v1+s25+$0x0 ss:$0x1], $0xffff  }
0xc2: {  	s23 =	sshll.u32 s23, $0xB  }
0xc3: {  	s23 =	sand.u32 $0x3FFFF800, s23  }
0xc4: {  	v9 =	vld [tilespmem:s23+$0x3CC0]  }
0xc5: {  	v10 =	vld [tilespmem:s23+$0x3CD0]  }
0xc6: {  	v11 =	vld [tilespmem:s23+$0x3CB0]  }
0xc7: {  	v3 =	vbroadcast v2, $0x0;
	v8 =	vbroadcast v2, $0x4;
	v4 =	vld [tilespmem:s23+$0x3C20]  }
0xc8: {  	v6 =	vld [tilespmem:s23+$0x3C30]  }
0xc9: {  	v7 =	vld [tilespmem:s23+$0x4170]  }
0xca: {  	v12 =	vld [tilespmem:s23+$0x3C60]  }
0xcb: {  	v13 =	vld [tilespmem:s23+$0x3C70]  }
0xcc: {  	v5 =	vbroadcast v2, $0xA;
	v4 =	vmul.f32 v4, v3;
	v14 =	vld [tilespmem:s23+$0x3C80]  }
0xcd: {  	v6 =	vmul.f32 v6, v3;
	v15 =	vld [tilespmem:s23+$0x3C90]  }
0xce: {  	[tilespmem:s23+$0x3C20] =	vst v4;
	v16 =	vld [tilespmem:s23+$0x3CA0];
	v4 =	vmul.f32 v7, v5  }
0xcf: {  	[tilespmem:s23+$0x3C30] =	vst v6;
	v7 =	vmul.f32 v12, v3;
	v12 =	vbroadcast v2, $0x1;
	v6 =	vld [tilespmem:s23+$0x4180]  }
0xd0: {  	v13 =	vmul.f32 v13, v3;
	[tilespmem:s23+$0x4170] =	vst v4;
	v4 =	vld [tilespmem:s23+$0x43D0]  }
0xd1: {  	[tilespmem:s23+$0x3C60] =	vst v7;
	v14 =	vmul.f32 v14, v12;
	v7 =	vld [tilespmem:s23+$0x4190]  }
0xd2: {  	[tilespmem:s23+$0x3C70] =	vst v13;
	v13 =	vmul.f32 v15, v12;
	v15 =	vld [tilespmem:s23+$0x3CE0]  }
0xd3: {  	[tilespmem:s23+$0x3C80] =	vst v14;
	v14 =	vmul.f32 v16, v12;
	v16 =	vld [tilespmem:s23+$0x3CF0]  }
0xd4: {  	v11 =	vmul.f32 v11, v12;
	[tilespmem:s23+$0x3C90] =	vst v13;
	v13 =	vld [tilespmem:s23+$0x3D00]  }
0xd5: {  	v9 =	vmul.f32 v9, v12;
	[tilespmem:s23+$0x3CA0] =	vst v14;
	v14 =	vld [tilespmem:s23+$0x3D10]  }
0xd6: {  	v10 =	vmul.f32 v10, v12;
	[tilespmem:s23+$0x3CB0] =	vst v11;
	v11 =	vld [tilespmem:s23+$0x3D20]  }
0xd7: {  	[tilespmem:s23+$0x3CC0] =	vst v9;
	v9 =	vmul.f32 v15, v12;
	v15 =	vbroadcast v2, $0x2;
	v17 =	vld [tilespmem:s23+$0x3D30]  }
0xd8: {  	[tilespmem:s23+$0x3CD0] =	vst v10;
	v10 =	vmul.f32 v16, v12;
	v12 =	vld [tilespmem:s23+$0x3D40]  }
0xd9: {  	[tilespmem:s23+$0x3CE0] =	vst v9;
	v9 =	vmul.f32 v13, v15;
	v13 =	vld [tilespmem:s23+$0x3D50]  }
0xda: {  	[tilespmem:s23+$0x3CF0] =	vst v10;
	v10 =	vmul.f32 v14, v15;
	v14 =	vld [tilespmem:s23+$0x3D60]  }
0xdb: {  	[tilespmem:s23+$0x3D00] =	vst v9;
	v9 =	vmul.f32 v11, v15;
	v11 =	vld [tilespmem:s23+$0x3D70]  }
0xdc: {  	[tilespmem:s23+$0x3D10] =	vst v10;
	v10 =	vmul.f32 v17, v15;
	v16 =	vld [tilespmem:s23+$0x3D80]  }
0xdd: {  	[tilespmem:s23+$0x3D20] =	vst v9;
	v9 =	vmul.f32 v12, v15;
	v12 =	vld [tilespmem:s23+$0x3D90]  }
0xde: {  	[tilespmem:s23+$0x3D30] =	vst v10;
	v10 =	vmul.f32 v13, v15;
	v13 =	vld [tilespmem:s23+$0x3DA0]  }
0xdf: {  	[tilespmem:s23+$0x3D40] =	vst v9;
	v9 =	vmul.f32 v14, v15;
	v14 =	vbroadcast v2, $0x3;
	v17 =	vld [tilespmem:s23+$0x3DB0]  }
0xe0: {  	[tilespmem:s23+$0x3D50] =	vst v10;
	v10 =	vmul.f32 v11, v15;
	v11 =	vld [tilespmem:s23+$0x3DC0]  }
0xe1: {  	[tilespmem:s23+$0x3D60] =	vst v9;
	v9 =	vmul.f32 v16, v14;
	v15 =	vld [tilespmem:s23+$0x3DD0]  }
0xe2: {  	[tilespmem:s23+$0x3D70] =	vst v10;
	v10 =	vmul.f32 v12, v14;
	v12 =	vld [tilespmem:s23+$0x3DE0]  }
0xe3: {  	[tilespmem:s23+$0x3D80] =	vst v9;
	v9 =	vmul.f32 v13, v14;
	v13 =	vld [tilespmem:s23+$0x3DF0]  }
0xe4: {  	[tilespmem:s23+$0x3D90] =	vst v10;
	v10 =	vmul.f32 v17, v14;
	v16 =	vld [tilespmem:s23+$0x3E00]  }
0xe5: {  	[tilespmem:s23+$0x3DA0] =	vst v9;
	v9 =	vmul.f32 v11, v14;
	v11 =	vld [tilespmem:s23+$0x3E10]  }
0xe6: {  	[tilespmem:s23+$0x3DB0] =	vst v10;
	v10 =	vmul.f32 v15, v14;
	v15 =	vld [tilespmem:s23+$0x3E20]  }
0xe7: {  	[tilespmem:s23+$0x3DC0] =	vst v9;
	v9 =	vmul.f32 v12, v14;
	v12 =	vld [tilespmem:s23+$0x3E30]  }
0xe8: {  	[tilespmem:s23+$0x3DD0] =	vst v10;
	v10 =	vmul.f32 v13, v14;
	v13 =	vld [tilespmem:s23+$0x3E40]  }
0xe9: {  	[tilespmem:s23+$0x3DE0] =	vst v9;
	v9 =	vmul.f32 v16, v8;
	v14 =	vld [tilespmem:s23+$0x3E50]  }
0xea: {  	[tilespmem:s23+$0x3DF0] =	vst v10;
	v10 =	vmul.f32 v11, v8;
	v11 =	vld [tilespmem:s23+$0x3E60]  }
0xeb: {  	[tilespmem:s23+$0x3E00] =	vst v9;
	v9 =	vmul.f32 v15, v8;
	v15 =	vld [tilespmem:s23+$0x3E70]  }
0xec: {  	[tilespmem:s23+$0x3E10] =	vst v10;
	v10 =	vmul.f32 v12, v8;
	v12 =	vld [tilespmem:s23+$0x3E80]  }
0xed: {  	[tilespmem:s23+$0x3E20] =	vst v9;
	v9 =	vmul.f32 v13, v8;
	v13 =	vld [tilespmem:s23+$0x3E90]  }
0xee: {  	[tilespmem:s23+$0x3E30] =	vst v10;
	v10 =	vmul.f32 v14, v8;
	v14 =	vld [tilespmem:s23+$0x3EA0]  }
0xef: {  	[tilespmem:s23+$0x3E40] =	vst v9;
	v9 =	vmul.f32 v11, v8;
	v11 =	vbroadcast v2, $0x5;
	v16 =	vld [tilespmem:s23+$0x3EB0]  }
0xf0: {  	[tilespmem:s23+$0x3E50] =	vst v10;
	v8 =	vmul.f32 v15, v8;
	v10 =	vld [tilespmem:s23+$0x3EC0]  }
0xf1: {  	[tilespmem:s23+$0x3E60] =	vst v9;
	v9 =	vmul.f32 v12, v11;
	v12 =	vld [tilespmem:s23+$0x3ED0]  }
0xf2: {  	[tilespmem:s23+$0x3E70] =	vst v8;
	v8 =	vmul.f32 v13, v11;
	v13 =	vld [tilespmem:s23+$0x3EE0]  }
0xf3: {  	[tilespmem:s23+$0x3E80] =	vst v9;
	v9 =	vmul.f32 v14, v11;
	v14 =	vld [tilespmem:s23+$0x3EF0]  }
0xf4: {  	[tilespmem:s23+$0x3E90] =	vst v8;
	v8 =	vmul.f32 v16, v11;
	v15 =	vld [tilespmem:s23+$0x3F00]  }
0xf5: {  	[tilespmem:s23+$0x3EA0] =	vst v9;
	v9 =	vmul.f32 v10, v11;
	v10 =	vld [tilespmem:s23+$0x3F10]  }
0xf6: {  	[tilespmem:s23+$0x3EB0] =	vst v8;
	v8 =	vmul.f32 v12, v11;
	v12 =	vld [tilespmem:s23+$0x3F20]  }
0xf7: {  	[tilespmem:s23+$0x3EC0] =	vst v9;
	v9 =	vmul.f32 v13, v11;
	v13 =	vbroadcast v2, $0x6;
	v16 =	vld [tilespmem:s23+$0x3F30]  }
0xf8: {  	[tilespmem:s23+$0x3ED0] =	vst v8;
	v8 =	vmul.f32 v14, v11;
	v11 =	vld [tilespmem:s23+$0x3F40]  }
0xf9: {  	[tilespmem:s23+$0x3EE0] =	vst v9;
	v9 =	vmul.f32 v15, v13;
	v14 =	vld [tilespmem:s23+$0x3F50]  }
0xfa: {  	[tilespmem:s23+$0x3EF0] =	vst v8;
	v8 =	vmul.f32 v10, v13;
	v10 =	vld [tilespmem:s23+$0x3F60]  }
0xfb: {  	[tilespmem:s23+$0x3F00] =	vst v9;
	v9 =	vmul.f32 v12, v13;
	v12 =	vld [tilespmem:s23+$0x3F70]  }
0xfc: {  	[tilespmem:s23+$0x3F10] =	vst v8;
	v8 =	vmul.f32 v16, v13;
	v15 =	vld [tilespmem:s23+$0x3F80]  }
0xfd: {  	[tilespmem:s23+$0x3F20] =	vst v9;
	v9 =	vmul.f32 v11, v13;
	v11 =	vld [tilespmem:s23+$0x3F90]  }
0xfe: {  	[tilespmem:s23+$0x3F30] =	vst v8;
	v8 =	vmul.f32 v14, v13;
	v14 =	vld [tilespmem:s23+$0x3FA0]  }
0xff: {  	[tilespmem:s23+$0x3F40] =	vst v9;
	v9 =	vmul.f32 v10, v13;
	v10 =	vbroadcast v2, $0x7;
	v16 =	vld [tilespmem:s23+$0x3FB0]  }
0x100: {  	[tilespmem:s23+$0x3F50] =	vst v8;
	v8 =	vmul.f32 v12, v13;
	v12 =	vld [tilespmem:s23+$0x3FC0]  }
0x101: {  	[tilespmem:s23+$0x3F60] =	vst v9;
	v9 =	vmul.f32 v15, v10;
	v13 =	vld [tilespmem:s23+$0x3FD0]  }
0x102: {  	[tilespmem:s23+$0x3F70] =	vst v8;
	v8 =	vmul.f32 v11, v10;
	v11 =	vld [tilespmem:s23+$0x3FE0]  }
0x103: {  	[tilespmem:s23+$0x3F80] =	vst v9;
	v9 =	vmul.f32 v14, v10;
	v14 =	vld [tilespmem:s23+$0x3FF0]  }
0x104: {  	[tilespmem:s23+$0x3F90] =	vst v8;
	v8 =	vmul.f32 v16, v10;
	v15 =	vld [tilespmem:s23+$0x4000]  }
0x105: {  	[tilespmem:s23+$0x3FA0] =	vst v9;
	v9 =	vmul.f32 v12, v10;
	v12 =	vld [tilespmem:s23+$0x4010]  }
0x106: {  	[tilespmem:s23+$0x3FB0] =	vst v8;
	v8 =	vmul.f32 v13, v10;
	v13 =	vld [tilespmem:s23+$0x4020]  }
0x107: {  	[tilespmem:s23+$0x3FC0] =	vst v9;
	v9 =	vmul.f32 v11, v10;
	v11 =	vbroadcast v2, $0x8;
	v16 =	vld [tilespmem:s23+$0x4030]  }
0x108: {  	[tilespmem:s23+$0x3FD0] =	vst v8;
	v8 =	vmul.f32 v14, v10;
	v10 =	vld [tilespmem:s23+$0x4040]  }
0x109: {  	[tilespmem:s23+$0x3FE0] =	vst v9;
	v9 =	vmul.f32 v15, v11;
	v14 =	vld [tilespmem:s23+$0x4050]  }
0x10a: {  	[tilespmem:s23+$0x3FF0] =	vst v8;
	v8 =	vmul.f32 v12, v11;
	v12 =	vld [tilespmem:s23+$0x4060]  }
0x10b: {  	[tilespmem:s23+$0x4000] =	vst v9;
	v9 =	vmul.f32 v13, v11;
	v13 =	vld [tilespmem:s23+$0x4070]  }
0x10c: {  	[tilespmem:s23+$0x4010] =	vst v8;
	v8 =	vmul.f32 v16, v11;
	v15 =	vld [tilespmem:s23+$0x4080]  }
0x10d: {  	[tilespmem:s23+$0x4020] =	vst v9;
	v9 =	vmul.f32 v10, v11;
	v10 =	vld [tilespmem:s23+$0x4090]  }
0x10e: {  	[tilespmem:s23+$0x4030] =	vst v8;
	v8 =	vmul.f32 v14, v11;
	v14 =	vld [tilespmem:s23+$0x40A0]  }
0x10f: {  	[tilespmem:s23+$0x4040] =	vst v9;
	v9 =	vmul.f32 v12, v11;
	v12 =	vbroadcast v2, $0x9;
	v16 =	vld [tilespmem:s23+$0x40B0]  }
0x110: {  	[tilespmem:s23+$0x4050] =	vst v8;
	v8 =	vmul.f32 v13, v11;
	v11 =	vld [tilespmem:s23+$0x40C0]  }
0x111: {  	[tilespmem:s23+$0x4060] =	vst v9;
	v9 =	vmul.f32 v15, v12;
	v13 =	vld [tilespmem:s23+$0x40D0]  }
0x112: {  	[tilespmem:s23+$0x4070] =	vst v8;
	v8 =	vmul.f32 v10, v12;
	v10 =	vld [tilespmem:s23+$0x40E0]  }
0x113: {  	[tilespmem:s23+$0x4080] =	vst v9;
	v9 =	vmul.f32 v14, v12;
	v14 =	vld [tilespmem:s23+$0x40F0]  }
0x114: {  	[tilespmem:s23+$0x4090] =	vst v8;
	v8 =	vmul.f32 v16, v12;
	v15 =	vld [tilespmem:s23+$0x4100]  }
0x115: {  	[tilespmem:s23+$0x40A0] =	vst v9;
	v9 =	vmul.f32 v11, v12;
	v11 =	vld [tilespmem:s23+$0x4110]  }
0x116: {  	[tilespmem:s23+$0x40B0] =	vst v8;
	v8 =	vmul.f32 v13, v12;
	v13 =	vld [tilespmem:s23+$0x4120]  }
0x117: {  	[tilespmem:s23+$0x40C0] =	vst v9;
	v9 =	vmul.f32 v10, v12;
	v10 =	vld [tilespmem:s23+$0x4130]  }
0x118: {  	[tilespmem:s23+$0x40D0] =	vst v8;
	v8 =	vmul.f32 v14, v12;
	v12 =	vld [tilespmem:s23+$0x4140]  }
0x119: {  	[tilespmem:s23+$0x40E0] =	vst v9;
	v9 =	vmul.f32 v15, v5;
	v14 =	vld [tilespmem:s23+$0x4150]  }
0x11a: {  	[tilespmem:s23+$0x40F0] =	vst v8;
	v8 =	vmul.f32 v11, v5;
	v11 =	vld [tilespmem:s23+$0x4160]  }
0x11b: {  	v15 =	vld [tilespmem:s23+$0x3C00];
	[tilespmem:s23+$0x4100] =	vst v9;
	v9 =	vmul.f32 v13, v5  }
0x11c: {  	v13 =	vld [tilespmem:s23+$0x3C10];
	[tilespmem:s23+$0x4110] =	vst v8;
	v8 =	vmul.f32 v10, v5  }
0x11d: {  	v10 =	vld [tilespmem:s23+$0x3C40];
	[tilespmem:s23+$0x4120] =	vst v9;
	v9 =	vmul.f32 v12, v5  }
0x11e: {  	v12 =	vld [tilespmem:s23+$0x3C50];
	[tilespmem:s23+$0x4130] =	vst v8;
	v8 =	vmul.f32 v14, v5  }
0x11f: {  	[tilespmem:s23+$0x4140] =	vst v9;
	v9 =	vmul.f32 v11, v5;
	v11 =	vbroadcast v2, $0xB;
	v14 =	vld [tilespmem:s23+$0x41A0]  }
0x120: {  	v5 =	vbroadcast v2, $0xF;
	v15 =	vmul.f32 v3, v15;
	[tilespmem:s23+$0x4150] =	vst v8;
	v8 =	vld [tilespmem:s23+$0x41B0]  }
0x121: {  	v13 =	vmul.f32 v13, v3;
	[tilespmem:s23+$0x4160] =	vst v9;
	v6 =	vmul.f32 v6, v11;
	v9 =	vld [tilespmem:s23+$0x41C0]  }
0x122: {  	v7 =	vmul.f32 v7, v11;
	[tilespmem:s23+$0x3C00] =	vst v15;
	v10 =	vmul.f32 v10, v3;
	v15 =	vld [tilespmem:s23+$0x41D0]  }
0x123: {  	v4 =	vmul.f32 v4, v5;
	v12 =	vmul.f32 v12, v3;
	[tilespmem:s23+$0x4180] =	vst v6;
	v3 =	vld [tilespmem:s23+$0x41E0]  }
0x124: {  	[tilespmem:s23+$0x4190] =	vst v7;
	v6 =	vmul.f32 v14, v11;
	v7 =	vld [tilespmem:s23+$0x41F0]  }
0x125: {  	v8 =	vmul.f32 v8, v11;
	v14 =	vld [tilespmem:s23+$0x4200];
	[tilespmem:s23+$0x43D0] =	vst v4  }
0x126: {  	[tilespmem:s23+$0x3C10] =	vst v13;
	v4 =	vmul.f32 v9, v11;
	v9 =	vld [tilespmem:s23+$0x4210]  }
0x127: {  	[tilespmem:s23+$0x3C40] =	vst v10;
	v10 =	vmul.f32 v15, v11;
	v13 =	vld [tilespmem:s23+$0x4220]  }
0x128: {  	v15 =	vbroadcast v2, $0xC;
	[tilespmem:s23+$0x41A0] =	vst v6;
	v6 =	vmul.f32 v3, v11;
	v16 =	vld [tilespmem:s23+$0x4230]  }
0x129: {  	[tilespmem:s23+$0x41D0] =	vst v10;
	v7 =	vmul.f32 v7, v11;
	v10 =	vld [tilespmem:s23+$0x4240]  }
0x12a: {  	[tilespmem:s23+$0x41B0] =	vst v8;
	v3 =	vmul.f32 v14, v15;
	v8 =	vld [tilespmem:s23+$0x4250]  }
0x12b: {  	[tilespmem:s23+$0x41C0] =	vst v4;
	v4 =	vmul.f32 v9, v15;
	v9 =	vld [tilespmem:s23+$0x4260]  }
0x12c: {  	[tilespmem:s23+$0x4200] =	vst v3;
	v3 =	vmul.f32 v13, v15;
	v11 =	vld [tilespmem:s23+$0x4270]  }
0x12d: {  	[tilespmem:s23+$0x4210] =	vst v4;
	v4 =	vld [tilespmem:s23+$0x4280]  }
0x12e: {  	[tilespmem:s23+$0x3C50] =	vst v12;
	v10 =	vmul.f32 v10, v15;
	v12 =	vld [tilespmem:s23+$0x4290]  }
0x12f: {  	[tilespmem:s23+$0x41E0] =	vst v6;
	v6 =	vmul.f32 v8, v15;
	v8 =	vld [tilespmem:s23+$0x42A0]  }
0x130: {  	[tilespmem:s23+$0x4240] =	vst v10;
	v9 =	vmul.f32 v9, v15;
	v10 =	vbroadcast v2, $0xD;
	v13 =	vld [tilespmem:s23+$0x42B0]  }
0x131: {  	[tilespmem:s23+$0x4250] =	vst v6;
	v6 =	vmul.f32 v11, v15;
	v11 =	vld [tilespmem:s23+$0x42C0]  }
0x132: {  	[tilespmem:s23+$0x4260] =	vst v9;
	v4 =	vmul.f32 v4, v10;
	v9 =	vld [tilespmem:s23+$0x42D0]  }
0x133: {  	[tilespmem:s23+$0x4270] =	vst v6;
	v6 =	vmul.f32 v12, v10;
	v12 =	vld [tilespmem:s23+$0x42E0]  }
0x134: {  	[tilespmem:s23+$0x4280] =	vst v4;
	v4 =	vmul.f32 v8, v10;
	v8 =	vld [tilespmem:s23+$0x42F0]  }
0x135: {  	[tilespmem:s23+$0x4290] =	vst v6;
	v6 =	vmul.f32 v13, v10;
	v13 =	vld [tilespmem:s23+$0x4300]  }
0x136: {  	[tilespmem:s23+$0x42A0] =	vst v4;
	v4 =	vmul.f32 v11, v10;
	v11 =	vld [tilespmem:s23+$0x4310]  }
0x137: {  	[tilespmem:s23+$0x42B0] =	vst v6;
	v6 =	vmul.f32 v9, v10;
	v9 =	vld [tilespmem:s23+$0x4320]  }
0x138: {  	v2 =	vbroadcast v2, $0xE;
	[tilespmem:s23+$0x41F0] =	vst v7;
	v7 =	vmul.f32 v12, v10;
	v12 =	vld [tilespmem:s23+$0x4330]  }
0x139: {  	[tilespmem:s23+$0x42D0] =	vst v6;
	v6 =	vmul.f32 v8, v10;
	v8 =	vld [tilespmem:s23+$0x4340]  }
0x13a: {  	[tilespmem:s23+$0x42E0] =	vst v7;
	v7 =	vmul.f32 v13, v2;
	v10 =	vld [tilespmem:s23+$0x4350]  }
0x13b: {  	[tilespmem:s23+$0x42F0] =	vst v6;
	v6 =	vmul.f32 v11, v2;
	v11 =	vld [tilespmem:s23+$0x4360]  }
0x13c: {  	[tilespmem:s23+$0x4300] =	vst v7;
	v7 =	vmul.f32 v9, v2;
	v9 =	vld [tilespmem:s23+$0x4370]  }
0x13d: {  	[tilespmem:s23+$0x4310] =	vst v6;
	v6 =	vmul.f32 v12, v2;
	v12 =	vld [tilespmem:s23+$0x4380]  }
0x13e: {  	[tilespmem:s23+$0x4320] =	vst v7;
	v7 =	vmul.f32 v8, v2;
	v8 =	vld [tilespmem:s23+$0x4390]  }
0x13f: {  	[tilespmem:s23+$0x4330] =	vst v6;
	v6 =	vmul.f32 v10, v2;
	v10 =	vld [tilespmem:s23+$0x43A0]  }
0x140: {  	[tilespmem:s23+$0x4340] =	vst v7;
	v7 =	vmul.f32 v11, v2;
	v11 =	vld [tilespmem:s23+$0x43B0]  }
0x141: {  	[tilespmem:s23+$0x42C0] =	vst v4;
	v2 =	vmul.f32 v9, v2;
	v4 =	vld [tilespmem:s23+$0x43C0]  }
0x142: {  	[tilespmem:s23+$0x4360] =	vst v7;
	v7 =	vmul.f32 v12, v5;
	v9 =	vld [tilespmem:s23+$0x43E0]  }
0x143: {  	[tilespmem:s23+$0x4370] =	vst v2;
	v2 =	vmul.f32 v8, v5;
	v8 =	vld [tilespmem:s23+$0x43F0]  }
0x144: {  	[tilespmem:s23+$0x4380] =	vst v7;
	v7 =	vmul.f32 v10, v5  }
0x145: {  	[tilespmem:s23+$0x4390] =	vst v2;
	v2 =	vmul.f32 v11, v5  }
0x146: {  	v10 =	vmul.f32 v16, v15;
	[tilespmem:s23+$0x43A0] =	vst v7  }
0x147: {  	[tilespmem:s23+$0x43B0] =	vst v2;
	v2 =	vmul.f32 v4, v5  }
.Ltmp2:
0x148: {  	[tilespmem:s23+$0x4230] =	vst v10;
	v4 =	vmul.f32 v8, v5;
	(pc) =	sbr.rel @p1 .LBB2_8-.Ltmp2, $4  }
0x149: {  	[tilespmem:s23+$0x43C0] =	vst v2  }
0x14a: {  	v2 =	vmul.f32 v9, v5;
	[tilespmem:s23+$0x43F0] =	vst v4  }
0x14b: {  	[tilespmem:s23+$0x4350] =	vst v6  }
0x14c: {  	[tilespmem:s23+$0x43E0] =	vst v2  }
0x14d: {  	s21 =	sadd.s32 $0x1, s21  }
0x14e: {  	p1 =	sne.s32 s21, $0x28  }
.Ltmp3:
0x14f: {  	[tilespmem:s23+$0x4220] =	vst v3;
	s22 =	sadd.s32 $0x1400, s22;
	(pc) =	sbr.rel @p1 .LBB2_7-.Ltmp3, $4  }
0x150: {  	[spmem:s3] =	stream.indirect.scatter.add.f32 [tilespmem:s17], [sflag:$0x1], $0x80, s22, s16, $0xb8;
	[tilespmem:$0x1C400] =	vst v63  }
0x151: {  	_ =	swait.ge [sflag:s13], $0x4000  }
0x152: {  	[sflag:s13] =	ssyncset.done $0x0  }
0x153: {  	[sflag:s13] =	ssyncadd.s32 $0xFFFFC000  }
.Ltmp4:
0x154: {  	(pc) =	sbr.rel @p0 .LBB2_6-.Ltmp4, $2  }
0x155: {  	_ =	sdelay $0x2  }
0x156: {  	s21 =	simm.s32 $0x28;
	p1 =	por $0x0, $0x0  }
0x157: {  	s4 =	sadd.s32 $0x1, s4  }
0x158: {  	p0 =	sne.s32 s4, s11  }
.Ltmp5:
0x159: {  	[bflag:$0x0] =	sbarrier.arrive $0xFFFF;
	(pc) =	sbr.rel @p0 .LBB2_1-.Ltmp5, $4  }
0x15a: {  	[hbm:s10], [sflag:s18] =	dma.local [spmem:s19], $0x2800  }
0x15b: {  	_ =	swait.ge [sflag:s13], $0x2800  }
0x15c: {  	[sflag:s13] =	ssyncset.done $0x0  }
0x15d: {  	[sflag:s13] =	ssyncadd.s32 $0xFFFFD800  }
0x15e: {  	_ =	sfence.sel $0x180000  }
0x15f: {  	[bflag:$0x0] =	sbarrier.arrive $0xFFFF  }
0x160: {  	p0 =	sne.s32 s1, $0x0;
	_ =	strace $0x9000004A  }
0x161: {  	s0 =	sadd.s32 @!p0 $0x100000, s0;
	[bflag:$0x2] =	sbarrier.arrive $0xFFFF  }
0x162: {  	[sflag:s0] =	ssyncadd.tile.s32 @!p0 $0x1;
	_ =	shalt  }
.Lfunc_end2:
_tile_overlayer_lowered:
.L_overlay_start_2:
0x163: {  	(tag) =	ssettag $0x2  }
0x164: {  	s0 =	rddreg [dreg:$0x0];
	s2 =	stileid.u32  }
0x165: {  	s1 =	rddreg [dreg:$0x1];
	p0 =	sne.s32 s2, $0x0  }
0x166: {  	s3 =	rddreg [dreg:$0x2];
	[bflag:$0x3] =	sbarrier.arrive $0xFFFF;
	s2 =	simm.s32 @!p0 $0x1C01  }
0x167: {  	[timem:s3], [sflag:s2] =	dma.local @!p0 [hbm:s0], s1  }
0x168: {  	s0 =	simm.s32 @!p0 $0x1  }
0x169: {  	_ =	swait.ge @!p0 [sflag:s0], s1  }
0x16a: {  	s1 =	ssub.s32 @!p0 $0x0, s1;
	[sflag:s0] =	ssyncset.done @!p0 $0x0  }
0x16b: {  	[sflag:s0] =	ssyncadd.s32 @!p0 s1  }
0x16c: {  	[bflag:$0x3] =	sbarrier.arrive $0xFFFF  }
0x16d: {  	_ =	shalt  }

</sc_bundles>
